<compile_context>
chip_gen: v7x
topology: tpu7x:2x2x1
jax: 0.10.2.dev20260603
libtpu: 0.0.44.dev20260713+nightly
codegen_flags: <defaults>
</compile_context>

<pallas_src>
import functools

import jax
import jax.numpy as jnp
from jax import lax
from jax.experimental import pallas as pl
from jax.experimental.pallas import tpu as pltpu
from jax.experimental.pallas import tpu_sc as plsc

_B, _Z, _Y, _X = 2, 16, 64, 64
_BZ = _B * _Z
_YX = _Y * _X
_NSITE = _BZ * _YX
_CMID = 32
_EPS = 1e-3
_NW = 32
_CHUNK = 128



_SUP = 512


def _sc_gather_rows(table, idx2d, scale, shift):
    P = idx2d.shape[0] * _CHUNK
    per_w = P // _NW
    n_sup = per_w // _SUP
    mesh = plsc.VectorSubcoreMesh(core_axis_name="c", subcore_axis_name="s")

    @functools.partial(
        pl.kernel, mesh=mesh,
        out_type=jax.ShapeDtypeStruct((P, 32), jnp.float32),
        scratch_types=[
            pltpu.VMEM((4, _CHUNK), jnp.int32),
            pltpu.VMEM((_SUP, 32), jnp.float32),
            pltpu.VMEM((32,), jnp.float32),
            pltpu.VMEM((32,), jnp.float32),
            pltpu.SemaphoreType.DMA,
        ],
        compiler_params=pltpu.CompilerParams(use_tc_tiling_on_sc=False),
    )
    def k(table_h, idx_h, sc_h, sh_h, out_h, idx_v, rows_v, sc_v, sh_v, sem):
        wid = lax.axis_index("s") * 2 + lax.axis_index("c")
        base = wid * per_w
        pltpu.sync_copy(sc_h, sc_v)
        pltpu.sync_copy(sh_h, sh_v)
        sa = sc_v[pl.ds(0, 16)]
        sb = sc_v[pl.ds(16, 16)]
        ha = sh_v[pl.ds(0, 16)]
        hb = sh_v[pl.ds(16, 16)]

        def sup(t, carry):
            b = base + t * _SUP
            pltpu.sync_copy(idx_h.at[pl.ds(b // _CHUNK, 4)], idx_v)
            hs = [pltpu.async_copy(
                table_h.at[idx_v.at[kk]],
                rows_v.at[pl.ds(kk * _CHUNK, _CHUNK)], sem)
                for kk in range(4)]
            for h in hs:
                h.wait()

            def row(r, c2):
                a = rows_v[r, pl.ds(0, 16)]
                rows_v[r, pl.ds(0, 16)] = jnp.maximum(a * sa + ha, 0.0)
                bv = rows_v[r, pl.ds(16, 16)]
                rows_v[r, pl.ds(16, 16)] = jnp.maximum(bv * sb + hb, 0.0)
                return c2

            lax.fori_loop(0, _SUP, row, 0)
            pltpu.sync_copy(rows_v, out_h.at[pl.ds(b, _SUP)])
            return carry

        lax.fori_loop(0, n_sup, sup, 0)

    return k(table, idx2d, scale, shift)


_NSL = 34
_NROW = _NSL * _YX
_HALF = 17 * _YX
_P0 = 32768


def _sc_scatter_dense(vf_pad, idx2c):
    per_tile = _HALF // 16
    n_sup = _P0 // (16 * _SUP)
    mesh = plsc.VectorSubcoreMesh(core_axis_name="c", subcore_axis_name="s")

    @functools.partial(
        pl.kernel, mesh=mesh,
        out_type=(jax.ShapeDtypeStruct((_NROW, 16), jnp.float32),
                  jax.ShapeDtypeStruct((_NROW, 16), jnp.float32)),
        scratch_types=[
            pltpu.VMEM((_SUP, 16), jnp.float32),
            pltpu.VMEM((_CHUNK, 16), jnp.float32),
            pltpu.VMEM((4, _CHUNK), jnp.int32),
            pltpu.VMEM((_SUP, 16), jnp.float32),
            pltpu.SemaphoreType.DMA,
        ],
        compiler_params=pltpu.CompilerParams(use_tc_tiling_on_sc=False),
    )
    def k(vf_h, idx_h, feat_h, mask_h, zb_v, ob_v, idx_v, rows_v, sem):
        c = lax.axis_index("c")
        s = lax.axis_index("s")

        def init(i, carry):
            zb_v[i, :] = jnp.zeros((16,), jnp.float32)
            return carry

        lax.fori_loop(0, _SUP, init, 0)

        def init1(i, carry):
            ob_v[i, :] = jnp.ones((16,), jnp.float32)
            return carry

        lax.fori_loop(0, _CHUNK, init1, 0)

        fb = c * _HALF + s * per_tile
        def fill(i, carry):
            r = fb + i * _SUP
            pltpu.sync_copy(zb_v, feat_h.at[pl.ds(r, _SUP)])
            pltpu.sync_copy(zb_v, mask_h.at[pl.ds(r, _SUP)])
            return carry

        lax.fori_loop(0, per_tile // _SUP, fill, 0)
        rrem = fb + (per_tile // _SUP) * _SUP
        pltpu.sync_copy(zb_v.at[pl.ds(0, per_tile % _SUP)],
                        feat_h.at[pl.ds(rrem, per_tile % _SUP)])
        pltpu.sync_copy(zb_v.at[pl.ds(0, per_tile % _SUP)],
                        mask_h.at[pl.ds(rrem, per_tile % _SUP)])
        plsc.subcore_barrier()

        sb = s * (_P0 // 16)
        def sup(t, carry):
            b = sb + t * _SUP
            pltpu.sync_copy(idx_h.at[c, pl.ds(b // _CHUNK, 4)], idx_v)
            pltpu.sync_copy(vf_h.at[pl.ds(b, _SUP)], rows_v)
            hs = []
            for kk in range(4):
                hs.append(pltpu.async_copy(
                    rows_v.at[pl.ds(kk * _CHUNK, _CHUNK)],
                    feat_h.at[idx_v.at[kk]], sem))
                hs.append(pltpu.async_copy(
                    ob_v, mask_h.at[idx_v.at[kk]], sem))
            for h in hs:
                h.wait()
            return carry

        lax.fori_loop(0, n_sup, sup, 0)

    return k(vf_pad, idx2c)



def _shift_lanes(x, o):
    c = x.shape[0]
    if o > 0:
        return jnp.concatenate(
            [x[:, o:], jnp.zeros((c, o), jnp.float32)], axis=1)
    if o < 0:
        return jnp.concatenate(
            [jnp.zeros((c, -o), jnp.float32), x[:, :o]], axis=1)
    return x


def _conv_body(kind, cin, *refs):
    scsh_ref = None
    if kind == "first":
        (x_in, m_in, w_ref, out_ref, maskout_ref, stats_ref,
         ring_x, ring_m) = refs
    elif kind == "dilate":
        (x_in, m_in, st_ref, g_ref, b_ref, w_ref,
         out_ref, maskout_ref, stats_ref, ring_x, ring_m) = refs
    elif kind == "last":
        (x_in, m_in, st_ref, g_ref, b_ref, gn_ref, bn_ref, w_ref,
         out_ref, stats_ref, scsh_ref, ring_x, ring_m) = refs
        maskout_ref = None
    else:
        (x_in, m_in, st_ref, g_ref, b_ref, w_ref,
         out_ref, stats_ref, ring_x, ring_m) = refs
        maskout_ref = None

    i = pl.program_id(0)
    lanes = lax.broadcasted_iota(jnp.int32, (1, _YX), 1) % _X
    xmask_m = (lanes != 0).astype(jnp.float32)
    xmask_p = (lanes != (_X - 1)).astype(jnp.float32)
    dilate = kind in ("first", "dilate")

    if kind == "first":
        feats = x_in[0].T
        m_raw = m_in[0].T[0:1]
    else:
        st = st_ref[...]
        mu = st[1:2] / st[0:1]
        var = st[2:3] / st[0:1] - mu * mu
        scl = g_ref[...] * lax.rsqrt(var + _EPS)
        shf = b_ref[...] - mu * scl
        m_raw = m_in[0]
        feats = jnp.maximum(
            x_in[0] * scl.T + shf.T, 0.0) * m_raw
    xstack = jnp.concatenate(
        [_shift_lanes(feats, -1) * xmask_m, feats,
         _shift_lanes(feats, 1) * xmask_p], axis=0)
    if dilate:
        mmax = jnp.maximum(
            jnp.maximum(_shift_lanes(m_raw, -1) * xmask_m, m_raw),
            _shift_lanes(m_raw, 1) * xmask_p)
        mstack = jnp.concatenate([m_raw, mmax], axis=0)
    else:
        mstack = m_raw
    mrows = mstack.shape[0]
    sl_new = jnp.remainder(i, 3)
    ring_x[pl.ds(sl_new, 1)] = xstack.reshape(1, 3 * cin, _YX)
    ring_m[pl.ds(sl_new, 1)] = mstack.reshape(1, mrows, _YX)

    @pl.when(i == 0)
    def _():
        ring_x[pl.ds(2, 1)] = jnp.zeros((1, 3 * cin, _YX), jnp.float32)
        ring_m[pl.ds(2, 1)] = jnp.zeros((1, mrows, _YX), jnp.float32)
        stats_ref[...] = jnp.zeros((3, _CMID), jnp.float32)

    @pl.when(i > 0)
    def _():
        zi = i - 1
        vzm = jnp.where((zi % _Z) != 0, 1.0, 0.0)
        vzp = jnp.where((zi % _Z) != (_Z - 1), 1.0, 0.0)
        s_m = jnp.remainder(i - 2, 3)
        s_0 = jnp.remainder(i - 1, 3)
        s_p = sl_new
        xcat = jnp.concatenate(
            [ring_x[pl.ds(s_m, 1)][0] * vzm,
             ring_x[pl.ds(s_0, 1)][0],
             ring_x[pl.ds(s_p, 1)][0] * vzp], axis=0)
        acc = None
        for dyi, dy in enumerate((-1, 0, 1)):
            k0 = dyi * 9 * cin
            s_dy = lax.dot_general(
                w_ref[:, k0:k0 + 9 * cin], xcat, (((1,), (0,)), ((), ())),
                preferred_element_type=jnp.float32)
            s_dy = _shift_lanes(s_dy, _X * dy)
            acc = s_dy if acc is None else acc + s_dy

        if dilate:
            mdz = jnp.maximum(
                jnp.maximum(ring_m[pl.ds(s_m, 1)][0, 1:2] * vzm,
                            ring_m[pl.ds(s_0, 1)][0, 1:2]),
                ring_m[pl.ds(s_p, 1)][0, 1:2] * vzp)
            m_out = jnp.maximum(
                jnp.maximum(_shift_lanes(mdz, -_X), mdz),
                _shift_lanes(mdz, _X))
            maskout_ref[0] = m_out
        else:
            m_out = ring_m[pl.ds(s_0, 1)][0, 0:1]

        if kind == "last":
            out_ref[0] = acc.T
        else:
            out_ref[0] = acc

        n = jnp.sum(m_out)
        s1 = jnp.sum(acc * m_out, axis=1)
        s2 = jnp.sum(acc * acc * m_out, axis=1)
        stats_ref[...] += jnp.concatenate(
            [jnp.broadcast_to(n, (1, _CMID)),
             s1.reshape(1, _CMID), s2.reshape(1, _CMID)], axis=0)

        if kind == "last":
            @pl.when(i == _BZ)
            def _():
                st6 = stats_ref[...]
                mu6 = st6[1:2] / st6[0:1]
                var6 = st6[2:3] / st6[0:1] - mu6 * mu6
                sc6 = gn_ref[...] * lax.rsqrt(var6 + _EPS)
                scsh_ref[...] = jnp.concatenate(
                    [sc6, bn_ref[...] - mu6 * sc6], axis=0)


def _conv_layer(x, mask, scale, shift, wmat, kind, cin):
    def zin(i):
        return (jnp.clip(i, 0, _BZ - 1), 0, 0)

    def zin34(i):
        t = jnp.clip(i, 0, _BZ - 1)
        return (t + (t >= 16).astype(jnp.int32), 0, 0)

    def zout(i):
        return (jnp.clip(i - 1, 0, _BZ - 1), 0, 0)

    if kind == "first":
        xspec = pl.BlockSpec((1, _YX, 16), zin34)
        mspec = pl.BlockSpec((1, _YX, 16), zin34)
    else:
        xspec = pl.BlockSpec((1, _CMID, _YX), zin)
        mspec = pl.BlockSpec((1, 1, _YX), zin)
    full2 = lambda shape: pl.BlockSpec(shape, lambda i: (0, 0))

    in_specs = [xspec, mspec]
    inputs = [x, mask]
    if kind != "first":
        st_prev, g_prev, b_prev = scale
        in_specs += [full2((3, cin)), full2((1, cin)), full2((1, cin))]
        inputs += [st_prev, g_prev.reshape(1, cin), b_prev.reshape(1, cin)]
    if kind == "last":
        gn, bn = shift
        in_specs += [full2((1, _CMID)), full2((1, _CMID))]
        inputs += [gn.reshape(1, _CMID), bn.reshape(1, _CMID)]
    in_specs.append(full2(wmat.shape))
    inputs.append(wmat)
    mrows = 2 if kind in ("first", "dilate") else 1
    scratch_shapes = [
        pltpu.VMEM((3, 3 * cin, _YX), jnp.float32),
        pltpu.VMEM((3, mrows, _YX), jnp.float32),
    ]

    if kind == "last":
        out_shape = [jax.ShapeDtypeStruct((_BZ, _YX, _CMID), jnp.float32)]
        out_specs = [pl.BlockSpec((1, _YX, _CMID), zout)]
    else:
        out_shape = [jax.ShapeDtypeStruct((_BZ, _CMID, _YX), jnp.float32)]
        out_specs = [pl.BlockSpec((1, _CMID, _YX), zout)]
    if kind in ("first", "dilate"):
        out_shape.append(jax.ShapeDtypeStruct((_BZ, 1, _YX), jnp.float32))
        out_specs.append(pl.BlockSpec((1, 1, _YX), zout))
    out_shape.append(jax.ShapeDtypeStruct((3, _CMID), jnp.float32))
    out_specs.append(pl.BlockSpec((3, _CMID), lambda i: (0, 0)))
    if kind == "last":
        out_shape.append(jax.ShapeDtypeStruct((2, _CMID), jnp.float32))
        out_specs.append(pl.BlockSpec((2, _CMID), lambda i: (0, 0)))

    outs = pl.pallas_call(
        functools.partial(_conv_body, kind, cin),
        grid=(_BZ + 1,),
        in_specs=in_specs,
        out_specs=out_specs,
        out_shape=out_shape,
        scratch_shapes=scratch_shapes,
    )(*inputs)

    if kind in ("first", "dilate"):
        out, mask_out, stats = outs
        return out, mask_out, stats
    if kind == "last":
        out, stats, scsh = outs
        return out, scsh, stats
    out, stats = outs
    return out, mask, stats


def _flatten_coords(c):
    return ((c[:, 0] * _Z + c[:, 1]) * _Y + c[:, 2]) * _X + c[:, 3]


def kernel(voxel_features, voxel_indices, coords1, coords2, W1a, g1a, b1a,
           W1b, g1b, b1b, W1c, g1c, b1c, W2a, g2a, b2a, W2b, g2b, b2b,
           W2c, g2c, b2c):
    n0 = voxel_features.shape[0]
    n2 = coords2.shape[0]

    flat0 = _flatten_coords(voxel_indices)
    row = flat0 + _YX * (flat0 >= 16 * _YX).astype(jnp.int32)
    rowp = jnp.concatenate(
        [row, jnp.full((_P0 - n0,), -1, jnp.int32)])
    jm = jnp.arange(_P0, dtype=jnp.int32) % _YX
    idx2c = jnp.stack([
        jnp.where((rowp >= 0) & (rowp < _HALF), rowp, 16 * _YX + jm),
        jnp.where(rowp >= _HALF, rowp, 33 * _YX + jm),
    ]).reshape(2, _P0 // _CHUNK, _CHUNK)
    vf_pad = jnp.concatenate(
        [voxel_features, jnp.zeros((_P0 - n0, 16), jnp.float32)])

    feat_d, mask_d = _sc_scatter_dense(vf_pad, idx2c)
    x0 = feat_d.reshape(_NSL, _YX, 16)
    m0 = mask_d.reshape(_NSL, _YX, 16)

    def wm(W, cin):
        return W.reshape(3, 3, 3, cin, _CMID).transpose(
            1, 0, 2, 3, 4).reshape(27 * cin, _CMID).T

    o1, m1, s1 = _conv_layer(x0, m0, None, None, wm(W1a, 16), "first", 16)
    o2, _, s2 = _conv_layer(o1, m1, (s1, g1a, b1a), None,
                            wm(W1b, _CMID), "mid", _CMID)
    o3, _, s3 = _conv_layer(o2, m1, (s2, g1b, b1b), None,
                            wm(W1c, _CMID), "mid", _CMID)
    o4, m2, s4 = _conv_layer(o3, m1, (s3, g1c, b1c), None,
                             wm(W2a, _CMID), "dilate", _CMID)
    o5, _, s5 = _conv_layer(o4, m2, (s4, g2a, b2a), None,
                            wm(W2b, _CMID), "mid", _CMID)
    o6, scsh6, s6 = _conv_layer(o5, m2, (s5, g2b, b2b), (g2c, b2c),
                                wm(W2c, _CMID), "last", _CMID)

    flat2 = _flatten_coords(coords2)
    p2 = ((n2 + _NW * _SUP - 1) // (_NW * _SUP)) * (_NW * _SUP)
    idx2 = jnp.concatenate(
        [flat2, jnp.zeros((p2 - n2,), jnp.int32)]) if p2 != n2 else flat2
    rows6 = o6.reshape(_NSITE, _CMID)
    out = _sc_gather_rows(rows6, idx2.reshape(p2 // _CHUNK, _CHUNK),
                          scsh6[0], scsh6[1])
    return out[:n2]

# --- scband reference (transcript-rebuilt; emitter-appended) ---
"""Pipeline reference for scband-sparse-backbone3-d-51367808860453 (READ-ONLY COPY).

The authoritative reference and input builder live on the scoring server;
editing this copy changes nothing except your own understanding.
"""

import jax, jax.numpy as jnp
import numpy as np

B, Z, Y, X = 2, 16, 64, 64
CIN, CMID = 16, 32
N0 = 30000
EPS = 1e-3

def _unflatten(flat):
    b = flat // (Z * Y * X); r = flat % (Z * Y * X)
    z = r // (Y * X); r = r % (Y * X)
    y = r // X; x = r % X
    return np.stack([b, z, y, x], 1).astype(np.int32)

def _make_coords():
    rng = np.random.default_rng(0)
    flat = np.sort(rng.choice(B * Z * Y * X, size=N0, replace=False))
    return _unflatten(flat)

def _dilate(coords):
    outs = []
    for dz in (-1, 0, 1):
        for dy in (-1, 0, 1):
            for dx in (-1, 0, 1):
                c = coords.copy()
                c[:, 1] += dz; c[:, 2] += dy; c[:, 3] += dx
                m = ((c[:, 1] >= 0) & (c[:, 1] < Z) & (c[:, 2] >= 0) & (c[:, 2] < Y)
                     & (c[:, 3] >= 0) & (c[:, 3] < X))
                outs.append(c[m])
    allc = np.concatenate(outs, 0)
    flat = ((allc[:, 0] * Z + allc[:, 1]) * Y + allc[:, 2]) * X + allc[:, 3]
    return _unflatten(np.unique(flat))

def setup_inputs(seed: int = 0):
    key = jax.random.key(seed)
    ks = jax.random.split(key, 8)
    coords0 = _make_coords()
    coords1 = _dilate(coords0)
    coords2 = _dilate(coords1)
    inp = {
        'voxel_features': jax.random.normal(ks[0], (N0, CIN), jnp.float32),
        'voxel_indices': jnp.asarray(coords0, jnp.int32),
        'coords1': jnp.asarray(coords1, jnp.int32),
        'coords2': jnp.asarray(coords2, jnp.int32),
    }
    names = ['1a', '1b', '1c', '2a', '2b', '2c']
    cins = [CIN, CMID, CMID, CMID, CMID, CMID]
    for i, (nm, ci) in enumerate(zip(names, cins)):
        inp['W' + nm] = jax.random.normal(ks[i + 1], (27, ci, CMID), jnp.float32) / np.sqrt(27.0 * ci)
        inp['g' + nm] = jnp.ones((CMID,), jnp.float32)
        inp['b' + nm] = jnp.zeros((CMID,), jnp.float32)
    return inp

def _sp_conv(feats, cin, cout, W):
    n_in = feats.shape[0]
    vol = jnp.full((B * Z * Y * X,), -1, jnp.int32)
    flat_in = ((cin[:, 0] * Z + cin[:, 1]) * Y + cin[:, 2]) * X + cin[:, 3]
    vol = vol.at[flat_in].set(jnp.arange(n_in, dtype=jnp.int32))
    out = jnp.zeros((cout.shape[0], W.shape[-1]), feats.dtype)
    k = 0
    for dz in (-1, 0, 1):
        for dy in (-1, 0, 1):
            for dx in (-1, 0, 1):
                z = cout[:, 1] + dz; y = cout[:, 2] + dy; x = cout[:, 3] + dx
                valid = (z >= 0) & (z < Z) & (y >= 0) & (y < Y) & (x >= 0) & (x < X)
                zc = jnp.clip(z, 0, Z - 1); yc = jnp.clip(y, 0, Y - 1); xc = jnp.clip(x, 0, X - 1)
                flat = ((cout[:, 0] * Z + zc) * Y + yc) * X + xc
                nbr = vol[flat]
                valid = valid & (nbr >= 0)
                g = feats[jnp.where(valid, nbr, 0)] * valid[:, None].astype(feats.dtype)
                out = out + g @ W[k]
                k += 1
    return out

def _bn_relu(x, g, b):
    mu = jnp.mean(x, 0)
    var = jnp.mean((x - mu) ** 2, 0)
    return jax.nn.relu((x - mu) / jnp.sqrt(var + EPS) * g + b)

def reference(voxel_features, voxel_indices, coords1, coords2, W1a, g1a, b1a, W1b, g1b, b1b, W1c, g1c, b1c, W2a, g2a, b2a, W2b, g2b, b2b, W2c, g2c, b2c):
    x = _bn_relu(_sp_conv(voxel_features, voxel_indices, coords1, W1a), g1a, b1a)
    x = _bn_relu(_sp_conv(x, coords1, coords1, W1b), g1b, b1b)
    x = _bn_relu(_sp_conv(x, coords1, coords1, W1c), g1c, b1c)
    x = _bn_relu(_sp_conv(x, coords1, coords2, W2a), g2a, b2a)
    x = _bn_relu(_sp_conv(x, coords2, coords2, W2b), g2b, b2b)
    x = _bn_relu(_sp_conv(x, coords2, coords2, W2c), g2c, b2c)
    return x

if __name__ == "__main__":
    import jax
    _d = setup_inputs()
    print(jax.jit(kernel)(*tuple(_d.values())))

</pallas_src>

<mosaic_0001>
#map = affine_map<(d0, d1) -> (0, 0)>
#map1 = affine_map<(d0, d1) -> (0, 0, 0)>
module attributes {stable_mosaic.version = 14 : i64} {
  func.func @k(%arg0: i32, %arg1: i32, %arg2: memref<32768x16xf32, #tpu.memory_space<hbm>>, %arg3: memref<2x256x128xi32, #tpu.memory_space<hbm>>, %arg4: memref<139264x16xf32, #tpu.memory_space<hbm>>, %arg5: memref<139264x16xf32, #tpu.memory_space<hbm>>, %arg6: memref<512x16xf32, #tpu.memory_space<vmem>>, %arg7: memref<128x16xf32, #tpu.memory_space<vmem>>, %arg8: memref<4x128xi32, #tpu.memory_space<vmem>>, %arg9: memref<512x16xf32, #tpu.memory_space<vmem>>, %arg10: memref<!tpu.dma_semaphore, #tpu.memory_space<semaphore_mem>>) attributes {dimension_semantics = [#tpu.dimension_semantics<core_parallel>, #tpu.dimension_semantics<subcore_parallel>], iteration_bounds = array<i64: 2, 16>, scalar_prefetch = 0 : i64, scratch_operands = 5 : i64, tpu.core_type = #tpu.core_type<sc_vector_subcore>, window_params = [{transform_indices = #map}, {transform_indices = #map1}, {transform_indices = #map}, {transform_indices = #map}]} {
    %scan3A = arith.constant 0 : i32
    %scan3A_0 = arith.constant 0 : i32
    %scan3A_1 = arith.constant 512 : i32
    %scan3A_2 = arith.addi %scan3A_0, %scan3A_1 : i32
    %scan3A_3 = arith.constant 1 : i32
    scf.for %scan3A_30 = %scan3A_0 to %scan3A_2 step %scan3A_3  : i32 {
      %broadcast_in_dim3A = arith.constant 0.000000e+00 : f32
      %broadcast_in_dim3A_31 = vector.broadcast %broadcast_in_dim3A : f32 to vector<16xf32>
      %swap3A = arith.index_cast %scan3A_30 : i32 to index
      %swap3A_32 = arith.constant 0 : index
      %swap3A_33 = tpu.vector_load %arg6[%swap3A, %swap3A_32] {strides = array<i32>} : memref<512x16xf32, #tpu.memory_space<vmem>>, vector<1x16xf32>,
      %swap3A_34 = vector.shape_cast %swap3A_33 : vector<1x16xf32> to vector<16xf32>
      %swap3A_35 = vector.shape_cast %broadcast_in_dim3A_31 : vector<16xf32> to vector<1x16xf32>
      tpu.vector_store %arg6[%swap3A, %swap3A_32], %swap3A_35 {strides = array<i32>} : memref<512x16xf32, #tpu.memory_space<vmem>>, vector<1x16xf32>,
    }
    %scan3A_4 = arith.constant 512 : i32
    %scan3A_5 = arith.constant 0 : i32
    %scan3A_6 = arith.constant 0 : i32
    %scan3A_7 = arith.constant 128 : i32
    %scan3A_8 = arith.addi %scan3A_6, %scan3A_7 : i32
    %scan3A_9 = arith.constant 1 : i32
    scf.for %scan3A_30 = %scan3A_6 to %scan3A_8 step %scan3A_9  : i32 {
      %broadcast_in_dim3A = arith.constant 1.000000e+00 : f32
      %broadcast_in_dim3A_31 = vector.broadcast %broadcast_in_dim3A : f32 to vector<16xf32>
      %swap3A = arith.index_cast %scan3A_30 : i32 to index
      %swap3A_32 = arith.constant 0 : index
      %swap3A_33 = tpu.vector_load %arg7[%swap3A, %swap3A_32] {strides = array<i32>} : memref<128x16xf32, #tpu.memory_space<vmem>>, vector<1x16xf32>,
      %swap3A_34 = vector.shape_cast %swap3A_33 : vector<1x16xf32> to vector<16xf32>
      %swap3A_35 = vector.shape_cast %broadcast_in_dim3A_31 : vector<16xf32> to vector<1x16xf32>
      tpu.vector_store %arg7[%swap3A, %swap3A_32], %swap3A_35 {strides = array<i32>} : memref<128x16xf32, #tpu.memory_space<vmem>>, vector<1x16xf32>,
    }
    %scan3A_10 = arith.constant 128 : i32
    %mul3A = arith.constant 69632 : i32
    %mul3A_11 = arith.muli %arg0, %mul3A : i32
    %mul3A_12 = arith.constant 4352 : i32
    %mul3A_13 = arith.muli %arg1, %mul3A_12 : i32
    %add3A = arith.addi %mul3A_11, %mul3A_13 : i32
    %scan3A_14 = arith.constant 0 : i32
    %scan3A_15 = arith.constant 0 : i32
    %scan3A_16 = arith.constant 8 : i32
    %scan3A_17 = arith.addi %scan3A_15, %scan3A_16 : i32
    %scan3A_18 = arith.constant 1 : i32
    scf.for %scan3A_30 = %scan3A_15 to %scan3A_17 step %scan3A_18  : i32 {
      %mul3A_31 = arith.constant 512 : i32
      %mul3A_32 = arith.muli %scan3A_30, %mul3A_31 : i32
      %add3A_33 = arith.addi %add3A, %mul3A_32 : i32
      "tpu.region"() ({
        %run_scoped3A = tpu.sem_alloc : memref<!tpu.dma_semaphore, #tpu.memory_space<semaphore_mem>>
        %dma_start3A = arith.constant 0 : i32
        %dma_start3A_34 = tpu.memref_slice %arg4[%add3A_33, %dma_start3A] : memref<139264x16xf32, #tpu.memory_space<hbm>> -> memref<512x16xf32, #tpu.memory_space<hbm>>
        %dma_start3A_35 = arith.constant 0 : i32
        %dma_start3A_36 = tpu.memref_slice %arg4[%add3A_33, %dma_start3A_35] : memref<139264x16xf32, #tpu.memory_space<hbm>> -> memref<512x16xf32, #tpu.memory_space<hbm>>
        tpu.enqueue_dma source(%arg6 : memref<512x16xf32, #tpu.memory_space<vmem>>) target(%dma_start3A_36 : memref<512x16xf32, #tpu.memory_space<hbm>>) target_semaphore(%run_scoped3A : memref<!tpu.dma_semaphore, #tpu.memory_space<semaphore_mem>>)
        %dma_wait3A = arith.constant 0 : i32
        %dma_wait3A_37 = tpu.memref_slice %arg4[%add3A_33, %dma_wait3A] : memref<139264x16xf32, #tpu.memory_space<hbm>> -> memref<512x16xf32, #tpu.memory_space<hbm>>
        %dma_wait3A_38 = arith.constant 0 : i32
        %dma_wait3A_39 = tpu.memref_slice %arg4[%add3A_33, %dma_wait3A_38] : memref<139264x16xf32, #tpu.memory_space<hbm>> -> memref<512x16xf32, #tpu.memory_space<hbm>>
        tpu.wait_dma2 semaphore(%run_scoped3A : memref<!tpu.dma_semaphore, #tpu.memory_space<semaphore_mem>>) src(%arg6 : memref<512x16xf32, #tpu.memory_space<vmem>>) dst(%dma_wait3A_39 : memref<512x16xf32, #tpu.memory_space<hbm>>)
        tpu.yield
      }) : () -> ()
      "tpu.region"() ({
        %run_scoped3A = tpu.sem_alloc : memref<!tpu.dma_semaphore, #tpu.memory_space<semaphore_mem>>
        %dma_start3A = arith.constant 0 : i32
        %dma_start3A_34 = tpu.memref_slice %arg5[%add3A_33, %dma_start3A] : memref<139264x16xf32, #tpu.memory_space<hbm>> -> memref<512x16xf32, #tpu.memory_space<hbm>>
        %dma_start3A_35 = arith.constant 0 : i32
        %dma_start3A_36 = tpu.memref_slice %arg5[%add3A_33, %dma_start3A_35] : memref<139264x16xf32, #tpu.memory_space<hbm>> -> memref<512x16xf32, #tpu.memory_space<hbm>>
        tpu.enqueue_dma source(%arg6 : memref<512x16xf32, #tpu.memory_space<vmem>>) target(%dma_start3A_36 : memref<512x16xf32, #tpu.memory_space<hbm>>) target_semaphore(%run_scoped3A : memref<!tpu.dma_semaphore, #tpu.memory_space<semaphore_mem>>)
        %dma_wait3A = arith.constant 0 : i32
        %dma_wait3A_37 = tpu.memref_slice %arg5[%add3A_33, %dma_wait3A] : memref<139264x16xf32, #tpu.memory_space<hbm>> -> memref<512x16xf32, #tpu.memory_space<hbm>>
        %dma_wait3A_38 = arith.constant 0 : i32
        %dma_wait3A_39 = tpu.memref_slice %arg5[%add3A_33, %dma_wait3A_38] : memref<139264x16xf32, #tpu.memory_space<hbm>> -> memref<512x16xf32, #tpu.memory_space<hbm>>
        tpu.wait_dma2 semaphore(%run_scoped3A : memref<!tpu.dma_semaphore, #tpu.memory_space<semaphore_mem>>) src(%arg6 : memref<512x16xf32, #tpu.memory_space<vmem>>) dst(%dma_wait3A_39 : memref<512x16xf32, #tpu.memory_space<hbm>>)
        tpu.yield
      }) : () -> ()
    }
    %scan3A_19 = arith.constant 8 : i32
    %add3A_20 = arith.constant 4096 : i32
    %add3A_21 = arith.addi %add3A, %add3A_20 : i32
    "tpu.region"() ({
      %run_scoped3A = tpu.sem_alloc : memref<!tpu.dma_semaphore, #tpu.memory_space<semaphore_mem>>
      %dma_start3A = arith.constant 0 : i32
      %dma_start3A_30 = arith.constant 0 : i32
      %dma_start3A_31 = tpu.memref_slice %arg6[%dma_start3A, %dma_start3A_30] : memref<512x16xf32, #tpu.memory_space<vmem>> -> memref<256x16xf32, #tpu.memory_space<vmem>>
      %dma_start3A_32 = arith.constant 0 : i32
      %dma_start3A_33 = tpu.memref_slice %arg4[%add3A_21, %dma_start3A_32] : memref<139264x16xf32, #tpu.memory_space<hbm>> -> memref<256x16xf32, #tpu.memory_space<hbm>>
      %dma_start3A_34 = arith.constant 0 : i32
      %dma_start3A_35 = tpu.memref_slice %arg4[%add3A_21, %dma_start3A_34] : memref<139264x16xf32, #tpu.memory_space<hbm>> -> memref<256x16xf32, #tpu.memory_space<hbm>>
      %dma_start3A_36 = arith.constant 0 : i32
      %dma_start3A_37 = arith.constant 0 : i32
      %dma_start3A_38 = tpu.memref_slice %arg6[%dma_start3A_36, %dma_start3A_37] : memref<512x16xf32, #tpu.memory_space<vmem>> -> memref<256x16xf32, #tpu.memory_space<vmem>>
      tpu.enqueue_dma source(%dma_start3A_38 : memref<256x16xf32, #tpu.memory_space<vmem>>) target(%dma_start3A_35 : memref<256x16xf32, #tpu.memory_space<hbm>>) target_semaphore(%run_scoped3A : memref<!tpu.dma_semaphore, #tpu.memory_space<semaphore_mem>>)
      %dma_wait3A = arith.constant 0 : i32
      %dma_wait3A_39 = arith.constant 0 : i32
      %dma_wait3A_40 = tpu.memref_slice %arg6[%dma_wait3A, %dma_wait3A_39] : memref<512x16xf32, #tpu.memory_space<vmem>> -> memref<256x16xf32, #tpu.memory_space<vmem>>
      %dma_wait3A_41 = arith.constant 0 : i32
      %dma_wait3A_42 = tpu.memref_slice %arg4[%add3A_21, %dma_wait3A_41] : memref<139264x16xf32, #tpu.memory_space<hbm>> -> memref<256x16xf32, #tpu.memory_space<hbm>>
      %dma_wait3A_43 = arith.constant 0 : i32
      %dma_wait3A_44 = tpu.memref_slice %arg4[%add3A_21, %dma_wait3A_43] : memref<139264x16xf32, #tpu.memory_space<hbm>> -> memref<256x16xf32, #tpu.memory_space<hbm>>
      %dma_wait3A_45 = arith.constant 0 : i32
      %dma_wait3A_46 = arith.constant 0 : i32
      %dma_wait3A_47 = tpu.memref_slice %arg6[%dma_wait3A_45, %dma_wait3A_46] : memref<512x16xf32, #tpu.memory_space<vmem>> -> memref<256x16xf32, #tpu.memory_space<vmem>>
      tpu.wait_dma2 semaphore(%run_scoped3A : memref<!tpu.dma_semaphore, #tpu.memory_space<semaphore_mem>>) src(%dma_wait3A_47 : memref<256x16xf32, #tpu.memory_space<vmem>>) dst(%dma_wait3A_44 : memref<256x16xf32, #tpu.memory_space<hbm>>)
      tpu.yield
    }) : () -> ()
    "tpu.region"() ({
      %run_scoped3A = tpu.sem_alloc : memref<!tpu.dma_semaphore, #tpu.memory_space<semaphore_mem>>
      %dma_start3A = arith.constant 0 : i32
      %dma_start3A_30 = arith.constant 0 : i32
      %dma_start3A_31 = tpu.memref_slice %arg6[%dma_start3A, %dma_start3A_30] : memref<512x16xf32, #tpu.memory_space<vmem>> -> memref<256x16xf32, #tpu.memory_space<vmem>>
      %dma_start3A_32 = arith.constant 0 : i32
      %dma_start3A_33 = tpu.memref_slice %arg5[%add3A_21, %dma_start3A_32] : memref<139264x16xf32, #tpu.memory_space<hbm>> -> memref<256x16xf32, #tpu.memory_space<hbm>>
      %dma_start3A_34 = arith.constant 0 : i32
      %dma_start3A_35 = tpu.memref_slice %arg5[%add3A_21, %dma_start3A_34] : memref<139264x16xf32, #tpu.memory_space<hbm>> -> memref<256x16xf32, #tpu.memory_space<hbm>>
      %dma_start3A_36 = arith.constant 0 : i32
      %dma_start3A_37 = arith.constant 0 : i32
      %dma_start3A_38 = tpu.memref_slice %arg6[%dma_start3A_36, %dma_start3A_37] : memref<512x16xf32, #tpu.memory_space<vmem>> -> memref<256x16xf32, #tpu.memory_space<vmem>>
      tpu.enqueue_dma source(%dma_start3A_38 : memref<256x16xf32, #tpu.memory_space<vmem>>) target(%dma_start3A_35 : memref<256x16xf32, #tpu.memory_space<hbm>>) target_semaphore(%run_scoped3A : memref<!tpu.dma_semaphore, #tpu.memory_space<semaphore_mem>>)
      %dma_wait3A = arith.constant 0 : i32
      %dma_wait3A_39 = arith.constant 0 : i32
      %dma_wait3A_40 = tpu.memref_slice %arg6[%dma_wait3A, %dma_wait3A_39] : memref<512x16xf32, #tpu.memory_space<vmem>> -> memref<256x16xf32, #tpu.memory_space<vmem>>
      %dma_wait3A_41 = arith.constant 0 : i32
      %dma_wait3A_42 = tpu.memref_slice %arg5[%add3A_21, %dma_wait3A_41] : memref<139264x16xf32, #tpu.memory_space<hbm>> -> memref<256x16xf32, #tpu.memory_space<hbm>>
      %dma_wait3A_43 = arith.constant 0 : i32
      %dma_wait3A_44 = tpu.memref_slice %arg5[%add3A_21, %dma_wait3A_43] : memref<139264x16xf32, #tpu.memory_space<hbm>> -> memref<256x16xf32, #tpu.memory_space<hbm>>
      %dma_wait3A_45 = arith.constant 0 : i32
      %dma_wait3A_46 = arith.constant 0 : i32
      %dma_wait3A_47 = tpu.memref_slice %arg6[%dma_wait3A_45, %dma_wait3A_46] : memref<512x16xf32, #tpu.memory_space<vmem>> -> memref<256x16xf32, #tpu.memory_space<vmem>>
      tpu.wait_dma2 semaphore(%run_scoped3A : memref<!tpu.dma_semaphore, #tpu.memory_space<semaphore_mem>>) src(%dma_wait3A_47 : memref<256x16xf32, #tpu.memory_space<vmem>>) dst(%dma_wait3A_44 : memref<256x16xf32, #tpu.memory_space<hbm>>)
      tpu.yield
    }) : () -> ()
    %barrier3A = arith.constant 0 : index
    tpu.barrier barrier_id(%barrier3A)
    %mul3A_22 = arith.constant 2048 : i32
    %mul3A_23 = arith.muli %arg1, %mul3A_22 : i32
    %scan3A_24 = arith.constant 0 : i32
    %scan3A_25 = arith.constant 0 : i32
    %scan3A_26 = arith.constant 4 : i32
    %scan3A_27 = arith.addi %scan3A_25, %scan3A_26 : i32
    %scan3A_28 = arith.constant 1 : i32
    scf.for %scan3A_30 = %scan3A_25 to %scan3A_27 step %scan3A_28  : i32 {
      %mul3A_31 = arith.constant 512 : i32
      %mul3A_32 = arith.muli %scan3A_30, %mul3A_31 : i32
      %add3A_33 = arith.addi %mul3A_23, %mul3A_32 : i32
      %jit3A = arith.constant 128 : i32
      %div3A = arith.divsi %add3A_33, %jit3A : i32
      %sign3A = arith.constant 0 : i32
      %sign3A_34 = arith.cmpi sgt, %add3A_33, %sign3A : i32
      %sign3A_35 = arith.extui %sign3A_34 : i1 to i32
      %sign3A_36 = arith.constant 0 : i32
      %sign3A_37 = arith.cmpi slt, %add3A_33, %sign3A_36 : i32
      %sign3A_38 = arith.extui %sign3A_37 : i1 to i32
      %sign3A_39 = arith.subi %sign3A_35, %sign3A_38 : i32
      %sign3A_40 = arith.constant 0 : i32
      %sign3A_41 = arith.cmpi sgt, %jit3A, %sign3A_40 : i32
      %sign3A_42 = arith.extui %sign3A_41 : i1 to i32
      %sign3A_43 = arith.constant 0 : i32
      %sign3A_44 = arith.cmpi slt, %jit3A, %sign3A_43 : i32
      %sign3A_45 = arith.extui %sign3A_44 : i1 to i32
      %sign3A_46 = arith.subi %sign3A_42, %sign3A_45 : i32
      %ne3A = arith.cmpi ne, %sign3A_39, %sign3A_46 : i32
      %rem3A = arith.remsi %add3A_33, %jit3A : i32
      %ne3A_47 = arith.constant 0 : i32
      %ne3A_48 = arith.cmpi ne, %rem3A, %ne3A_47 : i32
      %and3A = arith.andi %ne3A, %ne3A_48 : i1
      %sub3A = arith.constant 1 : i32
      %sub3A_49 = arith.subi %div3A, %sub3A : i32
      %select_n3A = arith.select %and3A, %sub3A_49, %div3A : i32
      "tpu.region"() ({
        %run_scoped3A = tpu.sem_alloc : memref<!tpu.dma_semaphore, #tpu.memory_space<semaphore_mem>>
        %dma_start3A_184 = arith.constant 0 : i32
        %dma_start3A_185 = tpu.memref_slice %arg3[%arg0, %select_n3A, %dma_start3A_184] : memref<2x256x128xi32, #tpu.memory_space<hbm>> -> memref<1x4x128xi32, #tpu.memory_space<hbm>>
        %dma_start3A_186 = tpu.memref_squeeze %dma_start3A_185 : memref<1x4x128xi32, #tpu.memory_space<hbm>> -> memref<4x128xi32, #tpu.memory_space<hbm>>
        %dma_start3A_187 = arith.constant 0 : i32
        %dma_start3A_188 = tpu.memref_slice %arg3[%arg0, %select_n3A, %dma_start3A_187] : memref<2x256x128xi32, #tpu.memory_space<hbm>> -> memref<1x4x128xi32, #tpu.memory_space<hbm>>
        %dma_start3A_189 = tpu.memref_squeeze %dma_start3A_188 : memref<1x4x128xi32, #tpu.memory_space<hbm>> -> memref<4x128xi32, #tpu.memory_space<hbm>>
        tpu.enqueue_dma source(%dma_start3A_189 : memref<4x128xi32, #tpu.memory_space<hbm>>) target(%arg8 : memref<4x128xi32, #tpu.memory_space<vmem>>) target_semaphore(%run_scoped3A : memref<!tpu.dma_semaphore, #tpu.memory_space<semaphore_mem>>)
        %dma_wait3A_190 = arith.constant 0 : i32
        %dma_wait3A_191 = tpu.memref_slice %arg3[%arg0, %select_n3A, %dma_wait3A_190] : memref<2x256x128xi32, #tpu.memory_space<hbm>> -> memref<1x4x128xi32, #tpu.memory_space<hbm>>
        %dma_wait3A_192 = tpu.memref_squeeze %dma_wait3A_191 : memref<1x4x128xi32, #tpu.memory_space<hbm>> -> memref<4x128xi32, #tpu.memory_space<hbm>>
        %dma_wait3A_193 = arith.constant 0 : i32
        %dma_wait3A_194 = tpu.memref_slice %arg3[%arg0, %select_n3A, %dma_wait3A_193] : memref<2x256x128xi32, #tpu.memory_space<hbm>> -> memref<1x4x128xi32, #tpu.memory_space<hbm>>
        %dma_wait3A_195 = tpu.memref_squeeze %dma_wait3A_194 : memref<1x4x128xi32, #tpu.memory_space<hbm>> -> memref<4x128xi32, #tpu.memory_space<hbm>>
        tpu.wait_dma2 semaphore(%run_scoped3A : memref<!tpu.dma_semaphore, #tpu.memory_space<semaphore_mem>>) src(%dma_wait3A_195 : memref<4x128xi32, #tpu.memory_space<hbm>>) dst(%arg8 : memref<4x128xi32, #tpu.memory_space<vmem>>)
        tpu.yield
      }) : () -> ()
      "tpu.region"() ({
        %run_scoped3A = tpu.sem_alloc : memref<!tpu.dma_semaphore, #tpu.memory_space<semaphore_mem>>
        %dma_start3A_184 = arith.constant 0 : i32
        %dma_start3A_185 = tpu.memref_slice %arg2[%add3A_33, %dma_start3A_184] : memref<32768x16xf32, #tpu.memory_space<hbm>> -> memref<512x16xf32, #tpu.memory_space<hbm>>
        %dma_start3A_186 = arith.constant 0 : i32
        %dma_start3A_187 = tpu.memref_slice %arg2[%add3A_33, %dma_start3A_186] : memref<32768x16xf32, #tpu.memory_space<hbm>> -> memref<512x16xf32, #tpu.memory_space<hbm>>
        tpu.enqueue_dma source(%dma_start3A_187 : memref<512x16xf32, #tpu.memory_space<hbm>>) target(%arg9 : memref<512x16xf32, #tpu.memory_space<vmem>>) target_semaphore(%run_scoped3A : memref<!tpu.dma_semaphore, #tpu.memory_space<semaphore_mem>>)
        %dma_wait3A_188 = arith.constant 0 : i32
        %dma_wait3A_189 = tpu.memref_slice %arg2[%add3A_33, %dma_wait3A_188] : memref<32768x16xf32, #tpu.memory_space<hbm>> -> memref<512x16xf32, #tpu.memory_space<hbm>>
        %dma_wait3A_190 = arith.constant 0 : i32
        %dma_wait3A_191 = tpu.memref_slice %arg2[%add3A_33, %dma_wait3A_190] : memref<32768x16xf32, #tpu.memory_space<hbm>> -> memref<512x16xf32, #tpu.memory_space<hbm>>
        tpu.wait_dma2 semaphore(%run_scoped3A : memref<!tpu.dma_semaphore, #tpu.memory_space<semaphore_mem>>) src(%dma_wait3A_191 : memref<512x16xf32, #tpu.memory_space<hbm>>) dst(%arg9 : memref<512x16xf32, #tpu.memory_space<vmem>>)
        tpu.yield
      }) : () -> ()
      %dma_start3A = arith.constant 0 : i32
      %dma_start3A_50 = arith.constant 0 : i32
      %dma_start3A_51 = arith.constant 0 : i32
      %dma_start3A_52 = tpu.memref_slice %arg9[%dma_start3A_50, %dma_start3A_51] : memref<512x16xf32, #tpu.memory_space<vmem>> -> memref<128x16xf32, #tpu.memory_space<vmem>>
      %dma_start3A_53 = arith.constant 0 : i32
      %dma_start3A_54 = tpu.memref_slice %arg8[%dma_start3A, %dma_start3A_53] : memref<4x128xi32, #tpu.memory_space<vmem>> -> memref<1x128xi32, #tpu.memory_space<vmem>>
      %dma_start3A_55 = tpu.memref_squeeze %dma_start3A_54 : memref<1x128xi32, #tpu.memory_space<vmem>> -> memref<128xi32, #tpu.memory_space<vmem>>
      %dma_start3A_56 = arith.constant 0 : i32
      %dma_start3A_57 = arith.constant 0 : i32
      %dma_start3A_58 = tpu.memref_slice %arg4[%dma_start3A_56, %dma_start3A_57] : memref<139264x16xf32, #tpu.memory_space<hbm>> -> memref<139264x16xf32, #tpu.memory_space<hbm>>
      tpu.enqueue_indirect_dma source(%dma_start3A_52 : memref<128x16xf32, #tpu.memory_space<vmem>>) target(%dma_start3A_58 : memref<139264x16xf32, #tpu.memory_space<hbm>>) offsets(%dma_start3A_55 : memref<128xi32, #tpu.memory_space<vmem>>) semaphore(%arg10 : memref<!tpu.dma_semaphore, #tpu.memory_space<semaphore_mem>>)
      %dma_start3A_59 = arith.constant 0 : i32
      %dma_start3A_60 = arith.constant 0 : i32
      %dma_start3A_61 = tpu.memref_slice %arg8[%dma_start3A_59, %dma_start3A_60] : memref<4x128xi32, #tpu.memory_space<vmem>> -> memref<1x128xi32, #tpu.memory_space<vmem>>
      %dma_start3A_62 = tpu.memref_squeeze %dma_start3A_61 : memref<1x128xi32, #tpu.memory_space<vmem>> -> memref<128xi32, #tpu.memory_space<vmem>>
      %dma_start3A_63 = arith.constant 0 : i32
      %dma_start3A_64 = arith.constant 0 : i32
      %dma_start3A_65 = tpu.memref_slice %arg5[%dma_start3A_63, %dma_start3A_64] : memref<139264x16xf32, #tpu.memory_space<hbm>> -> memref<139264x16xf32, #tpu.memory_space<hbm>>
      tpu.enqueue_indirect_dma source(%arg7 : memref<128x16xf32, #tpu.memory_space<vmem>>) target(%dma_start3A_65 : memref<139264x16xf32, #tpu.memory_space<hbm>>) offsets(%dma_start3A_62 : memref<128xi32, #tpu.memory_space<vmem>>) semaphore(%arg10 : memref<!tpu.dma_semaphore, #tpu.memory_space<semaphore_mem>>)
      %dma_start3A_66 = arith.constant 1 : i32
      %dma_start3A_67 = arith.constant 128 : i32
      %dma_start3A_68 = arith.constant 0 : i32
      %dma_start3A_69 = tpu.memref_slice %arg9[%dma_start3A_67, %dma_start3A_68] : memref<512x16xf32, #tpu.memory_space<vmem>> -> memref<128x16xf32, #tpu.memory_space<vmem>>
      %dma_start3A_70 = arith.constant 0 : i32
      %dma_start3A_71 = tpu.memref_slice %arg8[%dma_start3A_66, %dma_start3A_70] : memref<4x128xi32, #tpu.memory_space<vmem>> -> memref<1x128xi32, #tpu.memory_space<vmem>>
      %dma_start3A_72 = tpu.memref_squeeze %dma_start3A_71 : memref<1x128xi32, #tpu.memory_space<vmem>> -> memref<128xi32, #tpu.memory_space<vmem>>
      %dma_start3A_73 = arith.constant 0 : i32
      %dma_start3A_74 = arith.constant 0 : i32
      %dma_start3A_75 = tpu.memref_slice %arg4[%dma_start3A_73, %dma_start3A_74] : memref<139264x16xf32, #tpu.memory_space<hbm>> -> memref<139264x16xf32, #tpu.memory_space<hbm>>
      tpu.enqueue_indirect_dma source(%dma_start3A_69 : memref<128x16xf32, #tpu.memory_space<vmem>>) target(%dma_start3A_75 : memref<139264x16xf32, #tpu.memory_space<hbm>>) offsets(%dma_start3A_72 : memref<128xi32, #tpu.memory_space<vmem>>) semaphore(%arg10 : memref<!tpu.dma_semaphore, #tpu.memory_space<semaphore_mem>>)
      %dma_start3A_76 = arith.constant 1 : i32
      %dma_start3A_77 = arith.constant 0 : i32
      %dma_start3A_78 = tpu.memref_slice %arg8[%dma_start3A_76, %dma_start3A_77] : memref<4x128xi32, #tpu.memory_space<vmem>> -> memref<1x128xi32, #tpu.memory_space<vmem>>
      %dma_start3A_79 = tpu.memref_squeeze %dma_start3A_78 : memref<1x128xi32, #tpu.memory_space<vmem>> -> memref<128xi32, #tpu.memory_space<vmem>>
      %dma_start3A_80 = arith.constant 0 : i32
      %dma_start3A_81 = arith.constant 0 : i32
      %dma_start3A_82 = tpu.memref_slice %arg5[%dma_start3A_80, %dma_start3A_81] : memref<139264x16xf32, #tpu.memory_space<hbm>> -> memref<139264x16xf32, #tpu.memory_space<hbm>>
      tpu.enqueue_indirect_dma source(%arg7 : memref<128x16xf32, #tpu.memory_space<vmem>>) target(%dma_start3A_82 : memref<139264x16xf32, #tpu.memory_space<hbm>>) offsets(%dma_start3A_79 : memref<128xi32, #tpu.memory_space<vmem>>) semaphore(%arg10 : memref<!tpu.dma_semaphore, #tpu.memory_space<semaphore_mem>>)
      %dma_start3A_83 = arith.constant 2 : i32
      %dma_start3A_84 = arith.constant 256 : i32
      %dma_start3A_85 = arith.constant 0 : i32
      %dma_start3A_86 = tpu.memref_slice %arg9[%dma_start3A_84, %dma_start3A_85] : memref<512x16xf32, #tpu.memory_space<vmem>> -> memref<128x16xf32, #tpu.memory_space<vmem>>
      %dma_start3A_87 = arith.constant 0 : i32
      %dma_start3A_88 = tpu.memref_slice %arg8[%dma_start3A_83, %dma_start3A_87] : memref<4x128xi32, #tpu.memory_space<vmem>> -> memref<1x128xi32, #tpu.memory_space<vmem>>
      %dma_start3A_89 = tpu.memref_squeeze %dma_start3A_88 : memref<1x128xi32, #tpu.memory_space<vmem>> -> memref<128xi32, #tpu.memory_space<vmem>>
      %dma_start3A_90 = arith.constant 0 : i32
      %dma_start3A_91 = arith.constant 0 : i32
      %dma_start3A_92 = tpu.memref_slice %arg4[%dma_start3A_90, %dma_start3A_91] : memref<139264x16xf32, #tpu.memory_space<hbm>> -> memref<139264x16xf32, #tpu.memory_space<hbm>>
      tpu.enqueue_indirect_dma source(%dma_start3A_86 : memref<128x16xf32, #tpu.memory_space<vmem>>) target(%dma_start3A_92 : memref<139264x16xf32, #tpu.memory_space<hbm>>) offsets(%dma_start3A_89 : memref<128xi32, #tpu.memory_space<vmem>>) semaphore(%arg10 : memref<!tpu.dma_semaphore, #tpu.memory_space<semaphore_mem>>)
      %dma_start3A_93 = arith.constant 2 : i32
      %dma_start3A_94 = arith.constant 0 : i32
      %dma_start3A_95 = tpu.memref_slice %arg8[%dma_start3A_93, %dma_start3A_94] : memref<4x128xi32, #tpu.memory_space<vmem>> -> memref<1x128xi32, #tpu.memory_space<vmem>>
      %dma_start3A_96 = tpu.memref_squeeze %dma_start3A_95 : memref<1x128xi32, #tpu.memory_space<vmem>> -> memref<128xi32, #tpu.memory_space<vmem>>
      %dma_start3A_97 = arith.constant 0 : i32
      %dma_start3A_98 = arith.constant 0 : i32
      %dma_start3A_99 = tpu.memref_slice %arg5[%dma_start3A_97, %dma_start3A_98] : memref<139264x16xf32, #tpu.memory_space<hbm>> -> memref<139264x16xf32, #tpu.memory_space<hbm>>
      tpu.enqueue_indirect_dma source(%arg7 : memref<128x16xf32, #tpu.memory_space<vmem>>) target(%dma_start3A_99 : memref<139264x16xf32, #tpu.memory_space<hbm>>) offsets(%dma_start3A_96 : memref<128xi32, #tpu.memory_space<vmem>>) semaphore(%arg10 : memref<!tpu.dma_semaphore, #tpu.memory_space<semaphore_mem>>)
      %dma_start3A_100 = arith.constant 3 : i32
      %dma_start3A_101 = arith.constant 384 : i32
      %dma_start3A_102 = arith.constant 0 : i32
      %dma_start3A_103 = tpu.memref_slice %arg9[%dma_start3A_101, %dma_start3A_102] : memref<512x16xf32, #tpu.memory_space<vmem>> -> memref<128x16xf32, #tpu.memory_space<vmem>>
      %dma_start3A_104 = arith.constant 0 : i32
      %dma_start3A_105 = tpu.memref_slice %arg8[%dma_start3A_100, %dma_start3A_104] : memref<4x128xi32, #tpu.memory_space<vmem>> -> memref<1x128xi32, #tpu.memory_space<vmem>>
      %dma_start3A_106 = tpu.memref_squeeze %dma_start3A_105 : memref<1x128xi32, #tpu.memory_space<vmem>> -> memref<128xi32, #tpu.memory_space<vmem>>
      %dma_start3A_107 = arith.constant 0 : i32
      %dma_start3A_108 = arith.constant 0 : i32
      %dma_start3A_109 = tpu.memref_slice %arg4[%dma_start3A_107, %dma_start3A_108] : memref<139264x16xf32, #tpu.memory_space<hbm>> -> memref<139264x16xf32, #tpu.memory_space<hbm>>
      tpu.enqueue_indirect_dma source(%dma_start3A_103 : memref<128x16xf32, #tpu.memory_space<vmem>>) target(%dma_start3A_109 : memref<139264x16xf32, #tpu.memory_space<hbm>>) offsets(%dma_start3A_106 : memref<128xi32, #tpu.memory_space<vmem>>) semaphore(%arg10 : memref<!tpu.dma_semaphore, #tpu.memory_space<semaphore_mem>>)
      %dma_start3A_110 = arith.constant 3 : i32
      %dma_start3A_111 = arith.constant 0 : i32
      %dma_start3A_112 = tpu.memref_slice %arg8[%dma_start3A_110, %dma_start3A_111] : memref<4x128xi32, #tpu.memory_space<vmem>> -> memref<1x128xi32, #tpu.memory_space<vmem>>
      %dma_start3A_113 = tpu.memref_squeeze %dma_start3A_112 : memref<1x128xi32, #tpu.memory_space<vmem>> -> memref<128xi32, #tpu.memory_space<vmem>>
      %dma_start3A_114 = arith.constant 0 : i32
      %dma_start3A_115 = arith.constant 0 : i32
      %dma_start3A_116 = tpu.memref_slice %arg5[%dma_start3A_114, %dma_start3A_115] : memref<139264x16xf32, #tpu.memory_space<hbm>> -> memref<139264x16xf32, #tpu.memory_space<hbm>>
      tpu.enqueue_indirect_dma source(%arg7 : memref<128x16xf32, #tpu.memory_space<vmem>>) target(%dma_start3A_116 : memref<139264x16xf32, #tpu.memory_space<hbm>>) offsets(%dma_start3A_113 : memref<128xi32, #tpu.memory_space<vmem>>) semaphore(%arg10 : memref<!tpu.dma_semaphore, #tpu.memory_space<semaphore_mem>>)
      %dma_wait3A = arith.constant 0 : i32
      %dma_wait3A_117 = arith.constant 0 : i32
      %dma_wait3A_118 = arith.constant 0 : i32
      %dma_wait3A_119 = tpu.memref_slice %arg9[%dma_wait3A_117, %dma_wait3A_118] : memref<512x16xf32, #tpu.memory_space<vmem>> -> memref<128x16xf32, #tpu.memory_space<vmem>>
      %dma_wait3A_120 = arith.constant 0 : i32
      %dma_wait3A_121 = tpu.memref_slice %arg8[%dma_wait3A, %dma_wait3A_120] : memref<4x128xi32, #tpu.memory_space<vmem>> -> memref<1x128xi32, #tpu.memory_space<vmem>>
      %dma_wait3A_122 = tpu.memref_squeeze %dma_wait3A_121 : memref<1x128xi32, #tpu.memory_space<vmem>> -> memref<128xi32, #tpu.memory_space<vmem>>
      %dma_wait3A_123 = arith.constant 0 : i32
      %dma_wait3A_124 = arith.constant 0 : i32
      %dma_wait3A_125 = tpu.memref_slice %arg4[%dma_wait3A_123, %dma_wait3A_124] : memref<139264x16xf32, #tpu.memory_space<hbm>> -> memref<139264x16xf32, #tpu.memory_space<hbm>>
      tpu.wait_indirect_dma semaphore(%arg10 : memref<!tpu.dma_semaphore, #tpu.memory_space<semaphore_mem>>) src(%dma_wait3A_119 : memref<128x16xf32, #tpu.memory_space<vmem>>) dst(%dma_wait3A_125 : memref<139264x16xf32, #tpu.memory_space<hbm>>)
      %dma_wait3A_126 = arith.constant 0 : i32
      %dma_wait3A_127 = arith.constant 0 : i32
      %dma_wait3A_128 = tpu.memref_slice %arg8[%dma_wait3A_126, %dma_wait3A_127] : memref<4x128xi32, #tpu.memory_space<vmem>> -> memref<1x128xi32, #tpu.memory_space<vmem>>
      %dma_wait3A_129 = tpu.memref_squeeze %dma_wait3A_128 : memref<1x128xi32, #tpu.memory_space<vmem>> -> memref<128xi32, #tpu.memory_space<vmem>>
      %dma_wait3A_130 = arith.constant 0 : i32
      %dma_wait3A_131 = arith.constant 0 : i32
      %dma_wait3A_132 = tpu.memref_slice %arg5[%dma_wait3A_130, %dma_wait3A_131] : memref<139264x16xf32, #tpu.memory_space<hbm>> -> memref<139264x16xf32, #tpu.memory_space<hbm>>
      tpu.wait_indirect_dma semaphore(%arg10 : memref<!tpu.dma_semaphore, #tpu.memory_space<semaphore_mem>>) src(%arg7 : memref<128x16xf32, #tpu.memory_space<vmem>>) dst(%dma_wait3A_132 : memref<139264x16xf32, #tpu.memory_space<hbm>>)
      %dma_wait3A_133 = arith.constant 1 : i32
      %dma_wait3A_134 = arith.constant 128 : i32
      %dma_wait3A_135 = arith.constant 0 : i32
      %dma_wait3A_136 = tpu.memref_slice %arg9[%dma_wait3A_134, %dma_wait3A_135] : memref<512x16xf32, #tpu.memory_space<vmem>> -> memref<128x16xf32, #tpu.memory_space<vmem>>
      %dma_wait3A_137 = arith.constant 0 : i32
      %dma_wait3A_138 = tpu.memref_slice %arg8[%dma_wait3A_133, %dma_wait3A_137] : memref<4x128xi32, #tpu.memory_space<vmem>> -> memref<1x128xi32, #tpu.memory_space<vmem>>
      %dma_wait3A_139 = tpu.memref_squeeze %dma_wait3A_138 : memref<1x128xi32, #tpu.memory_space<vmem>> -> memref<128xi32, #tpu.memory_space<vmem>>
      %dma_wait3A_140 = arith.constant 0 : i32
      %dma_wait3A_141 = arith.constant 0 : i32
      %dma_wait3A_142 = tpu.memref_slice %arg4[%dma_wait3A_140, %dma_wait3A_141] : memref<139264x16xf32, #tpu.memory_space<hbm>> -> memref<139264x16xf32, #tpu.memory_space<hbm>>
      tpu.wait_indirect_dma semaphore(%arg10 : memref<!tpu.dma_semaphore, #tpu.memory_space<semaphore_mem>>) src(%dma_wait3A_136 : memref<128x16xf32, #tpu.memory_space<vmem>>) dst(%dma_wait3A_142 : memref<139264x16xf32, #tpu.memory_space<hbm>>)
      %dma_wait3A_143 = arith.constant 1 : i32
      %dma_wait3A_144 = arith.constant 0 : i32
      %dma_wait3A_145 = tpu.memref_slice %arg8[%dma_wait3A_143, %dma_wait3A_144] : memref<4x128xi32, #tpu.memory_space<vmem>> -> memref<1x128xi32, #tpu.memory_space<vmem>>
      %dma_wait3A_146 = tpu.memref_squeeze %dma_wait3A_145 : memref<1x128xi32, #tpu.memory_space<vmem>> -> memref<128xi32, #tpu.memory_space<vmem>>
      %dma_wait3A_147 = arith.constant 0 : i32
      %dma_wait3A_148 = arith.constant 0 : i32
      %dma_wait3A_149 = tpu.memref_slice %arg5[%dma_wait3A_147, %dma_wait3A_148] : memref<139264x16xf32, #tpu.memory_space<hbm>> -> memref<139264x16xf32, #tpu.memory_space<hbm>>
      tpu.wait_indirect_dma semaphore(%arg10 : memref<!tpu.dma_semaphore, #tpu.memory_space<semaphore_mem>>) src(%arg7 : memref<128x16xf32, #tpu.memory_space<vmem>>) dst(%dma_wait3A_149 : memref<139264x16xf32, #tpu.memory_space<hbm>>)
      %dma_wait3A_150 = arith.constant 2 : i32
      %dma_wait3A_151 = arith.constant 256 : i32
      %dma_wait3A_152 = arith.constant 0 : i32
      %dma_wait3A_153 = tpu.memref_slice %arg9[%dma_wait3A_151, %dma_wait3A_152] : memref<512x16xf32, #tpu.memory_space<vmem>> -> memref<128x16xf32, #tpu.memory_space<vmem>>
      %dma_wait3A_154 = arith.constant 0 : i32
      %dma_wait3A_155 = tpu.memref_slice %arg8[%dma_wait3A_150, %dma_wait3A_154] : memref<4x128xi32, #tpu.memory_space<vmem>> -> memref<1x128xi32, #tpu.memory_space<vmem>>
      %dma_wait3A_156 = tpu.memref_squeeze %dma_wait3A_155 : memref<1x128xi32, #tpu.memory_space<vmem>> -> memref<128xi32, #tpu.memory_space<vmem>>
      %dma_wait3A_157 = arith.constant 0 : i32
      %dma_wait3A_158 = arith.constant 0 : i32
      %dma_wait3A_159 = tpu.memref_slice %arg4[%dma_wait3A_157, %dma_wait3A_158] : memref<139264x16xf32, #tpu.memory_space<hbm>> -> memref<139264x16xf32, #tpu.memory_space<hbm>>
      tpu.wait_indirect_dma semaphore(%arg10 : memref<!tpu.dma_semaphore, #tpu.memory_space<semaphore_mem>>) src(%dma_wait3A_153 : memref<128x16xf32, #tpu.memory_space<vmem>>) dst(%dma_wait3A_159 : memref<139264x16xf32, #tpu.memory_space<hbm>>)
      %dma_wait3A_160 = arith.constant 2 : i32
      %dma_wait3A_161 = arith.constant 0 : i32
      %dma_wait3A_162 = tpu.memref_slice %arg8[%dma_wait3A_160, %dma_wait3A_161] : memref<4x128xi32, #tpu.memory_space<vmem>> -> memref<1x128xi32, #tpu.memory_space<vmem>>
      %dma_wait3A_163 = tpu.memref_squeeze %dma_wait3A_162 : memref<1x128xi32, #tpu.memory_space<vmem>> -> memref<128xi32, #tpu.memory_space<vmem>>
      %dma_wait3A_164 = arith.constant 0 : i32
      %dma_wait3A_165 = arith.constant 0 : i32
      %dma_wait3A_166 = tpu.memref_slice %arg5[%dma_wait3A_164, %dma_wait3A_165] : memref<139264x16xf32, #tpu.memory_space<hbm>> -> memref<139264x16xf32, #tpu.memory_space<hbm>>
      tpu.wait_indirect_dma semaphore(%arg10 : memref<!tpu.dma_semaphore, #tpu.memory_space<semaphore_mem>>) src(%arg7 : memref<128x16xf32, #tpu.memory_space<vmem>>) dst(%dma_wait3A_166 : memref<139264x16xf32, #tpu.memory_space<hbm>>)
      %dma_wait3A_167 = arith.constant 3 : i32
      %dma_wait3A_168 = arith.constant 384 : i32
      %dma_wait3A_169 = arith.constant 0 : i32
      %dma_wait3A_170 = tpu.memref_slice %arg9[%dma_wait3A_168, %dma_wait3A_169] : memref<512x16xf32, #tpu.memory_space<vmem>> -> memref<128x16xf32, #tpu.memory_space<vmem>>
      %dma_wait3A_171 = arith.constant 0 : i32
      %dma_wait3A_172 = tpu.memref_slice %arg8[%dma_wait3A_167, %dma_wait3A_171] : memref<4x128xi32, #tpu.memory_space<vmem>> -> memref<1x128xi32, #tpu.memory_space<vmem>>
      %dma_wait3A_173 = tpu.memref_squeeze %dma_wait3A_172 : memref<1x128xi32, #tpu.memory_space<vmem>> -> memref<128xi32, #tpu.memory_space<vmem>>
      %dma_wait3A_174 = arith.constant 0 : i32
      %dma_wait3A_175 = arith.constant 0 : i32
      %dma_wait3A_176 = tpu.memref_slice %arg4[%dma_wait3A_174, %dma_wait3A_175] : memref<139264x16xf32, #tpu.memory_space<hbm>> -> memref<139264x16xf32, #tpu.memory_space<hbm>>
      tpu.wait_indirect_dma semaphore(%arg10 : memref<!tpu.dma_semaphore, #tpu.memory_space<semaphore_mem>>) src(%dma_wait3A_170 : memref<128x16xf32, #tpu.memory_space<vmem>>) dst(%dma_wait3A_176 : memref<139264x16xf32, #tpu.memory_space<hbm>>)
      %dma_wait3A_177 = arith.constant 3 : i32
      %dma_wait3A_178 = arith.constant 0 : i32
      %dma_wait3A_179 = tpu.memref_slice %arg8[%dma_wait3A_177, %dma_wait3A_178] : memref<4x128xi32, #tpu.memory_space<vmem>> -> memref<1x128xi32, #tpu.memory_space<vmem>>
      %dma_wait3A_180 = tpu.memref_squeeze %dma_wait3A_179 : memref<1x128xi32, #tpu.memory_space<vmem>> -> memref<128xi32, #tpu.memory_space<vmem>>
      %dma_wait3A_181 = arith.constant 0 : i32
      %dma_wait3A_182 = arith.constant 0 : i32
      %dma_wait3A_183 = tpu.memref_slice %arg5[%dma_wait3A_181, %dma_wait3A_182] : memref<139264x16xf32, #tpu.memory_space<hbm>> -> memref<139264x16xf32, #tpu.memory_space<hbm>>
      tpu.wait_indirect_dma semaphore(%arg10 : memref<!tpu.dma_semaphore, #tpu.memory_space<semaphore_mem>>) src(%arg7 : memref<128x16xf32, #tpu.memory_space<vmem>>) dst(%dma_wait3A_183 : memref<139264x16xf32, #tpu.memory_space<hbm>>)
    }
    %scan3A_29 = arith.constant 4 : i32
    return
  }
}

#map = affine_map<(d0, d1) -> (0, 0)>
#map1 = affine_map<(d0, d1) -> (0)>
module attributes {stable_mosaic.version = 14 : i64} {
  func.func @k(%arg0: i32, %arg1: i32, %arg2: memref<131072x32xf32, #tpu.memory_space<hbm>>, %arg3: memref<1024x128xi32, #tpu.memory_space<hbm>>, %arg4: memref<32xf32, #tpu.memory_space<hbm>>, %arg5: memref<32xf32, #tpu.memory_space<hbm>>, %arg6: memref<131072x32xf32, #tpu.memory_space<hbm>>, %arg7: memref<4x128xi32, #tpu.memory_space<vmem>>, %arg8: memref<512x32xf32, #tpu.memory_space<vmem>>, %arg9: memref<32xf32, #tpu.memory_space<vmem>>, %arg10: memref<32xf32, #tpu.memory_space<vmem>>, %arg11: memref<!tpu.dma_semaphore, #tpu.memory_space<semaphore_mem>>) attributes {dimension_semantics = [#tpu.dimension_semantics<core_parallel>, #tpu.dimension_semantics<subcore_parallel>], iteration_bounds = array<i64: 2, 16>, scalar_prefetch = 0 : i64, scratch_operands = 5 : i64, tpu.core_type = #tpu.core_type<sc_vector_subcore>, window_params = [{transform_indices = #map}, {transform_indices = #map}, {transform_indices = #map1}, {transform_indices = #map1}, {transform_indices = #map}]} {
    %mul3A = arith.constant 2 : i32
    %mul3A_0 = arith.muli %arg1, %mul3A : i32
    %add3A = arith.addi %mul3A_0, %arg0 : i32
    %mul3A_1 = arith.constant 4096 : i32
    %mul3A_2 = arith.muli %add3A, %mul3A_1 : i32
    "tpu.region"() ({
      %run_scoped3A = tpu.sem_alloc : memref<!tpu.dma_semaphore, #tpu.memory_space<semaphore_mem>>
      tpu.enqueue_dma source(%arg4 : memref<32xf32, #tpu.memory_space<hbm>>) target(%arg9 : memref<32xf32, #tpu.memory_space<vmem>>) target_semaphore(%run_scoped3A : memref<!tpu.dma_semaphore, #tpu.memory_space<semaphore_mem>>)
      tpu.wait_dma2 semaphore(%run_scoped3A : memref<!tpu.dma_semaphore, #tpu.memory_space<semaphore_mem>>) src(%arg4 : memref<32xf32, #tpu.memory_space<hbm>>) dst(%arg9 : memref<32xf32, #tpu.memory_space<vmem>>)
      tpu.yield
    }) : () -> ()
    "tpu.region"() ({
      %run_scoped3A = tpu.sem_alloc : memref<!tpu.dma_semaphore, #tpu.memory_space<semaphore_mem>>
      tpu.enqueue_dma source(%arg5 : memref<32xf32, #tpu.memory_space<hbm>>) target(%arg10 : memref<32xf32, #tpu.memory_space<vmem>>) target_semaphore(%run_scoped3A : memref<!tpu.dma_semaphore, #tpu.memory_space<semaphore_mem>>)
      tpu.wait_dma2 semaphore(%run_scoped3A : memref<!tpu.dma_semaphore, #tpu.memory_space<semaphore_mem>>) src(%arg5 : memref<32xf32, #tpu.memory_space<hbm>>) dst(%arg10 : memref<32xf32, #tpu.memory_space<vmem>>)
      tpu.yield
    }) : () -> ()
    %get3A = arith.constant 0 : index
    %get3A_3 = tpu.vector_load %arg9[%get3A] {strides = array<i32>} : memref<32xf32, #tpu.memory_space<vmem>>, vector<16xf32>,
    %get3A_4 = vector.shape_cast %get3A_3 : vector<16xf32> to vector<16xf32>
    %get3A_5 = arith.constant 16 : index
    %get3A_6 = tpu.vector_load %arg9[%get3A_5] {strides = array<i32>} : memref<32xf32, #tpu.memory_space<vmem>>, vector<16xf32>,
    %get3A_7 = vector.shape_cast %get3A_6 : vector<16xf32> to vector<16xf32>
    %get3A_8 = arith.constant 0 : index
    %get3A_9 = tpu.vector_load %arg10[%get3A_8] {strides = array<i32>} : memref<32xf32, #tpu.memory_space<vmem>>, vector<16xf32>,
    %get3A_10 = vector.shape_cast %get3A_9 : vector<16xf32> to vector<16xf32>
    %get3A_11 = arith.constant 16 : index
    %get3A_12 = tpu.vector_load %arg10[%get3A_11] {strides = array<i32>} : memref<32xf32, #tpu.memory_space<vmem>>, vector<16xf32>,
    %get3A_13 = vector.shape_cast %get3A_12 : vector<16xf32> to vector<16xf32>
    %scan3A = arith.constant 0 : i32
    %scan3A_14 = arith.constant 0 : i32
    %scan3A_15 = arith.constant 8 : i32
    %scan3A_16 = arith.addi %scan3A_14, %scan3A_15 : i32
    %scan3A_17 = arith.constant 1 : i32
    scf.for %scan3A_19 = %scan3A_14 to %scan3A_16 step %scan3A_17  : i32 {
      %mul3A_20 = arith.constant 512 : i32
      %mul3A_21 = arith.muli %scan3A_19, %mul3A_20 : i32
      %add3A_22 = arith.addi %mul3A_2, %mul3A_21 : i32
      %jit3A = arith.constant 128 : i32
      %div3A = arith.divsi %add3A_22, %jit3A : i32
      %sign3A = arith.constant 0 : i32
      %sign3A_23 = arith.cmpi sgt, %add3A_22, %sign3A : i32
      %sign3A_24 = arith.extui %sign3A_23 : i1 to i32
      %sign3A_25 = arith.constant 0 : i32
      %sign3A_26 = arith.cmpi slt, %add3A_22, %sign3A_25 : i32
      %sign3A_27 = arith.extui %sign3A_26 : i1 to i32
      %sign3A_28 = arith.subi %sign3A_24, %sign3A_27 : i32
      %sign3A_29 = arith.constant 0 : i32
      %sign3A_30 = arith.cmpi sgt, %jit3A, %sign3A_29 : i32
      %sign3A_31 = arith.extui %sign3A_30 : i1 to i32
      %sign3A_32 = arith.constant 0 : i32
      %sign3A_33 = arith.cmpi slt, %jit3A, %sign3A_32 : i32
      %sign3A_34 = arith.extui %sign3A_33 : i1 to i32
      %sign3A_35 = arith.subi %sign3A_31, %sign3A_34 : i32
      %ne3A = arith.cmpi ne, %sign3A_28, %sign3A_35 : i32
      %rem3A = arith.remsi %add3A_22, %jit3A : i32
      %ne3A_36 = arith.constant 0 : i32
      %ne3A_37 = arith.cmpi ne, %rem3A, %ne3A_36 : i32
      %and3A = arith.andi %ne3A, %ne3A_37 : i1
      %sub3A = arith.constant 1 : i32
      %sub3A_38 = arith.subi %div3A, %sub3A : i32
      %select_n3A = arith.select %and3A, %sub3A_38, %div3A : i32
      "tpu.region"() ({
        %run_scoped3A = tpu.sem_alloc : memref<!tpu.dma_semaphore, #tpu.memory_space<semaphore_mem>>
        %dma_start3A_123 = arith.constant 0 : i32
        %dma_start3A_124 = tpu.memref_slice %arg3[%select_n3A, %dma_start3A_123] : memref<1024x128xi32, #tpu.memory_space<hbm>> -> memref<4x128xi32, #tpu.memory_space<hbm>>
        %dma_start3A_125 = arith.constant 0 : i32
        %dma_start3A_126 = tpu.memref_slice %arg3[%select_n3A, %dma_start3A_125] : memref<1024x128xi32, #tpu.memory_space<hbm>> -> memref<4x128xi32, #tpu.memory_space<hbm>>
        tpu.enqueue_dma source(%dma_start3A_126 : memref<4x128xi32, #tpu.memory_space<hbm>>) target(%arg7 : memref<4x128xi32, #tpu.memory_space<vmem>>) target_semaphore(%run_scoped3A : memref<!tpu.dma_semaphore, #tpu.memory_space<semaphore_mem>>)
        %dma_wait3A_127 = arith.constant 0 : i32
        %dma_wait3A_128 = tpu.memref_slice %arg3[%select_n3A, %dma_wait3A_127] : memref<1024x128xi32, #tpu.memory_space<hbm>> -> memref<4x128xi32, #tpu.memory_space<hbm>>
        %dma_wait3A_129 = arith.constant 0 : i32
        %dma_wait3A_130 = tpu.memref_slice %arg3[%select_n3A, %dma_wait3A_129] : memref<1024x128xi32, #tpu.memory_space<hbm>> -> memref<4x128xi32, #tpu.memory_space<hbm>>
        tpu.wait_dma2 semaphore(%run_scoped3A : memref<!tpu.dma_semaphore, #tpu.memory_space<semaphore_mem>>) src(%dma_wait3A_130 : memref<4x128xi32, #tpu.memory_space<hbm>>) dst(%arg7 : memref<4x128xi32, #tpu.memory_space<vmem>>)
        tpu.yield
      }) : () -> ()
      %dma_start3A = arith.constant 0 : i32
      %dma_start3A_39 = arith.constant 0 : i32
      %dma_start3A_40 = arith.constant 0 : i32
      %dma_start3A_41 = tpu.memref_slice %arg8[%dma_start3A_39, %dma_start3A_40] : memref<512x32xf32, #tpu.memory_space<vmem>> -> memref<128x32xf32, #tpu.memory_space<vmem>>
      %dma_start3A_42 = arith.constant 0 : i32
      %dma_start3A_43 = tpu.memref_slice %arg7[%dma_start3A, %dma_start3A_42] : memref<4x128xi32, #tpu.memory_space<vmem>> -> memref<1x128xi32, #tpu.memory_space<vmem>>
      %dma_start3A_44 = tpu.memref_squeeze %dma_start3A_43 : memref<1x128xi32, #tpu.memory_space<vmem>> -> memref<128xi32, #tpu.memory_space<vmem>>
      %dma_start3A_45 = arith.constant 0 : i32
      %dma_start3A_46 = arith.constant 0 : i32
      %dma_start3A_47 = tpu.memref_slice %arg2[%dma_start3A_45, %dma_start3A_46] : memref<131072x32xf32, #tpu.memory_space<hbm>> -> memref<131072x32xf32, #tpu.memory_space<hbm>>
      tpu.enqueue_indirect_dma source(%dma_start3A_47 : memref<131072x32xf32, #tpu.memory_space<hbm>>) target(%dma_start3A_41 : memref<128x32xf32, #tpu.memory_space<vmem>>) offsets(%dma_start3A_44 : memref<128xi32, #tpu.memory_space<vmem>>) semaphore(%arg11 : memref<!tpu.dma_semaphore, #tpu.memory_space<semaphore_mem>>)
      %dma_start3A_48 = arith.constant 1 : i32
      %dma_start3A_49 = arith.constant 128 : i32
      %dma_start3A_50 = arith.constant 0 : i32
      %dma_start3A_51 = tpu.memref_slice %arg8[%dma_start3A_49, %dma_start3A_50] : memref<512x32xf32, #tpu.memory_space<vmem>> -> memref<128x32xf32, #tpu.memory_space<vmem>>
      %dma_start3A_52 = arith.constant 0 : i32
      %dma_start3A_53 = tpu.memref_slice %arg7[%dma_start3A_48, %dma_start3A_52] : memref<4x128xi32, #tpu.memory_space<vmem>> -> memref<1x128xi32, #tpu.memory_space<vmem>>
      %dma_start3A_54 = tpu.memref_squeeze %dma_start3A_53 : memref<1x128xi32, #tpu.memory_space<vmem>> -> memref<128xi32, #tpu.memory_space<vmem>>
      %dma_start3A_55 = arith.constant 0 : i32
      %dma_start3A_56 = arith.constant 0 : i32
      %dma_start3A_57 = tpu.memref_slice %arg2[%dma_start3A_55, %dma_start3A_56] : memref<131072x32xf32, #tpu.memory_space<hbm>> -> memref<131072x32xf32, #tpu.memory_space<hbm>>
      tpu.enqueue_indirect_dma source(%dma_start3A_57 : memref<131072x32xf32, #tpu.memory_space<hbm>>) target(%dma_start3A_51 : memref<128x32xf32, #tpu.memory_space<vmem>>) offsets(%dma_start3A_54 : memref<128xi32, #tpu.memory_space<vmem>>) semaphore(%arg11 : memref<!tpu.dma_semaphore, #tpu.memory_space<semaphore_mem>>)
      %dma_start3A_58 = arith.constant 2 : i32
      %dma_start3A_59 = arith.constant 256 : i32
      %dma_start3A_60 = arith.constant 0 : i32
      %dma_start3A_61 = tpu.memref_slice %arg8[%dma_start3A_59, %dma_start3A_60] : memref<512x32xf32, #tpu.memory_space<vmem>> -> memref<128x32xf32, #tpu.memory_space<vmem>>
      %dma_start3A_62 = arith.constant 0 : i32
      %dma_start3A_63 = tpu.memref_slice %arg7[%dma_start3A_58, %dma_start3A_62] : memref<4x128xi32, #tpu.memory_space<vmem>> -> memref<1x128xi32, #tpu.memory_space<vmem>>
      %dma_start3A_64 = tpu.memref_squeeze %dma_start3A_63 : memref<1x128xi32, #tpu.memory_space<vmem>> -> memref<128xi32, #tpu.memory_space<vmem>>
      %dma_start3A_65 = arith.constant 0 : i32
      %dma_start3A_66 = arith.constant 0 : i32
      %dma_start3A_67 = tpu.memref_slice %arg2[%dma_start3A_65, %dma_start3A_66] : memref<131072x32xf32, #tpu.memory_space<hbm>> -> memref<131072x32xf32, #tpu.memory_space<hbm>>
      tpu.enqueue_indirect_dma source(%dma_start3A_67 : memref<131072x32xf32, #tpu.memory_space<hbm>>) target(%dma_start3A_61 : memref<128x32xf32, #tpu.memory_space<vmem>>) offsets(%dma_start3A_64 : memref<128xi32, #tpu.memory_space<vmem>>) semaphore(%arg11 : memref<!tpu.dma_semaphore, #tpu.memory_space<semaphore_mem>>)
      %dma_start3A_68 = arith.constant 3 : i32
      %dma_start3A_69 = arith.constant 384 : i32
      %dma_start3A_70 = arith.constant 0 : i32
      %dma_start3A_71 = tpu.memref_slice %arg8[%dma_start3A_69, %dma_start3A_70] : memref<512x32xf32, #tpu.memory_space<vmem>> -> memref<128x32xf32, #tpu.memory_space<vmem>>
      %dma_start3A_72 = arith.constant 0 : i32
      %dma_start3A_73 = tpu.memref_slice %arg7[%dma_start3A_68, %dma_start3A_72] : memref<4x128xi32, #tpu.memory_space<vmem>> -> memref<1x128xi32, #tpu.memory_space<vmem>>
      %dma_start3A_74 = tpu.memref_squeeze %dma_start3A_73 : memref<1x128xi32, #tpu.memory_space<vmem>> -> memref<128xi32, #tpu.memory_space<vmem>>
      %dma_start3A_75 = arith.constant 0 : i32
      %dma_start3A_76 = arith.constant 0 : i32
      %dma_start3A_77 = tpu.memref_slice %arg2[%dma_start3A_75, %dma_start3A_76] : memref<131072x32xf32, #tpu.memory_space<hbm>> -> memref<131072x32xf32, #tpu.memory_space<hbm>>
      tpu.enqueue_indirect_dma source(%dma_start3A_77 : memref<131072x32xf32, #tpu.memory_space<hbm>>) target(%dma_start3A_71 : memref<128x32xf32, #tpu.memory_space<vmem>>) offsets(%dma_start3A_74 : memref<128xi32, #tpu.memory_space<vmem>>) semaphore(%arg11 : memref<!tpu.dma_semaphore, #tpu.memory_space<semaphore_mem>>)
      %dma_wait3A = arith.constant 0 : i32
      %dma_wait3A_78 = arith.constant 0 : i32
      %dma_wait3A_79 = arith.constant 0 : i32
      %dma_wait3A_80 = tpu.memref_slice %arg8[%dma_wait3A_78, %dma_wait3A_79] : memref<512x32xf32, #tpu.memory_space<vmem>> -> memref<128x32xf32, #tpu.memory_space<vmem>>
      %dma_wait3A_81 = arith.constant 0 : i32
      %dma_wait3A_82 = tpu.memref_slice %arg7[%dma_wait3A, %dma_wait3A_81] : memref<4x128xi32, #tpu.memory_space<vmem>> -> memref<1x128xi32, #tpu.memory_space<vmem>>
      %dma_wait3A_83 = tpu.memref_squeeze %dma_wait3A_82 : memref<1x128xi32, #tpu.memory_space<vmem>> -> memref<128xi32, #tpu.memory_space<vmem>>
      %dma_wait3A_84 = arith.constant 0 : i32
      %dma_wait3A_85 = arith.constant 0 : i32
      %dma_wait3A_86 = tpu.memref_slice %arg2[%dma_wait3A_84, %dma_wait3A_85] : memref<131072x32xf32, #tpu.memory_space<hbm>> -> memref<131072x32xf32, #tpu.memory_space<hbm>>
      tpu.wait_indirect_dma semaphore(%arg11 : memref<!tpu.dma_semaphore, #tpu.memory_space<semaphore_mem>>) src(%dma_wait3A_86 : memref<131072x32xf32, #tpu.memory_space<hbm>>) dst(%dma_wait3A_80 : memref<128x32xf32, #tpu.memory_space<vmem>>)
      %dma_wait3A_87 = arith.constant 1 : i32
      %dma_wait3A_88 = arith.constant 128 : i32
      %dma_wait3A_89 = arith.constant 0 : i32
      %dma_wait3A_90 = tpu.memref_slice %arg8[%dma_wait3A_88, %dma_wait3A_89] : memref<512x32xf32, #tpu.memory_space<vmem>> -> memref<128x32xf32, #tpu.memory_space<vmem>>
      %dma_wait3A_91 = arith.constant 0 : i32
      %dma_wait3A_92 = tpu.memref_slice %arg7[%dma_wait3A_87, %dma_wait3A_91] : memref<4x128xi32, #tpu.memory_space<vmem>> -> memref<1x128xi32, #tpu.memory_space<vmem>>
      %dma_wait3A_93 = tpu.memref_squeeze %dma_wait3A_92 : memref<1x128xi32, #tpu.memory_space<vmem>> -> memref<128xi32, #tpu.memory_space<vmem>>
      %dma_wait3A_94 = arith.constant 0 : i32
      %dma_wait3A_95 = arith.constant 0 : i32
      %dma_wait3A_96 = tpu.memref_slice %arg2[%dma_wait3A_94, %dma_wait3A_95] : memref<131072x32xf32, #tpu.memory_space<hbm>> -> memref<131072x32xf32, #tpu.memory_space<hbm>>
      tpu.wait_indirect_dma semaphore(%arg11 : memref<!tpu.dma_semaphore, #tpu.memory_space<semaphore_mem>>) src(%dma_wait3A_96 : memref<131072x32xf32, #tpu.memory_space<hbm>>) dst(%dma_wait3A_90 : memref<128x32xf32, #tpu.memory_space<vmem>>)
      %dma_wait3A_97 = arith.constant 2 : i32
      %dma_wait3A_98 = arith.constant 256 : i32
      %dma_wait3A_99 = arith.constant 0 : i32
      %dma_wait3A_100 = tpu.memref_slice %arg8[%dma_wait3A_98, %dma_wait3A_99] : memref<512x32xf32, #tpu.memory_space<vmem>> -> memref<128x32xf32, #tpu.memory_space<vmem>>
      %dma_wait3A_101 = arith.constant 0 : i32
      %dma_wait3A_102 = tpu.memref_slice %arg7[%dma_wait3A_97, %dma_wait3A_101] : memref<4x128xi32, #tpu.memory_space<vmem>> -> memref<1x128xi32, #tpu.memory_space<vmem>>
      %dma_wait3A_103 = tpu.memref_squeeze %dma_wait3A_102 : memref<1x128xi32, #tpu.memory_space<vmem>> -> memref<128xi32, #tpu.memory_space<vmem>>
      %dma_wait3A_104 = arith.constant 0 : i32
      %dma_wait3A_105 = arith.constant 0 : i32
      %dma_wait3A_106 = tpu.memref_slice %arg2[%dma_wait3A_104, %dma_wait3A_105] : memref<131072x32xf32, #tpu.memory_space<hbm>> -> memref<131072x32xf32, #tpu.memory_space<hbm>>
      tpu.wait_indirect_dma semaphore(%arg11 : memref<!tpu.dma_semaphore, #tpu.memory_space<semaphore_mem>>) src(%dma_wait3A_106 : memref<131072x32xf32, #tpu.memory_space<hbm>>) dst(%dma_wait3A_100 : memref<128x32xf32, #tpu.memory_space<vmem>>)
      %dma_wait3A_107 = arith.constant 3 : i32
      %dma_wait3A_108 = arith.constant 384 : i32
      %dma_wait3A_109 = arith.constant 0 : i32
      %dma_wait3A_110 = tpu.memref_slice %arg8[%dma_wait3A_108, %dma_wait3A_109] : memref<512x32xf32, #tpu.memory_space<vmem>> -> memref<128x32xf32, #tpu.memory_space<vmem>>
      %dma_wait3A_111 = arith.constant 0 : i32
      %dma_wait3A_112 = tpu.memref_slice %arg7[%dma_wait3A_107, %dma_wait3A_111] : memref<4x128xi32, #tpu.memory_space<vmem>> -> memref<1x128xi32, #tpu.memory_space<vmem>>
      %dma_wait3A_113 = tpu.memref_squeeze %dma_wait3A_112 : memref<1x128xi32, #tpu.memory_space<vmem>> -> memref<128xi32, #tpu.memory_space<vmem>>
      %dma_wait3A_114 = arith.constant 0 : i32
      %dma_wait3A_115 = arith.constant 0 : i32
      %dma_wait3A_116 = tpu.memref_slice %arg2[%dma_wait3A_114, %dma_wait3A_115] : memref<131072x32xf32, #tpu.memory_space<hbm>> -> memref<131072x32xf32, #tpu.memory_space<hbm>>
      tpu.wait_indirect_dma semaphore(%arg11 : memref<!tpu.dma_semaphore, #tpu.memory_space<semaphore_mem>>) src(%dma_wait3A_116 : memref<131072x32xf32, #tpu.memory_space<hbm>>) dst(%dma_wait3A_110 : memref<128x32xf32, #tpu.memory_space<vmem>>)
      %scan3A_117 = arith.constant 0 : i32
      %scan3A_118 = arith.constant 0 : i32
      %scan3A_119 = arith.constant 512 : i32
      %scan3A_120 = arith.addi %scan3A_118, %scan3A_119 : i32
      %scan3A_121 = arith.constant 1 : i32
      scf.for %scan3A_123 = %scan3A_118 to %scan3A_120 step %scan3A_121  : i32 {
        %get3A_124 = arith.index_cast %scan3A_123 : i32 to index
        %get3A_125 = arith.constant 0 : index
        %get3A_126 = tpu.vector_load %arg8[%get3A_124, %get3A_125] {strides = array<i32>} : memref<512x32xf32, #tpu.memory_space<vmem>>, vector<1x16xf32>,
        %get3A_127 = vector.shape_cast %get3A_126 : vector<1x16xf32> to vector<16xf32>
        %mul3A_128 = arith.mulf %get3A_127, %get3A_4 : vector<16xf32>
        %add3A_129 = arith.addf %mul3A_128, %get3A_10 : vector<16xf32>
        %max3A = arith.constant 0.000000e+00 : f32
        %max3A_130 = vector.broadcast %max3A : f32 to vector<16xf32>
        %max3A_131 = arith.maximumf %add3A_129, %max3A_130 : vector<16xf32>
        %swap3A = arith.index_cast %scan3A_123 : i32 to index
        %swap3A_132 = arith.constant 0 : index
        %swap3A_133 = tpu.vector_load %arg8[%swap3A, %swap3A_132] {strides = array<i32>} : memref<512x32xf32, #tpu.memory_space<vmem>>, vector<1x16xf32>,
        %swap3A_134 = vector.shape_cast %swap3A_133 : vector<1x16xf32> to vector<16xf32>
        %swap3A_135 = vector.shape_cast %max3A_131 : vector<16xf32> to vector<1x16xf32>
        tpu.vector_store %arg8[%swap3A, %swap3A_132], %swap3A_135 {strides = array<i32>} : memref<512x32xf32, #tpu.memory_space<vmem>>, vector<1x16xf32>,
        %get3A_136 = arith.index_cast %scan3A_123 : i32 to index
        %get3A_137 = arith.constant 16 : index
        %get3A_138 = tpu.vector_load %arg8[%get3A_136, %get3A_137] {strides = array<i32>} : memref<512x32xf32, #tpu.memory_space<vmem>>, vector<1x16xf32>,
        %get3A_139 = vector.shape_cast %get3A_138 : vector<1x16xf32> to vector<16xf32>
        %mul3A_140 = arith.mulf %get3A_139, %get3A_7 : vector<16xf32>
        %add3A_141 = arith.addf %mul3A_140, %get3A_13 : vector<16xf32>
        %max3A_142 = arith.constant 0.000000e+00 : f32
        %max3A_143 = vector.broadcast %max3A_142 : f32 to vector<16xf32>
        %max3A_144 = arith.maximumf %add3A_141, %max3A_143 : vector<16xf32>
        %swap3A_145 = arith.index_cast %scan3A_123 : i32 to index
        %swap3A_146 = arith.constant 16 : index
        %swap3A_147 = tpu.vector_load %arg8[%swap3A_145, %swap3A_146] {strides = array<i32>} : memref<512x32xf32, #tpu.memory_space<vmem>>, vector<1x16xf32>,
        %swap3A_148 = vector.shape_cast %swap3A_147 : vector<1x16xf32> to vector<16xf32>
        %swap3A_149 = vector.shape_cast %max3A_144 : vector<16xf32> to vector<1x16xf32>
        tpu.vector_store %arg8[%swap3A_145, %swap3A_146], %swap3A_149 {strides = array<i32>} : memref<512x32xf32, #tpu.memory_space<vmem>>, vector<1x16xf32>,
      }
      %scan3A_122 = arith.constant 512 : i32
      "tpu.region"() ({
        %run_scoped3A = tpu.sem_alloc : memref<!tpu.dma_semaphore, #tpu.memory_space<semaphore_mem>>
        %dma_start3A_123 = arith.constant 0 : i32
        %dma_start3A_124 = tpu.memref_slice %arg6[%add3A_22, %dma_start3A_123] : memref<131072x32xf32, #tpu.memory_space<hbm>> -> memref<512x32xf32, #tpu.memory_space<hbm>>
        %dma_start3A_125 = arith.constant 0 : i32
        %dma_start3A_126 = tpu.memref_slice %arg6[%add3A_22, %dma_start3A_125] : memref<131072x32xf32, #tpu.memory_space<hbm>> -> memref<512x32xf32, #tpu.memory_space<hbm>>
        tpu.enqueue_dma source(%arg8 : memref<512x32xf32, #tpu.memory_space<vmem>>) target(%dma_start3A_126 : memref<512x32xf32, #tpu.memory_space<hbm>>) target_semaphore(%run_scoped3A : memref<!tpu.dma_semaphore, #tpu.memory_space<semaphore_mem>>)
        %dma_wait3A_127 = arith.constant 0 : i32
        %dma_wait3A_128 = tpu.memref_slice %arg6[%add3A_22, %dma_wait3A_127] : memref<131072x32xf32, #tpu.memory_space<hbm>> -> memref<512x32xf32, #tpu.memory_space<hbm>>
        %dma_wait3A_129 = arith.constant 0 : i32
        %dma_wait3A_130 = tpu.memref_slice %arg6[%add3A_22, %dma_wait3A_129] : memref<131072x32xf32, #tpu.memory_space<hbm>> -> memref<512x32xf32, #tpu.memory_space<hbm>>
        tpu.wait_dma2 semaphore(%run_scoped3A : memref<!tpu.dma_semaphore, #tpu.memory_space<semaphore_mem>>) src(%arg8 : memref<512x32xf32, #tpu.memory_space<vmem>>) dst(%dma_wait3A_130 : memref<512x32xf32, #tpu.memory_space<hbm>>)
        tpu.yield
      }) : () -> ()
    }
    %scan3A_18 = arith.constant 8 : i32
    return
  }
}

module attributes {stable_mosaic.version = 14 : i64} {
  func.func @_conv_body(%arg0: i32, %arg1: memref<1x4096x16xf32, #tpu.memory_space<vmem>>, %arg2: memref<1x4096x16xf32, #tpu.memory_space<vmem>>, %arg3: memref<32x432xf32, #tpu.memory_space<vmem>>, %arg4: memref<1x32x4096xf32, #tpu.memory_space<vmem>>, %arg5: memref<1x1x4096xf32, #tpu.memory_space<vmem>>, %arg6: memref<3x32xf32, #tpu.memory_space<vmem>>, %arg7: memref<3x48x4096xf32, #tpu.memory_space<vmem>>, %arg8: memref<3x2x4096xf32, #tpu.memory_space<vmem>>) attributes {dimension_semantics = [#tpu.dimension_semantics<arbitrary>], iteration_bounds = array<i64: 33>, scalar_prefetch = 0 : i64, scratch_operands = 2 : i64, tpu.core_type = #tpu.core_type<tc>, window_params = [{transform_indices = @transform_0, window_bounds = array<i64: 1, 4096, 16>}, {transform_indices = @transform_1, window_bounds = array<i64: 1, 4096, 16>}, {pipeline_mode = #tpu.pipeline_mode<synchronous>, transform_indices = @transform_2, window_bounds = array<i64: 32, 432>}, {transform_indices = @transform_3, window_bounds = array<i64: 1, 32, 4096>}, {transform_indices = @transform_4, window_bounds = array<i64: 1, 1, 4096>}, {pipeline_mode = #tpu.pipeline_mode<synchronous>, transform_indices = @transform_5, window_bounds = array<i64: 3, 32>}]} {
    %iota3A = tpu.iota {dimensions = array<i32: 1>} : vector<1x4096xi32>
    %jit3A = arith.constant 64 : i32
    %eq3A = arith.constant 0 : i32
    %eq3A_0 = arith.cmpi eq, %jit3A, %eq3A : i32
    %jit3A_1 = arith.constant 1 : i32
    %select_n3A = arith.select %eq3A_0, %jit3A_1, %jit3A : i32
    %rem3A = vector.broadcast %select_n3A : i32 to vector<1x4096xi32>
    %rem3A_2 = arith.remsi %iota3A, %rem3A : vector<1x4096xi32>
    %ne3A = arith.constant 0 : i32
    %ne3A_3 = vector.broadcast %ne3A : i32 to vector<1x4096xi32>
    %ne3A_4 = arith.cmpi ne, %rem3A_2, %ne3A_3 : vector<1x4096xi32>
    %lt3A = arith.constant 0 : i32
    %lt3A_5 = vector.broadcast %lt3A : i32 to vector<1x4096xi32>
    %lt3A_6 = arith.cmpi slt, %rem3A_2, %lt3A_5 : vector<1x4096xi32>
    %lt3A_7 = arith.constant 0 : i32
    %lt3A_8 = arith.cmpi slt, %select_n3A, %lt3A_7 : i32
    %ne3A_9 = vector.broadcast %lt3A_8 : i1 to vector<1x4096xi1>
    %ne3A_10 = vector.broadcast %ne3A_9 : vector<1x4096xi1> to vector<1x4096xi1>
    %ne3A_11 = arith.xori %lt3A_6, %ne3A_10 : vector<1x4096xi1>
    %and3A = arith.andi %ne3A_11, %ne3A_4 : vector<1x4096xi1>
    %add3A = vector.broadcast %select_n3A : i32 to vector<1x4096xi32>
    %add3A_12 = arith.addi %rem3A_2, %add3A : vector<1x4096xi32>
    %select_n3A_13 = arith.select %and3A, %add3A_12, %rem3A_2 : vector<1x4096xi1>, vector<1x4096xi32>
    %ne3A_14 = arith.constant 0 : i32
    %ne3A_15 = vector.broadcast %ne3A_14 : i32 to vector<1x4096xi32>
    %ne3A_16 = arith.cmpi ne, %select_n3A_13, %ne3A_15 : vector<1x4096xi32>
    %convert_element_type3A = arith.extui %ne3A_16 : vector<1x4096xi1> to vector<1x4096xi32>
    %convert_element_type3A_17 = arith.sitofp %convert_element_type3A : vector<1x4096xi32> to vector<1x4096xf32>
    %ne3A_18 = arith.constant 63 : i32
    %ne3A_19 = vector.broadcast %ne3A_18 : i32 to vector<1x4096xi32>
    %ne3A_20 = arith.cmpi ne, %select_n3A_13, %ne3A_19 : vector<1x4096xi32>
    %convert_element_type3A_21 = arith.extui %ne3A_20 : vector<1x4096xi1> to vector<1x4096xi32>
    %convert_element_type3A_22 = arith.sitofp %convert_element_type3A_21 : vector<1x4096xi32> to vector<1x4096xf32>
    %get3A = arith.constant 0 : index
    %get3A_23 = arith.constant 0 : index
    %get3A_24 = arith.constant 0 : index
    %get3A_25 = vector.load %arg1[%get3A, %get3A_23, %get3A_24] : memref<1x4096x16xf32, #tpu.memory_space<vmem>>, vector<1x4096x16xf32>
    %get3A_26 = vector.shape_cast %get3A_25 : vector<1x4096x16xf32> to vector<4096x16xf32>
    %transpose3A = tpu.transpose %get3A_26, [1, 0] : vector<4096x16xf32> -> vector<16x4096xf32>
    %get3A_27 = arith.constant 0 : index
    %get3A_28 = arith.constant 0 : index
    %get3A_29 = arith.constant 0 : index
    %get3A_30 = vector.load %arg2[%get3A_27, %get3A_28, %get3A_29] : memref<1x4096x16xf32, #tpu.memory_space<vmem>>, vector<1x4096x16xf32>
    %get3A_31 = vector.shape_cast %get3A_30 : vector<1x4096x16xf32> to vector<4096x16xf32>
    %transpose3A_32 = tpu.transpose %get3A_31, [1, 0] : vector<4096x16xf32> -> vector<16x4096xf32>
    %slice3A = vector.extract_strided_slice %transpose3A_32 {offsets = [0, 0], sizes = [1, 4096], strides = [1, 1]} : vector<16x4096xf32> to vector<1x4096xf32>
    %broadcast_in_dim3A = arith.constant 0.000000e+00 : f32
    %broadcast_in_dim3A_33 = vector.broadcast %broadcast_in_dim3A : f32 to vector<16x1xf32>
    %slice3A_34 = vector.extract_strided_slice %transpose3A {offsets = [0, 0], sizes = [16, 4095], strides = [1, 1]} : vector<16x4096xf32> to vector<16x4095xf32>
    %concatenate3A = tpu.concatenate %broadcast_in_dim3A_33, %slice3A_34 in 1 : vector<16x1xf32>, vector<16x4095xf32> -> vector<16x4096xf32>
    %mul3A = vector.broadcast %convert_element_type3A_17 : vector<1x4096xf32> to vector<16x4096xf32>
    %mul3A_35 = arith.mulf %concatenate3A, %mul3A : vector<16x4096xf32>
    %slice3A_36 = vector.extract_strided_slice %transpose3A {offsets = [0, 1], sizes = [16, 4095], strides = [1, 1]} : vector<16x4096xf32> to vector<16x4095xf32>
    %broadcast_in_dim3A_37 = arith.constant 0.000000e+00 : f32
    %broadcast_in_dim3A_38 = vector.broadcast %broadcast_in_dim3A_37 : f32 to vector<16x1xf32>
    %concatenate3A_39 = tpu.concatenate %slice3A_36, %broadcast_in_dim3A_38 in 1 : vector<16x4095xf32>, vector<16x1xf32> -> vector<16x4096xf32>
    %mul3A_40 = vector.broadcast %convert_element_type3A_22 : vector<1x4096xf32> to vector<16x4096xf32>
    %mul3A_41 = arith.mulf %concatenate3A_39, %mul3A_40 : vector<16x4096xf32>
    %concatenate3A_42 = tpu.concatenate %mul3A_35, %transpose3A, %mul3A_41 in 0 : vector<16x4096xf32>, vector<16x4096xf32>, vector<16x4096xf32> -> vector<48x4096xf32>
    %broadcast_in_dim3A_43 = arith.constant 0.000000e+00 : f32
    %broadcast_in_dim3A_44 = vector.broadcast %broadcast_in_dim3A_43 : f32 to vector<1x1xf32>
    %slice3A_45 = vector.extract_strided_slice %slice3A {offsets = [0, 0], sizes = [1, 4095], strides = [1, 1]} : vector<1x4096xf32> to vector<1x4095xf32>
    %concatenate3A_46 = tpu.concatenate %broadcast_in_dim3A_44, %slice3A_45 in 1 : vector<1x1xf32>, vector<1x4095xf32> -> vector<1x4096xf32>
    %mul3A_47 = arith.mulf %concatenate3A_46, %convert_element_type3A_17 : vector<1x4096xf32>
    %max3A = arith.maximumf %mul3A_47, %slice3A : vector<1x4096xf32>
    %slice3A_48 = vector.extract_strided_slice %slice3A {offsets = [0, 1], sizes = [1, 4095], strides = [1, 1]} : vector<1x4096xf32> to vector<1x4095xf32>
    %broadcast_in_dim3A_49 = arith.constant 0.000000e+00 : f32
    %broadcast_in_dim3A_50 = vector.broadcast %broadcast_in_dim3A_49 : f32 to vector<1x1xf32>
    %concatenate3A_51 = tpu.concatenate %slice3A_48, %broadcast_in_dim3A_50 in 1 : vector<1x4095xf32>, vector<1x1xf32> -> vector<1x4096xf32>
    %mul3A_52 = arith.mulf %concatenate3A_51, %convert_element_type3A_22 : vector<1x4096xf32>
    %max3A_53 = arith.maximumf %max3A, %mul3A_52 : vector<1x4096xf32>
    %concatenate3A_54 = tpu.concatenate %slice3A, %max3A_53 in 0 : vector<1x4096xf32>, vector<1x4096xf32> -> vector<2x4096xf32>
    %jit3A_55 = arith.constant 3 : i32
    %eq3A_56 = arith.constant 0 : i32
    %eq3A_57 = arith.cmpi eq, %jit3A_55, %eq3A_56 : i32
    %jit3A_58 = arith.constant 1 : i32
    %select_n3A_59 = arith.select %eq3A_57, %jit3A_58, %jit3A_55 : i32
    %rem3A_60 = arith.remsi %arg0, %select_n3A_59 : i32
    %ne3A_61 = arith.constant 0 : i32
    %ne3A_62 = arith.cmpi ne, %rem3A_60, %ne3A_61 : i32
    %lt3A_63 = arith.constant 0 : i32
    %lt3A_64 = arith.cmpi slt, %rem3A_60, %lt3A_63 : i32
    %lt3A_65 = arith.constant 0 : i32
    %lt3A_66 = arith.cmpi slt, %select_n3A_59, %lt3A_65 : i32
    %ne3A_67 = arith.xori %lt3A_64, %lt3A_66 : i1
    %and3A_68 = arith.andi %ne3A_67, %ne3A_62 : i1
    %add3A_69 = arith.addi %rem3A_60, %select_n3A_59 : i32
    %select_n3A_70 = arith.select %and3A_68, %add3A_69, %rem3A_60 : i32
    %reshape3A = vector.shape_cast %concatenate3A_42 : vector<48x4096xf32> to vector<1x48x4096xf32>
    %swap3A = arith.index_cast %select_n3A_70 : i32 to index
    %swap3A_71 = arith.constant 0 : index
    %swap3A_72 = arith.constant 0 : index
    %swap3A_73 = vector.load %arg7[%swap3A, %swap3A_71, %swap3A_72] : memref<3x48x4096xf32, #tpu.memory_space<vmem>>, vector<1x48x4096xf32>
    tpu.vector_store %arg7[%swap3A, %swap3A_71, %swap3A_72], %reshape3A {strides = array<i32>} : memref<3x48x4096xf32, #tpu.memory_space<vmem>>, vector<1x48x4096xf32>,
    %reshape3A_74 = vector.shape_cast %concatenate3A_54 : vector<2x4096xf32> to vector<1x2x4096xf32>
    %swap3A_75 = arith.index_cast %select_n3A_70 : i32 to index
    %swap3A_76 = arith.constant 0 : index
    %swap3A_77 = arith.constant 0 : index
    %swap3A_78 = vector.load %arg8[%swap3A_75, %swap3A_76, %swap3A_77] : memref<3x2x4096xf32, #tpu.memory_space<vmem>>, vector<1x2x4096xf32>
    tpu.vector_store %arg8[%swap3A_75, %swap3A_76, %swap3A_77], %reshape3A_74 {strides = array<i32>} : memref<3x2x4096xf32, #tpu.memory_space<vmem>>, vector<1x2x4096xf32>,
    %eq3A_79 = arith.constant 0 : i32
    %eq3A_80 = arith.cmpi eq, %arg0, %eq3A_79 : i32
    %convert_element_type3A_81 = arith.extui %eq3A_80 : i1 to i32
    %cond3A = arith.constant 0 : i32
    %cond3A_82 = arith.cmpi ne, %convert_element_type3A_81, %cond3A : i32
    scf.if %cond3A_82 {
      %broadcast_in_dim3A_87 = arith.constant 0.000000e+00 : f32
      %broadcast_in_dim3A_88 = vector.broadcast %broadcast_in_dim3A_87 : f32 to vector<1x48x4096xf32>
      %swap3A_89 = arith.constant 2 : index
      %swap3A_90 = arith.constant 0 : index
      %swap3A_91 = arith.constant 0 : index
      %swap3A_92 = vector.load %arg7[%swap3A_89, %swap3A_90, %swap3A_91] : memref<3x48x4096xf32, #tpu.memory_space<vmem>>, vector<1x48x4096xf32>
      tpu.vector_store %arg7[%swap3A_89, %swap3A_90, %swap3A_91], %broadcast_in_dim3A_88 {strides = array<i32>} : memref<3x48x4096xf32, #tpu.memory_space<vmem>>, vector<1x48x4096xf32>,
      %broadcast_in_dim3A_93 = arith.constant 0.000000e+00 : f32
      %broadcast_in_dim3A_94 = vector.broadcast %broadcast_in_dim3A_93 : f32 to vector<1x2x4096xf32>
      %swap3A_95 = arith.constant 2 : index
      %swap3A_96 = arith.constant 0 : index
      %swap3A_97 = arith.constant 0 : index
      %swap3A_98 = vector.load %arg8[%swap3A_95, %swap3A_96, %swap3A_97] : memref<3x2x4096xf32, #tpu.memory_space<vmem>>, vector<1x2x4096xf32>
      tpu.vector_store %arg8[%swap3A_95, %swap3A_96, %swap3A_97], %broadcast_in_dim3A_94 {strides = array<i32>} : memref<3x2x4096xf32, #tpu.memory_space<vmem>>, vector<1x2x4096xf32>,
      %broadcast_in_dim3A_99 = arith.constant 0.000000e+00 : f32
      %broadcast_in_dim3A_100 = vector.broadcast %broadcast_in_dim3A_99 : f32 to vector<3x32xf32>
      %swap3A_101 = arith.constant 0 : index
      %swap3A_102 = arith.constant 0 : index
      %swap3A_103 = vector.load %arg6[%swap3A_101, %swap3A_102] : memref<3x32xf32, #tpu.memory_space<vmem>>, vector<3x32xf32>
      tpu.vector_store %arg6[%swap3A_101, %swap3A_102], %broadcast_in_dim3A_100 {strides = array<i32>} : memref<3x32xf32, #tpu.memory_space<vmem>>, vector<3x32xf32>,
    } else {
    }
    %gt3A = arith.constant 0 : i32
    %gt3A_83 = arith.cmpi sgt, %arg0, %gt3A : i32
    %convert_element_type3A_84 = arith.extui %gt3A_83 : i1 to i32
    %cond3A_85 = arith.constant 0 : i32
    %cond3A_86 = arith.cmpi ne, %convert_element_type3A_84, %cond3A_85 : i32
    scf.if %cond3A_86 {
      %sub3A = arith.constant 1 : i32
      %sub3A_87 = arith.subi %arg0, %sub3A : i32
      %jit3A_88 = arith.constant 16 : i32
      %eq3A_89 = arith.constant 0 : i32
      %eq3A_90 = arith.cmpi eq, %jit3A_88, %eq3A_89 : i32
      %jit3A_91 = arith.constant 1 : i32
      %select_n3A_92 = arith.select %eq3A_90, %jit3A_91, %jit3A_88 : i32
      %rem3A_93 = arith.remsi %sub3A_87, %select_n3A_92 : i32
      %ne3A_94 = arith.constant 0 : i32
      %ne3A_95 = arith.cmpi ne, %rem3A_93, %ne3A_94 : i32
      %lt3A_96 = arith.constant 0 : i32
      %lt3A_97 = arith.cmpi slt, %rem3A_93, %lt3A_96 : i32
      %lt3A_98 = arith.constant 0 : i32
      %lt3A_99 = arith.cmpi slt, %select_n3A_92, %lt3A_98 : i32
      %ne3A_100 = arith.xori %lt3A_97, %lt3A_99 : i1
      %and3A_101 = arith.andi %ne3A_100, %ne3A_95 : i1
      %add3A_102 = arith.addi %rem3A_93, %select_n3A_92 : i32
      %select_n3A_103 = arith.select %and3A_101, %add3A_102, %rem3A_93 : i32
      %ne3A_104 = arith.constant 0 : i32
      %ne3A_105 = arith.cmpi ne, %select_n3A_103, %ne3A_104 : i32
      %jit3A_106 = arith.constant 1.000000e+00 : f32
      %jit3A_107 = arith.constant 0.000000e+00 : f32
      %select_n3A_108 = arith.select %ne3A_105, %jit3A_106, %jit3A_107 : f32
      %jit3A_109 = arith.constant 16 : i32
      %eq3A_110 = arith.constant 0 : i32
      %eq3A_111 = arith.cmpi eq, %jit3A_109, %eq3A_110 : i32
      %jit3A_112 = arith.constant 1 : i32
      %select_n3A_113 = arith.select %eq3A_111, %jit3A_112, %jit3A_109 : i32
      %rem3A_114 = arith.remsi %sub3A_87, %select_n3A_113 : i32
      %ne3A_115 = arith.constant 0 : i32
      %ne3A_116 = arith.cmpi ne, %rem3A_114, %ne3A_115 : i32
      %lt3A_117 = arith.constant 0 : i32
      %lt3A_118 = arith.cmpi slt, %rem3A_114, %lt3A_117 : i32
      %lt3A_119 = arith.constant 0 : i32
      %lt3A_120 = arith.cmpi slt, %select_n3A_113, %lt3A_119 : i32
      %ne3A_121 = arith.xori %lt3A_118, %lt3A_120 : i1
      %and3A_122 = arith.andi %ne3A_121, %ne3A_116 : i1
      %add3A_123 = arith.addi %rem3A_114, %select_n3A_113 : i32
      %select_n3A_124 = arith.select %and3A_122, %add3A_123, %rem3A_114 : i32
      %ne3A_125 = arith.constant 15 : i32
      %ne3A_126 = arith.cmpi ne, %select_n3A_124, %ne3A_125 : i32
      %jit3A_127 = arith.constant 1.000000e+00 : f32
      %jit3A_128 = arith.constant 0.000000e+00 : f32
      %select_n3A_129 = arith.select %ne3A_126, %jit3A_127, %jit3A_128 : f32
      %sub3A_130 = arith.constant 2 : i32
      %sub3A_131 = arith.subi %arg0, %sub3A_130 : i32
      %jit3A_132 = arith.constant 3 : i32
      %eq3A_133 = arith.constant 0 : i32
      %eq3A_134 = arith.cmpi eq, %jit3A_132, %eq3A_133 : i32
      %jit3A_135 = arith.constant 1 : i32
      %select_n3A_136 = arith.select %eq3A_134, %jit3A_135, %jit3A_132 : i32
      %rem3A_137 = arith.remsi %sub3A_131, %select_n3A_136 : i32
      %ne3A_138 = arith.constant 0 : i32
      %ne3A_139 = arith.cmpi ne, %rem3A_137, %ne3A_138 : i32
      %lt3A_140 = arith.constant 0 : i32
      %lt3A_141 = arith.cmpi slt, %rem3A_137, %lt3A_140 : i32
      %lt3A_142 = arith.constant 0 : i32
      %lt3A_143 = arith.cmpi slt, %select_n3A_136, %lt3A_142 : i32
      %ne3A_144 = arith.xori %lt3A_141, %lt3A_143 : i1
      %and3A_145 = arith.andi %ne3A_144, %ne3A_139 : i1
      %add3A_146 = arith.addi %rem3A_137, %select_n3A_136 : i32
      %select_n3A_147 = arith.select %and3A_145, %add3A_146, %rem3A_137 : i32
      %sub3A_148 = arith.constant 1 : i32
      %sub3A_149 = arith.subi %arg0, %sub3A_148 : i32
      %jit3A_150 = arith.constant 3 : i32
      %eq3A_151 = arith.constant 0 : i32
      %eq3A_152 = arith.cmpi eq, %jit3A_150, %eq3A_151 : i32
      %jit3A_153 = arith.constant 1 : i32
      %select_n3A_154 = arith.select %eq3A_152, %jit3A_153, %jit3A_150 : i32
      %rem3A_155 = arith.remsi %sub3A_149, %select_n3A_154 : i32
      %ne3A_156 = arith.constant 0 : i32
      %ne3A_157 = arith.cmpi ne, %rem3A_155, %ne3A_156 : i32
      %lt3A_158 = arith.constant 0 : i32
      %lt3A_159 = arith.cmpi slt, %rem3A_155, %lt3A_158 : i32
      %lt3A_160 = arith.constant 0 : i32
      %lt3A_161 = arith.cmpi slt, %select_n3A_154, %lt3A_160 : i32
      %ne3A_162 = arith.xori %lt3A_159, %lt3A_161 : i1
      %and3A_163 = arith.andi %ne3A_162, %ne3A_157 : i1
      %add3A_164 = arith.addi %rem3A_155, %select_n3A_154 : i32
      %select_n3A_165 = arith.select %and3A_163, %add3A_164, %rem3A_155 : i32
      %get3A_166 = arith.index_cast %select_n3A_147 : i32 to index
      %get3A_167 = arith.constant 0 : index
      %get3A_168 = arith.constant 0 : index
      %get3A_169 = vector.load %arg7[%get3A_166, %get3A_167, %get3A_168] : memref<3x48x4096xf32, #tpu.memory_space<vmem>>, vector<1x48x4096xf32>
      %squeeze3A = vector.shape_cast %get3A_169 : vector<1x48x4096xf32> to vector<48x4096xf32>
      %mul3A_170 = vector.broadcast %select_n3A_108 : f32 to vector<48x4096xf32>
      %mul3A_171 = arith.mulf %squeeze3A, %mul3A_170 : vector<48x4096xf32>
      %get3A_172 = arith.index_cast %select_n3A_165 : i32 to index
      %get3A_173 = arith.constant 0 : index
      %get3A_174 = arith.constant 0 : index
      %get3A_175 = vector.load %arg7[%get3A_172, %get3A_173, %get3A_174] : memref<3x48x4096xf32, #tpu.memory_space<vmem>>, vector<1x48x4096xf32>
      %squeeze3A_176 = vector.shape_cast %get3A_175 : vector<1x48x4096xf32> to vector<48x4096xf32>
      %get3A_177 = arith.index_cast %select_n3A_70 : i32 to index
      %get3A_178 = arith.constant 0 : index
      %get3A_179 = arith.constant 0 : index
      %get3A_180 = vector.load %arg7[%get3A_177, %get3A_178, %get3A_179] : memref<3x48x4096xf32, #tpu.memory_space<vmem>>, vector<1x48x4096xf32>
      %squeeze3A_181 = vector.shape_cast %get3A_180 : vector<1x48x4096xf32> to vector<48x4096xf32>
      %mul3A_182 = vector.broadcast %select_n3A_129 : f32 to vector<48x4096xf32>
      %mul3A_183 = arith.mulf %squeeze3A_181, %mul3A_182 : vector<48x4096xf32>
      %concatenate3A_184 = tpu.concatenate %mul3A_171, %squeeze3A_176, %mul3A_183 in 0 : vector<48x4096xf32>, vector<48x4096xf32>, vector<48x4096xf32> -> vector<144x4096xf32>
      %get3A_185 = arith.constant 0 : index
      %get3A_186 = arith.constant 0 : index
      %get3A_187 = vector.load %arg3[%get3A_185, %get3A_186] : memref<32x432xf32, #tpu.memory_space<vmem>>, vector<32x144xf32>
      %dot_general3A = arith.constant dense<0.000000e+00> : vector<32x4096xf32>
      %dot_general3A_188 = tpu.matmul %get3A_187, %concatenate3A_184, %dot_general3A {dimension_numbers = #tpu.dot_dimension_numbers<[1], [0], [0], [1], [0, 0, 1, 1], [], []>, transpose_lhs_hint = false} : vector<32x144xf32>, vector<144x4096xf32>, vector<32x4096xf32> -> vector<32x4096xf32>
      %broadcast_in_dim3A_189 = arith.constant 0.000000e+00 : f32
      %broadcast_in_dim3A_190 = vector.broadcast %broadcast_in_dim3A_189 : f32 to vector<32x64xf32>
      %slice3A_191 = vector.extract_strided_slice %dot_general3A_188 {offsets = [0, 0], sizes = [32, 4032], strides = [1, 1]} : vector<32x4096xf32> to vector<32x4032xf32>
      %concatenate3A_192 = tpu.concatenate %broadcast_in_dim3A_190, %slice3A_191 in 1 : vector<32x64xf32>, vector<32x4032xf32> -> vector<32x4096xf32>
      %get3A_193 = arith.constant 0 : index
      %get3A_194 = arith.constant 144 : index
      %get3A_195 = vector.load %arg3[%get3A_193, %get3A_194] : memref<32x432xf32, #tpu.memory_space<vmem>>, vector<32x144xf32>
      %dot_general3A_196 = arith.constant dense<0.000000e+00> : vector<32x4096xf32>
      %dot_general3A_197 = tpu.matmul %get3A_195, %concatenate3A_184, %dot_general3A_196 {dimension_numbers = #tpu.dot_dimension_numbers<[1], [0], [0], [1], [0, 0, 1, 1], [], []>, transpose_lhs_hint = false} : vector<32x144xf32>, vector<144x4096xf32>, vector<32x4096xf32> -> vector<32x4096xf32>
      %add3A_198 = arith.addf %concatenate3A_192, %dot_general3A_197 : vector<32x4096xf32>
      %get3A_199 = arith.constant 0 : index
      %get3A_200 = arith.constant 288 : index
      %get3A_201 = vector.load %arg3[%get3A_199, %get3A_200] : memref<32x432xf32, #tpu.memory_space<vmem>>, vector<32x144xf32>
      %dot_general3A_202 = arith.constant dense<0.000000e+00> : vector<32x4096xf32>
      %dot_general3A_203 = tpu.matmul %get3A_201, %concatenate3A_184, %dot_general3A_202 {dimension_numbers = #tpu.dot_dimension_numbers<[1], [0], [0], [1], [0, 0, 1, 1], [], []>, transpose_lhs_hint = false} : vector<32x144xf32>, vector<144x4096xf32>, vector<32x4096xf32> -> vector<32x4096xf32>
      %slice3A_204 = vector.extract_strided_slice %dot_general3A_203 {offsets = [0, 64], sizes = [32, 4032], strides = [1, 1]} : vector<32x4096xf32> to vector<32x4032xf32>
      %broadcast_in_dim3A_205 = arith.constant 0.000000e+00 : f32
      %broadcast_in_dim3A_206 = vector.broadcast %broadcast_in_dim3A_205 : f32 to vector<32x64xf32>
      %concatenate3A_207 = tpu.concatenate %slice3A_204, %broadcast_in_dim3A_206 in 1 : vector<32x4032xf32>, vector<32x64xf32> -> vector<32x4096xf32>
      %add3A_208 = arith.addf %add3A_198, %concatenate3A_207 : vector<32x4096xf32>
      %get3A_209 = arith.index_cast %select_n3A_147 : i32 to index
      %get3A_210 = arith.constant 0 : index
      %get3A_211 = arith.constant 0 : index
      %get3A_212 = vector.load %arg8[%get3A_209, %get3A_210, %get3A_211] : memref<3x2x4096xf32, #tpu.memory_space<vmem>>, vector<1x2x4096xf32>
      %slice3A_213 = vector.extract_strided_slice %get3A_212 {offsets = [0, 1, 0], sizes = [1, 1, 4096], strides = [1, 1, 1]} : vector<1x2x4096xf32> to vector<1x1x4096xf32>
      %squeeze3A_214 = vector.shape_cast %slice3A_213 : vector<1x1x4096xf32> to vector<1x4096xf32>
      %mul3A_215 = vector.broadcast %select_n3A_108 : f32 to vector<1x4096xf32>
      %mul3A_216 = arith.mulf %squeeze3A_214, %mul3A_215 : vector<1x4096xf32>
      %get3A_217 = arith.index_cast %select_n3A_165 : i32 to index
      %get3A_218 = arith.constant 0 : index
      %get3A_219 = arith.constant 0 : index
      %get3A_220 = vector.load %arg8[%get3A_217, %get3A_218, %get3A_219] : memref<3x2x4096xf32, #tpu.memory_space<vmem>>, vector<1x2x4096xf32>
      %slice3A_221 = vector.extract_strided_slice %get3A_220 {offsets = [0, 1, 0], sizes = [1, 1, 4096], strides = [1, 1, 1]} : vector<1x2x4096xf32> to vector<1x1x4096xf32>
      %squeeze3A_222 = vector.shape_cast %slice3A_221 : vector<1x1x4096xf32> to vector<1x4096xf32>
      %max3A_223 = arith.maximumf %mul3A_216, %squeeze3A_222 : vector<1x4096xf32>
      %get3A_224 = arith.index_cast %select_n3A_70 : i32 to index
      %get3A_225 = arith.constant 0 : index
      %get3A_226 = arith.constant 0 : index
      %get3A_227 = vector.load %arg8[%get3A_224, %get3A_225, %get3A_226] : memref<3x2x4096xf32, #tpu.memory_space<vmem>>, vector<1x2x4096xf32>
      %slice3A_228 = vector.extract_strided_slice %get3A_227 {offsets = [0, 1, 0], sizes = [1, 1, 4096], strides = [1, 1, 1]} : vector<1x2x4096xf32> to vector<1x1x4096xf32>
      %squeeze3A_229 = vector.shape_cast %slice3A_228 : vector<1x1x4096xf32> to vector<1x4096xf32>
      %mul3A_230 = vector.broadcast %select_n3A_129 : f32 to vector<1x4096xf32>
      %mul3A_231 = arith.mulf %squeeze3A_229, %mul3A_230 : vector<1x4096xf32>
      %max3A_232 = arith.maximumf %max3A_223, %mul3A_231 : vector<1x4096xf32>
      %broadcast_in_dim3A_233 = arith.constant 0.000000e+00 : f32
      %broadcast_in_dim3A_234 = vector.broadcast %broadcast_in_dim3A_233 : f32 to vector<1x64xf32>
      %slice3A_235 = vector.extract_strided_slice %max3A_232 {offsets = [0, 0], sizes = [1, 4032], strides = [1, 1]} : vector<1x4096xf32> to vector<1x4032xf32>
      %concatenate3A_236 = tpu.concatenate %broadcast_in_dim3A_234, %slice3A_235 in 1 : vector<1x64xf32>, vector<1x4032xf32> -> vector<1x4096xf32>
      %max3A_237 = arith.maximumf %concatenate3A_236, %max3A_232 : vector<1x4096xf32>
      %slice3A_238 = vector.extract_strided_slice %max3A_232 {offsets = [0, 64], sizes = [1, 4032], strides = [1, 1]} : vector<1x4096xf32> to vector<1x4032xf32>
      %broadcast_in_dim3A_239 = arith.constant 0.000000e+00 : f32
      %broadcast_in_dim3A_240 = vector.broadcast %broadcast_in_dim3A_239 : f32 to vector<1x64xf32>
      %concatenate3A_241 = tpu.concatenate %slice3A_238, %broadcast_in_dim3A_240 in 1 : vector<1x4032xf32>, vector<1x64xf32> -> vector<1x4096xf32>
      %max3A_242 = arith.maximumf %max3A_237, %concatenate3A_241 : vector<1x4096xf32>
      %swap3A_243 = arith.constant 0 : index
      %swap3A_244 = arith.constant 0 : index
      %swap3A_245 = arith.constant 0 : index
      %swap3A_246 = vector.load %arg5[%swap3A_243, %swap3A_244, %swap3A_245] : memref<1x1x4096xf32, #tpu.memory_space<vmem>>, vector<1x1x4096xf32>
      %swap3A_247 = vector.shape_cast %swap3A_246 : vector<1x1x4096xf32> to vector<1x4096xf32>
      %swap3A_248 = vector.shape_cast %max3A_242 : vector<1x4096xf32> to vector<1x1x4096xf32>
      tpu.vector_store %arg5[%swap3A_243, %swap3A_244, %swap3A_245], %swap3A_248 {strides = array<i32>} : memref<1x1x4096xf32, #tpu.memory_space<vmem>>, vector<1x1x4096xf32>,
      %swap3A_249 = arith.constant 0 : index
      %swap3A_250 = arith.constant 0 : index
      %swap3A_251 = arith.constant 0 : index
      %swap3A_252 = vector.load %arg4[%swap3A_249, %swap3A_250, %swap3A_251] : memref<1x32x4096xf32, #tpu.memory_space<vmem>>, vector<1x32x4096xf32>
      %swap3A_253 = vector.shape_cast %swap3A_252 : vector<1x32x4096xf32> to vector<32x4096xf32>
      %swap3A_254 = vector.shape_cast %add3A_208 : vector<32x4096xf32> to vector<1x32x4096xf32>
      tpu.vector_store %arg4[%swap3A_249, %swap3A_250, %swap3A_251], %swap3A_254 {strides = array<i32>} : memref<1x32x4096xf32, #tpu.memory_space<vmem>>, vector<1x32x4096xf32>,
      %reduce_sum3A = vector.shape_cast %max3A_242 : vector<1x4096xf32> to vector<1x1x4096xf32>
      %reduce_sum3A_255 = arith.constant dense<0.000000e+00> : vector<1xf32>
      %reduce_sum3A_256 = vector.multi_reduction <add>, %reduce_sum3A, %reduce_sum3A_255 [1, 2] : vector<1x1x4096xf32> to vector<1xf32>
      %reduce_sum3A_257 = vector.shape_cast %reduce_sum3A_256 : vector<1xf32> to vector<1x1x1xf32>
      %reduce_sum3A_258 = vector.extract %reduce_sum3A_257[0, 0, 0] : f32 from vector<1x1x1xf32>
      %mul3A_259 = vector.broadcast %max3A_242 : vector<1x4096xf32> to vector<32x4096xf32>
      %mul3A_260 = arith.mulf %add3A_208, %mul3A_259 : vector<32x4096xf32>
      %reduce_sum3A_261 = arith.constant dense<0.000000e+00> : vector<32xf32>
      %reduce_sum3A_262 = vector.multi_reduction <add>, %mul3A_260, %reduce_sum3A_261 [1] : vector<32x4096xf32> to vector<32xf32>
      %mul3A_263 = arith.mulf %add3A_208, %add3A_208 : vector<32x4096xf32>
      %mul3A_264 = vector.broadcast %max3A_242 : vector<1x4096xf32> to vector<32x4096xf32>
      %mul3A_265 = arith.mulf %mul3A_263, %mul3A_264 : vector<32x4096xf32>
      %reduce_sum3A_266 = arith.constant dense<0.000000e+00> : vector<32xf32>
      %reduce_sum3A_267 = vector.multi_reduction <add>, %mul3A_265, %reduce_sum3A_266 [1] : vector<32x4096xf32> to vector<32xf32>
      %get3A_268 = arith.constant 0 : index
      %get3A_269 = arith.constant 0 : index
      %get3A_270 = vector.load %arg6[%get3A_268, %get3A_269] : memref<3x32xf32, #tpu.memory_space<vmem>>, vector<3x32xf32>
      %broadcast_in_dim3A_271 = vector.broadcast %reduce_sum3A_258 : f32 to vector<1x32xf32>
      %reshape3A_272 = vector.shape_cast %reduce_sum3A_262 : vector<32xf32> to vector<1x32xf32>
      %reshape3A_273 = vector.shape_cast %reduce_sum3A_267 : vector<32xf32> to vector<1x32xf32>
      %concatenate3A_274 = tpu.concatenate %broadcast_in_dim3A_271, %reshape3A_272, %reshape3A_273 in 0 : vector<1x32xf32>, vector<1x32xf32>, vector<1x32xf32> -> vector<3x32xf32>
      %add3A_275 = arith.addf %get3A_270, %concatenate3A_274 : vector<3x32xf32>
      %swap3A_276 = arith.constant 0 : index
      %swap3A_277 = arith.constant 0 : index
      %swap3A_278 = vector.load %arg6[%swap3A_276, %swap3A_277] : memref<3x32xf32, #tpu.memory_space<vmem>>, vector<3x32xf32>
      tpu.vector_store %arg6[%swap3A_276, %swap3A_277], %add3A_275 {strides = array<i32>} : memref<3x32xf32, #tpu.memory_space<vmem>>, vector<3x32xf32>,
    } else {
    }
    return
  }
  func.func @transform_0(%arg0: i32) -> (i32, i32, i32) {
    %jit3A = arith.constant 0 : i32
    %jit3A_0 = arith.constant 31 : i32
    %max3A = arith.maxsi %jit3A, %arg0 : i32
    %min3A = arith.minsi %jit3A_0, %max3A : i32
    %ge3A = arith.constant 16 : i32
    %ge3A_1 = arith.cmpi sge, %min3A, %ge3A : i32
    %convert_element_type3A = arith.extui %ge3A_1 : i1 to i32
    %add3A = arith.addi %min3A, %convert_element_type3A : i32
    %c0_i32 = arith.constant 0 : i32
    %c0_i32_2 = arith.constant 0 : i32
    %c0_i32_3 = arith.constant 0 : i32
    return %add3A, %c0_i32, %c0_i32_2 : i32, i32, i32
  }
  func.func @transform_1(%arg0: i32) -> (i32, i32, i32) {
    %jit3A = arith.constant 0 : i32
    %jit3A_0 = arith.constant 31 : i32
    %max3A = arith.maxsi %jit3A, %arg0 : i32
    %min3A = arith.minsi %jit3A_0, %max3A : i32
    %ge3A = arith.constant 16 : i32
    %ge3A_1 = arith.cmpi sge, %min3A, %ge3A : i32
    %convert_element_type3A = arith.extui %ge3A_1 : i1 to i32
    %add3A = arith.addi %min3A, %convert_element_type3A : i32
    %c0_i32 = arith.constant 0 : i32
    %c0_i32_2 = arith.constant 0 : i32
    %c0_i32_3 = arith.constant 0 : i32
    return %add3A, %c0_i32, %c0_i32_2 : i32, i32, i32
  }
  func.func @transform_2(%arg0: i32) -> (i32, i32) {
    %c0_i32 = arith.constant 0 : i32
    %c0_i32_0 = arith.constant 0 : i32
    %c0_i32_1 = arith.constant 0 : i32
    return %c0_i32, %c0_i32_0 : i32, i32
  }
  func.func @transform_3(%arg0: i32) -> (i32, i32, i32) {
    %sub3A = arith.constant 1 : i32
    %sub3A_0 = arith.subi %arg0, %sub3A : i32
    %jit3A = arith.constant 0 : i32
    %jit3A_1 = arith.constant 31 : i32
    %max3A = arith.maxsi %jit3A, %sub3A_0 : i32
    %min3A = arith.minsi %jit3A_1, %max3A : i32
    %c0_i32 = arith.constant 0 : i32
    %c0_i32_2 = arith.constant 0 : i32
    %c0_i32_3 = arith.constant 0 : i32
    return %min3A, %c0_i32, %c0_i32_2 : i32, i32, i32
  }
  func.func @transform_4(%arg0: i32) -> (i32, i32, i32) {
    %sub3A = arith.constant 1 : i32
    %sub3A_0 = arith.subi %arg0, %sub3A : i32
    %jit3A = arith.constant 0 : i32
    %jit3A_1 = arith.constant 31 : i32
    %max3A = arith.maxsi %jit3A, %sub3A_0 : i32
    %min3A = arith.minsi %jit3A_1, %max3A : i32
    %c0_i32 = arith.constant 0 : i32
    %c0_i32_2 = arith.constant 0 : i32
    %c0_i32_3 = arith.constant 0 : i32
    return %min3A, %c0_i32, %c0_i32_2 : i32, i32, i32
  }
  func.func @transform_5(%arg0: i32) -> (i32, i32) {
    %c0_i32 = arith.constant 0 : i32
    %c0_i32_0 = arith.constant 0 : i32
    %c0_i32_1 = arith.constant 0 : i32
    return %c0_i32, %c0_i32_0 : i32, i32
  }
}

module attributes {stable_mosaic.version = 14 : i64} {
  func.func @_conv_body(%arg0: i32, %arg1: memref<1x32x4096xf32, #tpu.memory_space<vmem>>, %arg2: memref<1x1x4096xf32, #tpu.memory_space<vmem>>, %arg3: memref<3x32xf32, #tpu.memory_space<vmem>>, %arg4: memref<1x32xf32, #tpu.memory_space<vmem>>, %arg5: memref<1x32xf32, #tpu.memory_space<vmem>>, %arg6: memref<32x864xf32, #tpu.memory_space<vmem>>, %arg7: memref<1x32x4096xf32, #tpu.memory_space<vmem>>, %arg8: memref<3x32xf32, #tpu.memory_space<vmem>>, %arg9: memref<3x96x4096xf32, #tpu.memory_space<vmem>>, %arg10: memref<3x1x4096xf32, #tpu.memory_space<vmem>>) attributes {dimension_semantics = [#tpu.dimension_semantics<arbitrary>], iteration_bounds = array<i64: 33>, scalar_prefetch = 0 : i64, scratch_operands = 2 : i64, tpu.core_type = #tpu.core_type<tc>, window_params = [{transform_indices = @transform_0, window_bounds = array<i64: 1, 32, 4096>}, {transform_indices = @transform_1, window_bounds = array<i64: 1, 1, 4096>}, {pipeline_mode = #tpu.pipeline_mode<synchronous>, transform_indices = @transform_2, window_bounds = array<i64: 3, 32>}, {pipeline_mode = #tpu.pipeline_mode<synchronous>, transform_indices = @transform_3, window_bounds = array<i64: 1, 32>}, {pipeline_mode = #tpu.pipeline_mode<synchronous>, transform_indices = @transform_4, window_bounds = array<i64: 1, 32>}, {pipeline_mode = #tpu.pipeline_mode<synchronous>, transform_indices = @transform_5, window_bounds = array<i64: 32, 864>}, {transform_indices = @transform_6, window_bounds = array<i64: 1, 32, 4096>}, {pipeline_mode = #tpu.pipeline_mode<synchronous>, transform_indices = @transform_7, window_bounds = array<i64: 3, 32>}]} {
    %iota3A = tpu.iota {dimensions = array<i32: 1>} : vector<1x4096xi32>
    %jit3A = arith.constant 64 : i32
    %eq3A = arith.constant 0 : i32
    %eq3A_0 = arith.cmpi eq, %jit3A, %eq3A : i32
    %jit3A_1 = arith.constant 1 : i32
    %select_n3A = arith.select %eq3A_0, %jit3A_1, %jit3A : i32
    %rem3A = vector.broadcast %select_n3A : i32 to vector<1x4096xi32>
    %rem3A_2 = arith.remsi %iota3A, %rem3A : vector<1x4096xi32>
    %ne3A = arith.constant 0 : i32
    %ne3A_3 = vector.broadcast %ne3A : i32 to vector<1x4096xi32>
    %ne3A_4 = arith.cmpi ne, %rem3A_2, %ne3A_3 : vector<1x4096xi32>
    %lt3A = arith.constant 0 : i32
    %lt3A_5 = vector.broadcast %lt3A : i32 to vector<1x4096xi32>
    %lt3A_6 = arith.cmpi slt, %rem3A_2, %lt3A_5 : vector<1x4096xi32>
    %lt3A_7 = arith.constant 0 : i32
    %lt3A_8 = arith.cmpi slt, %select_n3A, %lt3A_7 : i32
    %ne3A_9 = vector.broadcast %lt3A_8 : i1 to vector<1x4096xi1>
    %ne3A_10 = vector.broadcast %ne3A_9 : vector<1x4096xi1> to vector<1x4096xi1>
    %ne3A_11 = arith.xori %lt3A_6, %ne3A_10 : vector<1x4096xi1>
    %and3A = arith.andi %ne3A_11, %ne3A_4 : vector<1x4096xi1>
    %add3A = vector.broadcast %select_n3A : i32 to vector<1x4096xi32>
    %add3A_12 = arith.addi %rem3A_2, %add3A : vector<1x4096xi32>
    %select_n3A_13 = arith.select %and3A, %add3A_12, %rem3A_2 : vector<1x4096xi1>, vector<1x4096xi32>
    %ne3A_14 = arith.constant 0 : i32
    %ne3A_15 = vector.broadcast %ne3A_14 : i32 to vector<1x4096xi32>
    %ne3A_16 = arith.cmpi ne, %select_n3A_13, %ne3A_15 : vector<1x4096xi32>
    %convert_element_type3A = arith.extui %ne3A_16 : vector<1x4096xi1> to vector<1x4096xi32>
    %convert_element_type3A_17 = arith.sitofp %convert_element_type3A : vector<1x4096xi32> to vector<1x4096xf32>
    %ne3A_18 = arith.constant 63 : i32
    %ne3A_19 = vector.broadcast %ne3A_18 : i32 to vector<1x4096xi32>
    %ne3A_20 = arith.cmpi ne, %select_n3A_13, %ne3A_19 : vector<1x4096xi32>
    %convert_element_type3A_21 = arith.extui %ne3A_20 : vector<1x4096xi1> to vector<1x4096xi32>
    %convert_element_type3A_22 = arith.sitofp %convert_element_type3A_21 : vector<1x4096xi32> to vector<1x4096xf32>
    %get3A = arith.constant 0 : index
    %get3A_23 = arith.constant 0 : index
    %get3A_24 = vector.load %arg3[%get3A, %get3A_23] : memref<3x32xf32, #tpu.memory_space<vmem>>, vector<3x32xf32>
    %slice3A = vector.extract_strided_slice %get3A_24 {offsets = [1, 0], sizes = [1, 32], strides = [1, 1]} : vector<3x32xf32> to vector<1x32xf32>
    %slice3A_25 = vector.extract_strided_slice %get3A_24 {offsets = [0, 0], sizes = [1, 32], strides = [1, 1]} : vector<3x32xf32> to vector<1x32xf32>
    %div3A = arith.divf %slice3A, %slice3A_25 : vector<1x32xf32>
    %slice3A_26 = vector.extract_strided_slice %get3A_24 {offsets = [2, 0], sizes = [1, 32], strides = [1, 1]} : vector<3x32xf32> to vector<1x32xf32>
    %slice3A_27 = vector.extract_strided_slice %get3A_24 {offsets = [0, 0], sizes = [1, 32], strides = [1, 1]} : vector<3x32xf32> to vector<1x32xf32>
    %div3A_28 = arith.divf %slice3A_26, %slice3A_27 : vector<1x32xf32>
    %mul3A = arith.mulf %div3A, %div3A : vector<1x32xf32>
    %sub3A = arith.subf %div3A_28, %mul3A : vector<1x32xf32>
    %get3A_29 = arith.constant 0 : index
    %get3A_30 = arith.constant 0 : index
    %get3A_31 = vector.load %arg4[%get3A_29, %get3A_30] : memref<1x32xf32, #tpu.memory_space<vmem>>, vector<1x32xf32>
    %add3A_32 = arith.constant 1.000000e-03 : f32
    %add3A_33 = vector.broadcast %add3A_32 : f32 to vector<1x32xf32>
    %add3A_34 = arith.addf %sub3A, %add3A_33 : vector<1x32xf32>
    %rsqrt3A = math.rsqrt %add3A_34 : vector<1x32xf32>
    %mul3A_35 = arith.mulf %get3A_31, %rsqrt3A : vector<1x32xf32>
    %get3A_36 = arith.constant 0 : index
    %get3A_37 = arith.constant 0 : index
    %get3A_38 = vector.load %arg5[%get3A_36, %get3A_37] : memref<1x32xf32, #tpu.memory_space<vmem>>, vector<1x32xf32>
    %mul3A_39 = arith.mulf %div3A, %mul3A_35 : vector<1x32xf32>
    %sub3A_40 = arith.subf %get3A_38, %mul3A_39 : vector<1x32xf32>
    %get3A_41 = arith.constant 0 : index
    %get3A_42 = arith.constant 0 : index
    %get3A_43 = arith.constant 0 : index
    %get3A_44 = vector.load %arg2[%get3A_41, %get3A_42, %get3A_43] : memref<1x1x4096xf32, #tpu.memory_space<vmem>>, vector<1x1x4096xf32>
    %get3A_45 = vector.shape_cast %get3A_44 : vector<1x1x4096xf32> to vector<1x4096xf32>
    %get3A_46 = arith.constant 0 : index
    %get3A_47 = arith.constant 0 : index
    %get3A_48 = arith.constant 0 : index
    %get3A_49 = vector.load %arg1[%get3A_46, %get3A_47, %get3A_48] : memref<1x32x4096xf32, #tpu.memory_space<vmem>>, vector<1x32x4096xf32>
    %get3A_50 = vector.shape_cast %get3A_49 : vector<1x32x4096xf32> to vector<32x4096xf32>
    %transpose3A = tpu.transpose %mul3A_35, [1, 0] : vector<1x32xf32> -> vector<32x1xf32>
    %mul3A_51 = vector.broadcast %transpose3A : vector<32x1xf32> to vector<32x4096xf32>
    %mul3A_52 = arith.mulf %get3A_50, %mul3A_51 : vector<32x4096xf32>
    %transpose3A_53 = tpu.transpose %sub3A_40, [1, 0] : vector<1x32xf32> -> vector<32x1xf32>
    %add3A_54 = vector.broadcast %transpose3A_53 : vector<32x1xf32> to vector<32x4096xf32>
    %add3A_55 = arith.addf %mul3A_52, %add3A_54 : vector<32x4096xf32>
    %max3A = arith.constant 0.000000e+00 : f32
    %max3A_56 = vector.broadcast %max3A : f32 to vector<32x4096xf32>
    %max3A_57 = arith.maximumf %add3A_55, %max3A_56 : vector<32x4096xf32>
    %mul3A_58 = vector.broadcast %get3A_45 : vector<1x4096xf32> to vector<32x4096xf32>
    %mul3A_59 = arith.mulf %max3A_57, %mul3A_58 : vector<32x4096xf32>
    %broadcast_in_dim3A = arith.constant 0.000000e+00 : f32
    %broadcast_in_dim3A_60 = vector.broadcast %broadcast_in_dim3A : f32 to vector<32x1xf32>
    %slice3A_61 = vector.extract_strided_slice %mul3A_59 {offsets = [0, 0], sizes = [32, 4095], strides = [1, 1]} : vector<32x4096xf32> to vector<32x4095xf32>
    %concatenate3A = tpu.concatenate %broadcast_in_dim3A_60, %slice3A_61 in 1 : vector<32x1xf32>, vector<32x4095xf32> -> vector<32x4096xf32>
    %mul3A_62 = vector.broadcast %convert_element_type3A_17 : vector<1x4096xf32> to vector<32x4096xf32>
    %mul3A_63 = arith.mulf %concatenate3A, %mul3A_62 : vector<32x4096xf32>
    %slice3A_64 = vector.extract_strided_slice %mul3A_59 {offsets = [0, 1], sizes = [32, 4095], strides = [1, 1]} : vector<32x4096xf32> to vector<32x4095xf32>
    %broadcast_in_dim3A_65 = arith.constant 0.000000e+00 : f32
    %broadcast_in_dim3A_66 = vector.broadcast %broadcast_in_dim3A_65 : f32 to vector<32x1xf32>
    %concatenate3A_67 = tpu.concatenate %slice3A_64, %broadcast_in_dim3A_66 in 1 : vector<32x4095xf32>, vector<32x1xf32> -> vector<32x4096xf32>
    %mul3A_68 = vector.broadcast %convert_element_type3A_22 : vector<1x4096xf32> to vector<32x4096xf32>
    %mul3A_69 = arith.mulf %concatenate3A_67, %mul3A_68 : vector<32x4096xf32>
    %concatenate3A_70 = tpu.concatenate %mul3A_63, %mul3A_59, %mul3A_69 in 0 : vector<32x4096xf32>, vector<32x4096xf32>, vector<32x4096xf32> -> vector<96x4096xf32>
    %jit3A_71 = arith.constant 3 : i32
    %eq3A_72 = arith.constant 0 : i32
    %eq3A_73 = arith.cmpi eq, %jit3A_71, %eq3A_72 : i32
    %jit3A_74 = arith.constant 1 : i32
    %select_n3A_75 = arith.select %eq3A_73, %jit3A_74, %jit3A_71 : i32
    %rem3A_76 = arith.remsi %arg0, %select_n3A_75 : i32
    %ne3A_77 = arith.constant 0 : i32
    %ne3A_78 = arith.cmpi ne, %rem3A_76, %ne3A_77 : i32
    %lt3A_79 = arith.constant 0 : i32
    %lt3A_80 = arith.cmpi slt, %rem3A_76, %lt3A_79 : i32
    %lt3A_81 = arith.constant 0 : i32
    %lt3A_82 = arith.cmpi slt, %select_n3A_75, %lt3A_81 : i32
    %ne3A_83 = arith.xori %lt3A_80, %lt3A_82 : i1
    %and3A_84 = arith.andi %ne3A_83, %ne3A_78 : i1
    %add3A_85 = arith.addi %rem3A_76, %select_n3A_75 : i32
    %select_n3A_86 = arith.select %and3A_84, %add3A_85, %rem3A_76 : i32
    %reshape3A = vector.shape_cast %concatenate3A_70 : vector<96x4096xf32> to vector<1x96x4096xf32>
    %swap3A = arith.index_cast %select_n3A_86 : i32 to index
    %swap3A_87 = arith.constant 0 : index
    %swap3A_88 = arith.constant 0 : index
    %swap3A_89 = vector.load %arg9[%swap3A, %swap3A_87, %swap3A_88] : memref<3x96x4096xf32, #tpu.memory_space<vmem>>, vector<1x96x4096xf32>
    tpu.vector_store %arg9[%swap3A, %swap3A_87, %swap3A_88], %reshape3A {strides = array<i32>} : memref<3x96x4096xf32, #tpu.memory_space<vmem>>, vector<1x96x4096xf32>,
    %reshape3A_90 = vector.shape_cast %get3A_45 : vector<1x4096xf32> to vector<1x1x4096xf32>
    %swap3A_91 = arith.index_cast %select_n3A_86 : i32 to index
    %swap3A_92 = arith.constant 0 : index
    %swap3A_93 = arith.constant 0 : index
    %swap3A_94 = vector.load %arg10[%swap3A_91, %swap3A_92, %swap3A_93] : memref<3x1x4096xf32, #tpu.memory_space<vmem>>, vector<1x1x4096xf32>
    tpu.vector_store %arg10[%swap3A_91, %swap3A_92, %swap3A_93], %reshape3A_90 {strides = array<i32>} : memref<3x1x4096xf32, #tpu.memory_space<vmem>>, vector<1x1x4096xf32>,
    %eq3A_95 = arith.constant 0 : i32
    %eq3A_96 = arith.cmpi eq, %arg0, %eq3A_95 : i32
    %convert_element_type3A_97 = arith.extui %eq3A_96 : i1 to i32
    %cond3A = arith.constant 0 : i32
    %cond3A_98 = arith.cmpi ne, %convert_element_type3A_97, %cond3A : i32
    scf.if %cond3A_98 {
      %broadcast_in_dim3A_103 = arith.constant 0.000000e+00 : f32
      %broadcast_in_dim3A_104 = vector.broadcast %broadcast_in_dim3A_103 : f32 to vector<1x96x4096xf32>
      %swap3A_105 = arith.constant 2 : index
      %swap3A_106 = arith.constant 0 : index
      %swap3A_107 = arith.constant 0 : index
      %swap3A_108 = vector.load %arg9[%swap3A_105, %swap3A_106, %swap3A_107] : memref<3x96x4096xf32, #tpu.memory_space<vmem>>, vector<1x96x4096xf32>
      tpu.vector_store %arg9[%swap3A_105, %swap3A_106, %swap3A_107], %broadcast_in_dim3A_104 {strides = array<i32>} : memref<3x96x4096xf32, #tpu.memory_space<vmem>>, vector<1x96x4096xf32>,
      %broadcast_in_dim3A_109 = arith.constant 0.000000e+00 : f32
      %broadcast_in_dim3A_110 = vector.broadcast %broadcast_in_dim3A_109 : f32 to vector<1x1x4096xf32>
      %swap3A_111 = arith.constant 2 : index
      %swap3A_112 = arith.constant 0 : index
      %swap3A_113 = arith.constant 0 : index
      %swap3A_114 = vector.load %arg10[%swap3A_111, %swap3A_112, %swap3A_113] : memref<3x1x4096xf32, #tpu.memory_space<vmem>>, vector<1x1x4096xf32>
      tpu.vector_store %arg10[%swap3A_111, %swap3A_112, %swap3A_113], %broadcast_in_dim3A_110 {strides = array<i32>} : memref<3x1x4096xf32, #tpu.memory_space<vmem>>, vector<1x1x4096xf32>,
      %broadcast_in_dim3A_115 = arith.constant 0.000000e+00 : f32
      %broadcast_in_dim3A_116 = vector.broadcast %broadcast_in_dim3A_115 : f32 to vector<3x32xf32>
      %swap3A_117 = arith.constant 0 : index
      %swap3A_118 = arith.constant 0 : index
      %swap3A_119 = vector.load %arg8[%swap3A_117, %swap3A_118] : memref<3x32xf32, #tpu.memory_space<vmem>>, vector<3x32xf32>
      tpu.vector_store %arg8[%swap3A_117, %swap3A_118], %broadcast_in_dim3A_116 {strides = array<i32>} : memref<3x32xf32, #tpu.memory_space<vmem>>, vector<3x32xf32>,
    } else {
    }
    %gt3A = arith.constant 0 : i32
    %gt3A_99 = arith.cmpi sgt, %arg0, %gt3A : i32
    %convert_element_type3A_100 = arith.extui %gt3A_99 : i1 to i32
    %cond3A_101 = arith.constant 0 : i32
    %cond3A_102 = arith.cmpi ne, %convert_element_type3A_100, %cond3A_101 : i32
    scf.if %cond3A_102 {
      %sub3A_103 = arith.constant 1 : i32
      %sub3A_104 = arith.subi %arg0, %sub3A_103 : i32
      %jit3A_105 = arith.constant 16 : i32
      %eq3A_106 = arith.constant 0 : i32
      %eq3A_107 = arith.cmpi eq, %jit3A_105, %eq3A_106 : i32
      %jit3A_108 = arith.constant 1 : i32
      %select_n3A_109 = arith.select %eq3A_107, %jit3A_108, %jit3A_105 : i32
      %rem3A_110 = arith.remsi %sub3A_104, %select_n3A_109 : i32
      %ne3A_111 = arith.constant 0 : i32
      %ne3A_112 = arith.cmpi ne, %rem3A_110, %ne3A_111 : i32
      %lt3A_113 = arith.constant 0 : i32
      %lt3A_114 = arith.cmpi slt, %rem3A_110, %lt3A_113 : i32
      %lt3A_115 = arith.constant 0 : i32
      %lt3A_116 = arith.cmpi slt, %select_n3A_109, %lt3A_115 : i32
      %ne3A_117 = arith.xori %lt3A_114, %lt3A_116 : i1
      %and3A_118 = arith.andi %ne3A_117, %ne3A_112 : i1
      %add3A_119 = arith.addi %rem3A_110, %select_n3A_109 : i32
      %select_n3A_120 = arith.select %and3A_118, %add3A_119, %rem3A_110 : i32
      %ne3A_121 = arith.constant 0 : i32
      %ne3A_122 = arith.cmpi ne, %select_n3A_120, %ne3A_121 : i32
      %jit3A_123 = arith.constant 1.000000e+00 : f32
      %jit3A_124 = arith.constant 0.000000e+00 : f32
      %select_n3A_125 = arith.select %ne3A_122, %jit3A_123, %jit3A_124 : f32
      %jit3A_126 = arith.constant 16 : i32
      %eq3A_127 = arith.constant 0 : i32
      %eq3A_128 = arith.cmpi eq, %jit3A_126, %eq3A_127 : i32
      %jit3A_129 = arith.constant 1 : i32
      %select_n3A_130 = arith.select %eq3A_128, %jit3A_129, %jit3A_126 : i32
      %rem3A_131 = arith.remsi %sub3A_104, %select_n3A_130 : i32
      %ne3A_132 = arith.constant 0 : i32
      %ne3A_133 = arith.cmpi ne, %rem3A_131, %ne3A_132 : i32
      %lt3A_134 = arith.constant 0 : i32
      %lt3A_135 = arith.cmpi slt, %rem3A_131, %lt3A_134 : i32
      %lt3A_136 = arith.constant 0 : i32
      %lt3A_137 = arith.cmpi slt, %select_n3A_130, %lt3A_136 : i32
      %ne3A_138 = arith.xori %lt3A_135, %lt3A_137 : i1
      %and3A_139 = arith.andi %ne3A_138, %ne3A_133 : i1
      %add3A_140 = arith.addi %rem3A_131, %select_n3A_130 : i32
      %select_n3A_141 = arith.select %and3A_139, %add3A_140, %rem3A_131 : i32
      %ne3A_142 = arith.constant 15 : i32
      %ne3A_143 = arith.cmpi ne, %select_n3A_141, %ne3A_142 : i32
      %jit3A_144 = arith.constant 1.000000e+00 : f32
      %jit3A_145 = arith.constant 0.000000e+00 : f32
      %select_n3A_146 = arith.select %ne3A_143, %jit3A_144, %jit3A_145 : f32
      %sub3A_147 = arith.constant 2 : i32
      %sub3A_148 = arith.subi %arg0, %sub3A_147 : i32
      %jit3A_149 = arith.constant 3 : i32
      %eq3A_150 = arith.constant 0 : i32
      %eq3A_151 = arith.cmpi eq, %jit3A_149, %eq3A_150 : i32
      %jit3A_152 = arith.constant 1 : i32
      %select_n3A_153 = arith.select %eq3A_151, %jit3A_152, %jit3A_149 : i32
      %rem3A_154 = arith.remsi %sub3A_148, %select_n3A_153 : i32
      %ne3A_155 = arith.constant 0 : i32
      %ne3A_156 = arith.cmpi ne, %rem3A_154, %ne3A_155 : i32
      %lt3A_157 = arith.constant 0 : i32
      %lt3A_158 = arith.cmpi slt, %rem3A_154, %lt3A_157 : i32
      %lt3A_159 = arith.constant 0 : i32
      %lt3A_160 = arith.cmpi slt, %select_n3A_153, %lt3A_159 : i32
      %ne3A_161 = arith.xori %lt3A_158, %lt3A_160 : i1
      %and3A_162 = arith.andi %ne3A_161, %ne3A_156 : i1
      %add3A_163 = arith.addi %rem3A_154, %select_n3A_153 : i32
      %select_n3A_164 = arith.select %and3A_162, %add3A_163, %rem3A_154 : i32
      %sub3A_165 = arith.constant 1 : i32
      %sub3A_166 = arith.subi %arg0, %sub3A_165 : i32
      %jit3A_167 = arith.constant 3 : i32
      %eq3A_168 = arith.constant 0 : i32
      %eq3A_169 = arith.cmpi eq, %jit3A_167, %eq3A_168 : i32
      %jit3A_170 = arith.constant 1 : i32
      %select_n3A_171 = arith.select %eq3A_169, %jit3A_170, %jit3A_167 : i32
      %rem3A_172 = arith.remsi %sub3A_166, %select_n3A_171 : i32
      %ne3A_173 = arith.constant 0 : i32
      %ne3A_174 = arith.cmpi ne, %rem3A_172, %ne3A_173 : i32
      %lt3A_175 = arith.constant 0 : i32
      %lt3A_176 = arith.cmpi slt, %rem3A_172, %lt3A_175 : i32
      %lt3A_177 = arith.constant 0 : i32
      %lt3A_178 = arith.cmpi slt, %select_n3A_171, %lt3A_177 : i32
      %ne3A_179 = arith.xori %lt3A_176, %lt3A_178 : i1
      %and3A_180 = arith.andi %ne3A_179, %ne3A_174 : i1
      %add3A_181 = arith.addi %rem3A_172, %select_n3A_171 : i32
      %select_n3A_182 = arith.select %and3A_180, %add3A_181, %rem3A_172 : i32
      %get3A_183 = arith.index_cast %select_n3A_164 : i32 to index
      %get3A_184 = arith.constant 0 : index
      %get3A_185 = arith.constant 0 : index
      %get3A_186 = vector.load %arg9[%get3A_183, %get3A_184, %get3A_185] : memref<3x96x4096xf32, #tpu.memory_space<vmem>>, vector<1x96x4096xf32>
      %squeeze3A = vector.shape_cast %get3A_186 : vector<1x96x4096xf32> to vector<96x4096xf32>
      %mul3A_187 = vector.broadcast %select_n3A_125 : f32 to vector<96x4096xf32>
      %mul3A_188 = arith.mulf %squeeze3A, %mul3A_187 : vector<96x4096xf32>
      %get3A_189 = arith.index_cast %select_n3A_182 : i32 to index
      %get3A_190 = arith.constant 0 : index
      %get3A_191 = arith.constant 0 : index
      %get3A_192 = vector.load %arg9[%get3A_189, %get3A_190, %get3A_191] : memref<3x96x4096xf32, #tpu.memory_space<vmem>>, vector<1x96x4096xf32>
      %squeeze3A_193 = vector.shape_cast %get3A_192 : vector<1x96x4096xf32> to vector<96x4096xf32>
      %get3A_194 = arith.index_cast %select_n3A_86 : i32 to index
      %get3A_195 = arith.constant 0 : index
      %get3A_196 = arith.constant 0 : index
      %get3A_197 = vector.load %arg9[%get3A_194, %get3A_195, %get3A_196] : memref<3x96x4096xf32, #tpu.memory_space<vmem>>, vector<1x96x4096xf32>
      %squeeze3A_198 = vector.shape_cast %get3A_197 : vector<1x96x4096xf32> to vector<96x4096xf32>
      %mul3A_199 = vector.broadcast %select_n3A_146 : f32 to vector<96x4096xf32>
      %mul3A_200 = arith.mulf %squeeze3A_198, %mul3A_199 : vector<96x4096xf32>
      %concatenate3A_201 = tpu.concatenate %mul3A_188, %squeeze3A_193, %mul3A_200 in 0 : vector<96x4096xf32>, vector<96x4096xf32>, vector<96x4096xf32> -> vector<288x4096xf32>
      %get3A_202 = arith.constant 0 : index
      %get3A_203 = arith.constant 0 : index
      %get3A_204 = vector.load %arg6[%get3A_202, %get3A_203] : memref<32x864xf32, #tpu.memory_space<vmem>>, vector<32x288xf32>
      %dot_general3A = arith.constant dense<0.000000e+00> : vector<32x4096xf32>
      %dot_general3A_205 = tpu.matmul %get3A_204, %concatenate3A_201, %dot_general3A {dimension_numbers = #tpu.dot_dimension_numbers<[1], [0], [0], [1], [0, 0, 1, 1], [], []>, transpose_lhs_hint = false} : vector<32x288xf32>, vector<288x4096xf32>, vector<32x4096xf32> -> vector<32x4096xf32>
      %broadcast_in_dim3A_206 = arith.constant 0.000000e+00 : f32
      %broadcast_in_dim3A_207 = vector.broadcast %broadcast_in_dim3A_206 : f32 to vector<32x64xf32>
      %slice3A_208 = vector.extract_strided_slice %dot_general3A_205 {offsets = [0, 0], sizes = [32, 4032], strides = [1, 1]} : vector<32x4096xf32> to vector<32x4032xf32>
      %concatenate3A_209 = tpu.concatenate %broadcast_in_dim3A_207, %slice3A_208 in 1 : vector<32x64xf32>, vector<32x4032xf32> -> vector<32x4096xf32>
      %get3A_210 = arith.constant 0 : index
      %get3A_211 = arith.constant 288 : index
      %get3A_212 = vector.load %arg6[%get3A_210, %get3A_211] : memref<32x864xf32, #tpu.memory_space<vmem>>, vector<32x288xf32>
      %dot_general3A_213 = arith.constant dense<0.000000e+00> : vector<32x4096xf32>
      %dot_general3A_214 = tpu.matmul %get3A_212, %concatenate3A_201, %dot_general3A_213 {dimension_numbers = #tpu.dot_dimension_numbers<[1], [0], [0], [1], [0, 0, 1, 1], [], []>, transpose_lhs_hint = false} : vector<32x288xf32>, vector<288x4096xf32>, vector<32x4096xf32> -> vector<32x4096xf32>
      %add3A_215 = arith.addf %concatenate3A_209, %dot_general3A_214 : vector<32x4096xf32>
      %get3A_216 = arith.constant 0 : index
      %get3A_217 = arith.constant 576 : index
      %get3A_218 = vector.load %arg6[%get3A_216, %get3A_217] : memref<32x864xf32, #tpu.memory_space<vmem>>, vector<32x288xf32>
      %dot_general3A_219 = arith.constant dense<0.000000e+00> : vector<32x4096xf32>
      %dot_general3A_220 = tpu.matmul %get3A_218, %concatenate3A_201, %dot_general3A_219 {dimension_numbers = #tpu.dot_dimension_numbers<[1], [0], [0], [1], [0, 0, 1, 1], [], []>, transpose_lhs_hint = false} : vector<32x288xf32>, vector<288x4096xf32>, vector<32x4096xf32> -> vector<32x4096xf32>
      %slice3A_221 = vector.extract_strided_slice %dot_general3A_220 {offsets = [0, 64], sizes = [32, 4032], strides = [1, 1]} : vector<32x4096xf32> to vector<32x4032xf32>
      %broadcast_in_dim3A_222 = arith.constant 0.000000e+00 : f32
      %broadcast_in_dim3A_223 = vector.broadcast %broadcast_in_dim3A_222 : f32 to vector<32x64xf32>
      %concatenate3A_224 = tpu.concatenate %slice3A_221, %broadcast_in_dim3A_223 in 1 : vector<32x4032xf32>, vector<32x64xf32> -> vector<32x4096xf32>
      %add3A_225 = arith.addf %add3A_215, %concatenate3A_224 : vector<32x4096xf32>
      %get3A_226 = arith.index_cast %select_n3A_182 : i32 to index
      %get3A_227 = arith.constant 0 : index
      %get3A_228 = arith.constant 0 : index
      %get3A_229 = vector.load %arg10[%get3A_226, %get3A_227, %get3A_228] : memref<3x1x4096xf32, #tpu.memory_space<vmem>>, vector<1x1x4096xf32>
      %squeeze3A_230 = vector.shape_cast %get3A_229 : vector<1x1x4096xf32> to vector<1x4096xf32>
      %swap3A_231 = arith.constant 0 : index
      %swap3A_232 = arith.constant 0 : index
      %swap3A_233 = arith.constant 0 : index
      %swap3A_234 = vector.load %arg7[%swap3A_231, %swap3A_232, %swap3A_233] : memref<1x32x4096xf32, #tpu.memory_space<vmem>>, vector<1x32x4096xf32>
      %swap3A_235 = vector.shape_cast %swap3A_234 : vector<1x32x4096xf32> to vector<32x4096xf32>
      %swap3A_236 = vector.shape_cast %add3A_225 : vector<32x4096xf32> to vector<1x32x4096xf32>
      tpu.vector_store %arg7[%swap3A_231, %swap3A_232, %swap3A_233], %swap3A_236 {strides = array<i32>} : memref<1x32x4096xf32, #tpu.memory_space<vmem>>, vector<1x32x4096xf32>,
      %reduce_sum3A = vector.shape_cast %squeeze3A_230 : vector<1x4096xf32> to vector<1x1x4096xf32>
      %reduce_sum3A_237 = arith.constant dense<0.000000e+00> : vector<1xf32>
      %reduce_sum3A_238 = vector.multi_reduction <add>, %reduce_sum3A, %reduce_sum3A_237 [1, 2] : vector<1x1x4096xf32> to vector<1xf32>
      %reduce_sum3A_239 = vector.shape_cast %reduce_sum3A_238 : vector<1xf32> to vector<1x1x1xf32>
      %reduce_sum3A_240 = vector.extract %reduce_sum3A_239[0, 0, 0] : f32 from vector<1x1x1xf32>
      %mul3A_241 = vector.broadcast %squeeze3A_230 : vector<1x4096xf32> to vector<32x4096xf32>
      %mul3A_242 = arith.mulf %add3A_225, %mul3A_241 : vector<32x4096xf32>
      %reduce_sum3A_243 = arith.constant dense<0.000000e+00> : vector<32xf32>
      %reduce_sum3A_244 = vector.multi_reduction <add>, %mul3A_242, %reduce_sum3A_243 [1] : vector<32x4096xf32> to vector<32xf32>
      %mul3A_245 = arith.mulf %add3A_225, %add3A_225 : vector<32x4096xf32>
      %mul3A_246 = vector.broadcast %squeeze3A_230 : vector<1x4096xf32> to vector<32x4096xf32>
      %mul3A_247 = arith.mulf %mul3A_245, %mul3A_246 : vector<32x4096xf32>
      %reduce_sum3A_248 = arith.constant dense<0.000000e+00> : vector<32xf32>
      %reduce_sum3A_249 = vector.multi_reduction <add>, %mul3A_247, %reduce_sum3A_248 [1] : vector<32x4096xf32> to vector<32xf32>
      %get3A_250 = arith.constant 0 : index
      %get3A_251 = arith.constant 0 : index
      %get3A_252 = vector.load %arg8[%get3A_250, %get3A_251] : memref<3x32xf32, #tpu.memory_space<vmem>>, vector<3x32xf32>
      %broadcast_in_dim3A_253 = vector.broadcast %reduce_sum3A_240 : f32 to vector<1x32xf32>
      %reshape3A_254 = vector.shape_cast %reduce_sum3A_244 : vector<32xf32> to vector<1x32xf32>
      %reshape3A_255 = vector.shape_cast %reduce_sum3A_249 : vector<32xf32> to vector<1x32xf32>
      %concatenate3A_256 = tpu.concatenate %broadcast_in_dim3A_253, %reshape3A_254, %reshape3A_255 in 0 : vector<1x32xf32>, vector<1x32xf32>, vector<1x32xf32> -> vector<3x32xf32>
      %add3A_257 = arith.addf %get3A_252, %concatenate3A_256 : vector<3x32xf32>
      %swap3A_258 = arith.constant 0 : index
      %swap3A_259 = arith.constant 0 : index
      %swap3A_260 = vector.load %arg8[%swap3A_258, %swap3A_259] : memref<3x32xf32, #tpu.memory_space<vmem>>, vector<3x32xf32>
      tpu.vector_store %arg8[%swap3A_258, %swap3A_259], %add3A_257 {strides = array<i32>} : memref<3x32xf32, #tpu.memory_space<vmem>>, vector<3x32xf32>,
    } else {
    }
    return
  }
  func.func @transform_0(%arg0: i32) -> (i32, i32, i32) {
    %jit3A = arith.constant 0 : i32
    %jit3A_0 = arith.constant 31 : i32
    %max3A = arith.maxsi %jit3A, %arg0 : i32
    %min3A = arith.minsi %jit3A_0, %max3A : i32
    %c0_i32 = arith.constant 0 : i32
    %c0_i32_1 = arith.constant 0 : i32
    %c0_i32_2 = arith.constant 0 : i32
    return %min3A, %c0_i32, %c0_i32_1 : i32, i32, i32
  }
  func.func @transform_1(%arg0: i32) -> (i32, i32, i32) {
    %jit3A = arith.constant 0 : i32
    %jit3A_0 = arith.constant 31 : i32
    %max3A = arith.maxsi %jit3A, %arg0 : i32
    %min3A = arith.minsi %jit3A_0, %max3A : i32
    %c0_i32 = arith.constant 0 : i32
    %c0_i32_1 = arith.constant 0 : i32
    %c0_i32_2 = arith.constant 0 : i32
    return %min3A, %c0_i32, %c0_i32_1 : i32, i32, i32
  }
  func.func @transform_2(%arg0: i32) -> (i32, i32) {
    %c0_i32 = arith.constant 0 : i32
    %c0_i32_0 = arith.constant 0 : i32
    %c0_i32_1 = arith.constant 0 : i32
    return %c0_i32, %c0_i32_0 : i32, i32
  }
  func.func @transform_3(%arg0: i32) -> (i32, i32) {
    %c0_i32 = arith.constant 0 : i32
    %c0_i32_0 = arith.constant 0 : i32
    %c0_i32_1 = arith.constant 0 : i32
    return %c0_i32, %c0_i32_0 : i32, i32
  }
  func.func @transform_4(%arg0: i32) -> (i32, i32) {
    %c0_i32 = arith.constant 0 : i32
    %c0_i32_0 = arith.constant 0 : i32
    %c0_i32_1 = arith.constant 0 : i32
    return %c0_i32, %c0_i32_0 : i32, i32
  }
  func.func @transform_5(%arg0: i32) -> (i32, i32) {
    %c0_i32 = arith.constant 0 : i32
    %c0_i32_0 = arith.constant 0 : i32
    %c0_i32_1 = arith.constant 0 : i32
    return %c0_i32, %c0_i32_0 : i32, i32
  }
  func.func @transform_6(%arg0: i32) -> (i32, i32, i32) {
    %sub3A = arith.constant 1 : i32
    %sub3A_0 = arith.subi %arg0, %sub3A : i32
    %jit3A = arith.constant 0 : i32
    %jit3A_1 = arith.constant 31 : i32
    %max3A = arith.maxsi %jit3A, %sub3A_0 : i32
    %min3A = arith.minsi %jit3A_1, %max3A : i32
    %c0_i32 = arith.constant 0 : i32
    %c0_i32_2 = arith.constant 0 : i32
    %c0_i32_3 = arith.constant 0 : i32
    return %min3A, %c0_i32, %c0_i32_2 : i32, i32, i32
  }
  func.func @transform_7(%arg0: i32) -> (i32, i32) {
    %c0_i32 = arith.constant 0 : i32
    %c0_i32_0 = arith.constant 0 : i32
    %c0_i32_1 = arith.constant 0 : i32
    return %c0_i32, %c0_i32_0 : i32, i32
  }
}

module attributes {stable_mosaic.version = 14 : i64} {
  func.func @_conv_body(%arg0: i32, %arg1: memref<1x32x4096xf32, #tpu.memory_space<vmem>>, %arg2: memref<1x1x4096xf32, #tpu.memory_space<vmem>>, %arg3: memref<3x32xf32, #tpu.memory_space<vmem>>, %arg4: memref<1x32xf32, #tpu.memory_space<vmem>>, %arg5: memref<1x32xf32, #tpu.memory_space<vmem>>, %arg6: memref<32x864xf32, #tpu.memory_space<vmem>>, %arg7: memref<1x32x4096xf32, #tpu.memory_space<vmem>>, %arg8: memref<1x1x4096xf32, #tpu.memory_space<vmem>>, %arg9: memref<3x32xf32, #tpu.memory_space<vmem>>, %arg10: memref<3x96x4096xf32, #tpu.memory_space<vmem>>, %arg11: memref<3x2x4096xf32, #tpu.memory_space<vmem>>) attributes {dimension_semantics = [#tpu.dimension_semantics<arbitrary>], iteration_bounds = array<i64: 33>, scalar_prefetch = 0 : i64, scratch_operands = 2 : i64, tpu.core_type = #tpu.core_type<tc>, window_params = [{transform_indices = @transform_0, window_bounds = array<i64: 1, 32, 4096>}, {transform_indices = @transform_1, window_bounds = array<i64: 1, 1, 4096>}, {pipeline_mode = #tpu.pipeline_mode<synchronous>, transform_indices = @transform_2, window_bounds = array<i64: 3, 32>}, {pipeline_mode = #tpu.pipeline_mode<synchronous>, transform_indices = @transform_3, window_bounds = array<i64: 1, 32>}, {pipeline_mode = #tpu.pipeline_mode<synchronous>, transform_indices = @transform_4, window_bounds = array<i64: 1, 32>}, {pipeline_mode = #tpu.pipeline_mode<synchronous>, transform_indices = @transform_5, window_bounds = array<i64: 32, 864>}, {transform_indices = @transform_6, window_bounds = array<i64: 1, 32, 4096>}, {transform_indices = @transform_7, window_bounds = array<i64: 1, 1, 4096>}, {pipeline_mode = #tpu.pipeline_mode<synchronous>, transform_indices = @transform_8, window_bounds = array<i64: 3, 32>}]} {
    %iota3A = tpu.iota {dimensions = array<i32: 1>} : vector<1x4096xi32>
    %jit3A = arith.constant 64 : i32
    %eq3A = arith.constant 0 : i32
    %eq3A_0 = arith.cmpi eq, %jit3A, %eq3A : i32
    %jit3A_1 = arith.constant 1 : i32
    %select_n3A = arith.select %eq3A_0, %jit3A_1, %jit3A : i32
    %rem3A = vector.broadcast %select_n3A : i32 to vector<1x4096xi32>
    %rem3A_2 = arith.remsi %iota3A, %rem3A : vector<1x4096xi32>
    %ne3A = arith.constant 0 : i32
    %ne3A_3 = vector.broadcast %ne3A : i32 to vector<1x4096xi32>
    %ne3A_4 = arith.cmpi ne, %rem3A_2, %ne3A_3 : vector<1x4096xi32>
    %lt3A = arith.constant 0 : i32
    %lt3A_5 = vector.broadcast %lt3A : i32 to vector<1x4096xi32>
    %lt3A_6 = arith.cmpi slt, %rem3A_2, %lt3A_5 : vector<1x4096xi32>
    %lt3A_7 = arith.constant 0 : i32
    %lt3A_8 = arith.cmpi slt, %select_n3A, %lt3A_7 : i32
    %ne3A_9 = vector.broadcast %lt3A_8 : i1 to vector<1x4096xi1>
    %ne3A_10 = vector.broadcast %ne3A_9 : vector<1x4096xi1> to vector<1x4096xi1>
    %ne3A_11 = arith.xori %lt3A_6, %ne3A_10 : vector<1x4096xi1>
    %and3A = arith.andi %ne3A_11, %ne3A_4 : vector<1x4096xi1>
    %add3A = vector.broadcast %select_n3A : i32 to vector<1x4096xi32>
    %add3A_12 = arith.addi %rem3A_2, %add3A : vector<1x4096xi32>
    %select_n3A_13 = arith.select %and3A, %add3A_12, %rem3A_2 : vector<1x4096xi1>, vector<1x4096xi32>
    %ne3A_14 = arith.constant 0 : i32
    %ne3A_15 = vector.broadcast %ne3A_14 : i32 to vector<1x4096xi32>
    %ne3A_16 = arith.cmpi ne, %select_n3A_13, %ne3A_15 : vector<1x4096xi32>
    %convert_element_type3A = arith.extui %ne3A_16 : vector<1x4096xi1> to vector<1x4096xi32>
    %convert_element_type3A_17 = arith.sitofp %convert_element_type3A : vector<1x4096xi32> to vector<1x4096xf32>
    %ne3A_18 = arith.constant 63 : i32
    %ne3A_19 = vector.broadcast %ne3A_18 : i32 to vector<1x4096xi32>
    %ne3A_20 = arith.cmpi ne, %select_n3A_13, %ne3A_19 : vector<1x4096xi32>
    %convert_element_type3A_21 = arith.extui %ne3A_20 : vector<1x4096xi1> to vector<1x4096xi32>
    %convert_element_type3A_22 = arith.sitofp %convert_element_type3A_21 : vector<1x4096xi32> to vector<1x4096xf32>
    %get3A = arith.constant 0 : index
    %get3A_23 = arith.constant 0 : index
    %get3A_24 = vector.load %arg3[%get3A, %get3A_23] : memref<3x32xf32, #tpu.memory_space<vmem>>, vector<3x32xf32>
    %slice3A = vector.extract_strided_slice %get3A_24 {offsets = [1, 0], sizes = [1, 32], strides = [1, 1]} : vector<3x32xf32> to vector<1x32xf32>
    %slice3A_25 = vector.extract_strided_slice %get3A_24 {offsets = [0, 0], sizes = [1, 32], strides = [1, 1]} : vector<3x32xf32> to vector<1x32xf32>
    %div3A = arith.divf %slice3A, %slice3A_25 : vector<1x32xf32>
    %slice3A_26 = vector.extract_strided_slice %get3A_24 {offsets = [2, 0], sizes = [1, 32], strides = [1, 1]} : vector<3x32xf32> to vector<1x32xf32>
    %slice3A_27 = vector.extract_strided_slice %get3A_24 {offsets = [0, 0], sizes = [1, 32], strides = [1, 1]} : vector<3x32xf32> to vector<1x32xf32>
    %div3A_28 = arith.divf %slice3A_26, %slice3A_27 : vector<1x32xf32>
    %mul3A = arith.mulf %div3A, %div3A : vector<1x32xf32>
    %sub3A = arith.subf %div3A_28, %mul3A : vector<1x32xf32>
    %get3A_29 = arith.constant 0 : index
    %get3A_30 = arith.constant 0 : index
    %get3A_31 = vector.load %arg4[%get3A_29, %get3A_30] : memref<1x32xf32, #tpu.memory_space<vmem>>, vector<1x32xf32>
    %add3A_32 = arith.constant 1.000000e-03 : f32
    %add3A_33 = vector.broadcast %add3A_32 : f32 to vector<1x32xf32>
    %add3A_34 = arith.addf %sub3A, %add3A_33 : vector<1x32xf32>
    %rsqrt3A = math.rsqrt %add3A_34 : vector<1x32xf32>
    %mul3A_35 = arith.mulf %get3A_31, %rsqrt3A : vector<1x32xf32>
    %get3A_36 = arith.constant 0 : index
    %get3A_37 = arith.constant 0 : index
    %get3A_38 = vector.load %arg5[%get3A_36, %get3A_37] : memref<1x32xf32, #tpu.memory_space<vmem>>, vector<1x32xf32>
    %mul3A_39 = arith.mulf %div3A, %mul3A_35 : vector<1x32xf32>
    %sub3A_40 = arith.subf %get3A_38, %mul3A_39 : vector<1x32xf32>
    %get3A_41 = arith.constant 0 : index
    %get3A_42 = arith.constant 0 : index
    %get3A_43 = arith.constant 0 : index
    %get3A_44 = vector.load %arg2[%get3A_41, %get3A_42, %get3A_43] : memref<1x1x4096xf32, #tpu.memory_space<vmem>>, vector<1x1x4096xf32>
    %get3A_45 = vector.shape_cast %get3A_44 : vector<1x1x4096xf32> to vector<1x4096xf32>
    %get3A_46 = arith.constant 0 : index
    %get3A_47 = arith.constant 0 : index
    %get3A_48 = arith.constant 0 : index
    %get3A_49 = vector.load %arg1[%get3A_46, %get3A_47, %get3A_48] : memref<1x32x4096xf32, #tpu.memory_space<vmem>>, vector<1x32x4096xf32>
    %get3A_50 = vector.shape_cast %get3A_49 : vector<1x32x4096xf32> to vector<32x4096xf32>
    %transpose3A = tpu.transpose %mul3A_35, [1, 0] : vector<1x32xf32> -> vector<32x1xf32>
    %mul3A_51 = vector.broadcast %transpose3A : vector<32x1xf32> to vector<32x4096xf32>
    %mul3A_52 = arith.mulf %get3A_50, %mul3A_51 : vector<32x4096xf32>
    %transpose3A_53 = tpu.transpose %sub3A_40, [1, 0] : vector<1x32xf32> -> vector<32x1xf32>
    %add3A_54 = vector.broadcast %transpose3A_53 : vector<32x1xf32> to vector<32x4096xf32>
    %add3A_55 = arith.addf %mul3A_52, %add3A_54 : vector<32x4096xf32>
    %max3A = arith.constant 0.000000e+00 : f32
    %max3A_56 = vector.broadcast %max3A : f32 to vector<32x4096xf32>
    %max3A_57 = arith.maximumf %add3A_55, %max3A_56 : vector<32x4096xf32>
    %mul3A_58 = vector.broadcast %get3A_45 : vector<1x4096xf32> to vector<32x4096xf32>
    %mul3A_59 = arith.mulf %max3A_57, %mul3A_58 : vector<32x4096xf32>
    %broadcast_in_dim3A = arith.constant 0.000000e+00 : f32
    %broadcast_in_dim3A_60 = vector.broadcast %broadcast_in_dim3A : f32 to vector<32x1xf32>
    %slice3A_61 = vector.extract_strided_slice %mul3A_59 {offsets = [0, 0], sizes = [32, 4095], strides = [1, 1]} : vector<32x4096xf32> to vector<32x4095xf32>
    %concatenate3A = tpu.concatenate %broadcast_in_dim3A_60, %slice3A_61 in 1 : vector<32x1xf32>, vector<32x4095xf32> -> vector<32x4096xf32>
    %mul3A_62 = vector.broadcast %convert_element_type3A_17 : vector<1x4096xf32> to vector<32x4096xf32>
    %mul3A_63 = arith.mulf %concatenate3A, %mul3A_62 : vector<32x4096xf32>
    %slice3A_64 = vector.extract_strided_slice %mul3A_59 {offsets = [0, 1], sizes = [32, 4095], strides = [1, 1]} : vector<32x4096xf32> to vector<32x4095xf32>
    %broadcast_in_dim3A_65 = arith.constant 0.000000e+00 : f32
    %broadcast_in_dim3A_66 = vector.broadcast %broadcast_in_dim3A_65 : f32 to vector<32x1xf32>
    %concatenate3A_67 = tpu.concatenate %slice3A_64, %broadcast_in_dim3A_66 in 1 : vector<32x4095xf32>, vector<32x1xf32> -> vector<32x4096xf32>
    %mul3A_68 = vector.broadcast %convert_element_type3A_22 : vector<1x4096xf32> to vector<32x4096xf32>
    %mul3A_69 = arith.mulf %concatenate3A_67, %mul3A_68 : vector<32x4096xf32>
    %concatenate3A_70 = tpu.concatenate %mul3A_63, %mul3A_59, %mul3A_69 in 0 : vector<32x4096xf32>, vector<32x4096xf32>, vector<32x4096xf32> -> vector<96x4096xf32>
    %broadcast_in_dim3A_71 = arith.constant 0.000000e+00 : f32
    %broadcast_in_dim3A_72 = vector.broadcast %broadcast_in_dim3A_71 : f32 to vector<1x1xf32>
    %slice3A_73 = vector.extract_strided_slice %get3A_45 {offsets = [0, 0], sizes = [1, 4095], strides = [1, 1]} : vector<1x4096xf32> to vector<1x4095xf32>
    %concatenate3A_74 = tpu.concatenate %broadcast_in_dim3A_72, %slice3A_73 in 1 : vector<1x1xf32>, vector<1x4095xf32> -> vector<1x4096xf32>
    %mul3A_75 = arith.mulf %concatenate3A_74, %convert_element_type3A_17 : vector<1x4096xf32>
    %max3A_76 = arith.maximumf %mul3A_75, %get3A_45 : vector<1x4096xf32>
    %slice3A_77 = vector.extract_strided_slice %get3A_45 {offsets = [0, 1], sizes = [1, 4095], strides = [1, 1]} : vector<1x4096xf32> to vector<1x4095xf32>
    %broadcast_in_dim3A_78 = arith.constant 0.000000e+00 : f32
    %broadcast_in_dim3A_79 = vector.broadcast %broadcast_in_dim3A_78 : f32 to vector<1x1xf32>
    %concatenate3A_80 = tpu.concatenate %slice3A_77, %broadcast_in_dim3A_79 in 1 : vector<1x4095xf32>, vector<1x1xf32> -> vector<1x4096xf32>
    %mul3A_81 = arith.mulf %concatenate3A_80, %convert_element_type3A_22 : vector<1x4096xf32>
    %max3A_82 = arith.maximumf %max3A_76, %mul3A_81 : vector<1x4096xf32>
    %concatenate3A_83 = tpu.concatenate %get3A_45, %max3A_82 in 0 : vector<1x4096xf32>, vector<1x4096xf32> -> vector<2x4096xf32>
    %jit3A_84 = arith.constant 3 : i32
    %eq3A_85 = arith.constant 0 : i32
    %eq3A_86 = arith.cmpi eq, %jit3A_84, %eq3A_85 : i32
    %jit3A_87 = arith.constant 1 : i32
    %select_n3A_88 = arith.select %eq3A_86, %jit3A_87, %jit3A_84 : i32
    %rem3A_89 = arith.remsi %arg0, %select_n3A_88 : i32
    %ne3A_90 = arith.constant 0 : i32
    %ne3A_91 = arith.cmpi ne, %rem3A_89, %ne3A_90 : i32
    %lt3A_92 = arith.constant 0 : i32
    %lt3A_93 = arith.cmpi slt, %rem3A_89, %lt3A_92 : i32
    %lt3A_94 = arith.constant 0 : i32
    %lt3A_95 = arith.cmpi slt, %select_n3A_88, %lt3A_94 : i32
    %ne3A_96 = arith.xori %lt3A_93, %lt3A_95 : i1
    %and3A_97 = arith.andi %ne3A_96, %ne3A_91 : i1
    %add3A_98 = arith.addi %rem3A_89, %select_n3A_88 : i32
    %select_n3A_99 = arith.select %and3A_97, %add3A_98, %rem3A_89 : i32
    %reshape3A = vector.shape_cast %concatenate3A_70 : vector<96x4096xf32> to vector<1x96x4096xf32>
    %swap3A = arith.index_cast %select_n3A_99 : i32 to index
    %swap3A_100 = arith.constant 0 : index
    %swap3A_101 = arith.constant 0 : index
    %swap3A_102 = vector.load %arg10[%swap3A, %swap3A_100, %swap3A_101] : memref<3x96x4096xf32, #tpu.memory_space<vmem>>, vector<1x96x4096xf32>
    tpu.vector_store %arg10[%swap3A, %swap3A_100, %swap3A_101], %reshape3A {strides = array<i32>} : memref<3x96x4096xf32, #tpu.memory_space<vmem>>, vector<1x96x4096xf32>,
    %reshape3A_103 = vector.shape_cast %concatenate3A_83 : vector<2x4096xf32> to vector<1x2x4096xf32>
    %swap3A_104 = arith.index_cast %select_n3A_99 : i32 to index
    %swap3A_105 = arith.constant 0 : index
    %swap3A_106 = arith.constant 0 : index
    %swap3A_107 = vector.load %arg11[%swap3A_104, %swap3A_105, %swap3A_106] : memref<3x2x4096xf32, #tpu.memory_space<vmem>>, vector<1x2x4096xf32>
    tpu.vector_store %arg11[%swap3A_104, %swap3A_105, %swap3A_106], %reshape3A_103 {strides = array<i32>} : memref<3x2x4096xf32, #tpu.memory_space<vmem>>, vector<1x2x4096xf32>,
    %eq3A_108 = arith.constant 0 : i32
    %eq3A_109 = arith.cmpi eq, %arg0, %eq3A_108 : i32
    %convert_element_type3A_110 = arith.extui %eq3A_109 : i1 to i32
    %cond3A = arith.constant 0 : i32
    %cond3A_111 = arith.cmpi ne, %convert_element_type3A_110, %cond3A : i32
    scf.if %cond3A_111 {
      %broadcast_in_dim3A_116 = arith.constant 0.000000e+00 : f32
      %broadcast_in_dim3A_117 = vector.broadcast %broadcast_in_dim3A_116 : f32 to vector<1x96x4096xf32>
      %swap3A_118 = arith.constant 2 : index
      %swap3A_119 = arith.constant 0 : index
      %swap3A_120 = arith.constant 0 : index
      %swap3A_121 = vector.load %arg10[%swap3A_118, %swap3A_119, %swap3A_120] : memref<3x96x4096xf32, #tpu.memory_space<vmem>>, vector<1x96x4096xf32>
      tpu.vector_store %arg10[%swap3A_118, %swap3A_119, %swap3A_120], %broadcast_in_dim3A_117 {strides = array<i32>} : memref<3x96x4096xf32, #tpu.memory_space<vmem>>, vector<1x96x4096xf32>,
      %broadcast_in_dim3A_122 = arith.constant 0.000000e+00 : f32
      %broadcast_in_dim3A_123 = vector.broadcast %broadcast_in_dim3A_122 : f32 to vector<1x2x4096xf32>
      %swap3A_124 = arith.constant 2 : index
      %swap3A_125 = arith.constant 0 : index
      %swap3A_126 = arith.constant 0 : index
      %swap3A_127 = vector.load %arg11[%swap3A_124, %swap3A_125, %swap3A_126] : memref<3x2x4096xf32, #tpu.memory_space<vmem>>, vector<1x2x4096xf32>
      tpu.vector_store %arg11[%swap3A_124, %swap3A_125, %swap3A_126], %broadcast_in_dim3A_123 {strides = array<i32>} : memref<3x2x4096xf32, #tpu.memory_space<vmem>>, vector<1x2x4096xf32>,
      %broadcast_in_dim3A_128 = arith.constant 0.000000e+00 : f32
      %broadcast_in_dim3A_129 = vector.broadcast %broadcast_in_dim3A_128 : f32 to vector<3x32xf32>
      %swap3A_130 = arith.constant 0 : index
      %swap3A_131 = arith.constant 0 : index
      %swap3A_132 = vector.load %arg9[%swap3A_130, %swap3A_131] : memref<3x32xf32, #tpu.memory_space<vmem>>, vector<3x32xf32>
      tpu.vector_store %arg9[%swap3A_130, %swap3A_131], %broadcast_in_dim3A_129 {strides = array<i32>} : memref<3x32xf32, #tpu.memory_space<vmem>>, vector<3x32xf32>,
    } else {
    }
    %gt3A = arith.constant 0 : i32
    %gt3A_112 = arith.cmpi sgt, %arg0, %gt3A : i32
    %convert_element_type3A_113 = arith.extui %gt3A_112 : i1 to i32
    %cond3A_114 = arith.constant 0 : i32
    %cond3A_115 = arith.cmpi ne, %convert_element_type3A_113, %cond3A_114 : i32
    scf.if %cond3A_115 {
      %sub3A_116 = arith.constant 1 : i32
      %sub3A_117 = arith.subi %arg0, %sub3A_116 : i32
      %jit3A_118 = arith.constant 16 : i32
      %eq3A_119 = arith.constant 0 : i32
      %eq3A_120 = arith.cmpi eq, %jit3A_118, %eq3A_119 : i32
      %jit3A_121 = arith.constant 1 : i32
      %select_n3A_122 = arith.select %eq3A_120, %jit3A_121, %jit3A_118 : i32
      %rem3A_123 = arith.remsi %sub3A_117, %select_n3A_122 : i32
      %ne3A_124 = arith.constant 0 : i32
      %ne3A_125 = arith.cmpi ne, %rem3A_123, %ne3A_124 : i32
      %lt3A_126 = arith.constant 0 : i32
      %lt3A_127 = arith.cmpi slt, %rem3A_123, %lt3A_126 : i32
      %lt3A_128 = arith.constant 0 : i32
      %lt3A_129 = arith.cmpi slt, %select_n3A_122, %lt3A_128 : i32
      %ne3A_130 = arith.xori %lt3A_127, %lt3A_129 : i1
      %and3A_131 = arith.andi %ne3A_130, %ne3A_125 : i1
      %add3A_132 = arith.addi %rem3A_123, %select_n3A_122 : i32
      %select_n3A_133 = arith.select %and3A_131, %add3A_132, %rem3A_123 : i32
      %ne3A_134 = arith.constant 0 : i32
      %ne3A_135 = arith.cmpi ne, %select_n3A_133, %ne3A_134 : i32
      %jit3A_136 = arith.constant 1.000000e+00 : f32
      %jit3A_137 = arith.constant 0.000000e+00 : f32
      %select_n3A_138 = arith.select %ne3A_135, %jit3A_136, %jit3A_137 : f32
      %jit3A_139 = arith.constant 16 : i32
      %eq3A_140 = arith.constant 0 : i32
      %eq3A_141 = arith.cmpi eq, %jit3A_139, %eq3A_140 : i32
      %jit3A_142 = arith.constant 1 : i32
      %select_n3A_143 = arith.select %eq3A_141, %jit3A_142, %jit3A_139 : i32
      %rem3A_144 = arith.remsi %sub3A_117, %select_n3A_143 : i32
      %ne3A_145 = arith.constant 0 : i32
      %ne3A_146 = arith.cmpi ne, %rem3A_144, %ne3A_145 : i32
      %lt3A_147 = arith.constant 0 : i32
      %lt3A_148 = arith.cmpi slt, %rem3A_144, %lt3A_147 : i32
      %lt3A_149 = arith.constant 0 : i32
      %lt3A_150 = arith.cmpi slt, %select_n3A_143, %lt3A_149 : i32
      %ne3A_151 = arith.xori %lt3A_148, %lt3A_150 : i1
      %and3A_152 = arith.andi %ne3A_151, %ne3A_146 : i1
      %add3A_153 = arith.addi %rem3A_144, %select_n3A_143 : i32
      %select_n3A_154 = arith.select %and3A_152, %add3A_153, %rem3A_144 : i32
      %ne3A_155 = arith.constant 15 : i32
      %ne3A_156 = arith.cmpi ne, %select_n3A_154, %ne3A_155 : i32
      %jit3A_157 = arith.constant 1.000000e+00 : f32
      %jit3A_158 = arith.constant 0.000000e+00 : f32
      %select_n3A_159 = arith.select %ne3A_156, %jit3A_157, %jit3A_158 : f32
      %sub3A_160 = arith.constant 2 : i32
      %sub3A_161 = arith.subi %arg0, %sub3A_160 : i32
      %jit3A_162 = arith.constant 3 : i32
      %eq3A_163 = arith.constant 0 : i32
      %eq3A_164 = arith.cmpi eq, %jit3A_162, %eq3A_163 : i32
      %jit3A_165 = arith.constant 1 : i32
      %select_n3A_166 = arith.select %eq3A_164, %jit3A_165, %jit3A_162 : i32
      %rem3A_167 = arith.remsi %sub3A_161, %select_n3A_166 : i32
      %ne3A_168 = arith.constant 0 : i32
      %ne3A_169 = arith.cmpi ne, %rem3A_167, %ne3A_168 : i32
      %lt3A_170 = arith.constant 0 : i32
      %lt3A_171 = arith.cmpi slt, %rem3A_167, %lt3A_170 : i32
      %lt3A_172 = arith.constant 0 : i32
      %lt3A_173 = arith.cmpi slt, %select_n3A_166, %lt3A_172 : i32
      %ne3A_174 = arith.xori %lt3A_171, %lt3A_173 : i1
      %and3A_175 = arith.andi %ne3A_174, %ne3A_169 : i1
      %add3A_176 = arith.addi %rem3A_167, %select_n3A_166 : i32
      %select_n3A_177 = arith.select %and3A_175, %add3A_176, %rem3A_167 : i32
      %sub3A_178 = arith.constant 1 : i32
      %sub3A_179 = arith.subi %arg0, %sub3A_178 : i32
      %jit3A_180 = arith.constant 3 : i32
      %eq3A_181 = arith.constant 0 : i32
      %eq3A_182 = arith.cmpi eq, %jit3A_180, %eq3A_181 : i32
      %jit3A_183 = arith.constant 1 : i32
      %select_n3A_184 = arith.select %eq3A_182, %jit3A_183, %jit3A_180 : i32
      %rem3A_185 = arith.remsi %sub3A_179, %select_n3A_184 : i32
      %ne3A_186 = arith.constant 0 : i32
      %ne3A_187 = arith.cmpi ne, %rem3A_185, %ne3A_186 : i32
      %lt3A_188 = arith.constant 0 : i32
      %lt3A_189 = arith.cmpi slt, %rem3A_185, %lt3A_188 : i32
      %lt3A_190 = arith.constant 0 : i32
      %lt3A_191 = arith.cmpi slt, %select_n3A_184, %lt3A_190 : i32
      %ne3A_192 = arith.xori %lt3A_189, %lt3A_191 : i1
      %and3A_193 = arith.andi %ne3A_192, %ne3A_187 : i1
      %add3A_194 = arith.addi %rem3A_185, %select_n3A_184 : i32
      %select_n3A_195 = arith.select %and3A_193, %add3A_194, %rem3A_185 : i32
      %get3A_196 = arith.index_cast %select_n3A_177 : i32 to index
      %get3A_197 = arith.constant 0 : index
      %get3A_198 = arith.constant 0 : index
      %get3A_199 = vector.load %arg10[%get3A_196, %get3A_197, %get3A_198] : memref<3x96x4096xf32, #tpu.memory_space<vmem>>, vector<1x96x4096xf32>
      %squeeze3A = vector.shape_cast %get3A_199 : vector<1x96x4096xf32> to vector<96x4096xf32>
      %mul3A_200 = vector.broadcast %select_n3A_138 : f32 to vector<96x4096xf32>
      %mul3A_201 = arith.mulf %squeeze3A, %mul3A_200 : vector<96x4096xf32>
      %get3A_202 = arith.index_cast %select_n3A_195 : i32 to index
      %get3A_203 = arith.constant 0 : index
      %get3A_204 = arith.constant 0 : index
      %get3A_205 = vector.load %arg10[%get3A_202, %get3A_203, %get3A_204] : memref<3x96x4096xf32, #tpu.memory_space<vmem>>, vector<1x96x4096xf32>
      %squeeze3A_206 = vector.shape_cast %get3A_205 : vector<1x96x4096xf32> to vector<96x4096xf32>
      %get3A_207 = arith.index_cast %select_n3A_99 : i32 to index
      %get3A_208 = arith.constant 0 : index
      %get3A_209 = arith.constant 0 : index
      %get3A_210 = vector.load %arg10[%get3A_207, %get3A_208, %get3A_209] : memref<3x96x4096xf32, #tpu.memory_space<vmem>>, vector<1x96x4096xf32>
      %squeeze3A_211 = vector.shape_cast %get3A_210 : vector<1x96x4096xf32> to vector<96x4096xf32>
      %mul3A_212 = vector.broadcast %select_n3A_159 : f32 to vector<96x4096xf32>
      %mul3A_213 = arith.mulf %squeeze3A_211, %mul3A_212 : vector<96x4096xf32>
      %concatenate3A_214 = tpu.concatenate %mul3A_201, %squeeze3A_206, %mul3A_213 in 0 : vector<96x4096xf32>, vector<96x4096xf32>, vector<96x4096xf32> -> vector<288x4096xf32>
      %get3A_215 = arith.constant 0 : index
      %get3A_216 = arith.constant 0 : index
      %get3A_217 = vector.load %arg6[%get3A_215, %get3A_216] : memref<32x864xf32, #tpu.memory_space<vmem>>, vector<32x288xf32>
      %dot_general3A = arith.constant dense<0.000000e+00> : vector<32x4096xf32>
      %dot_general3A_218 = tpu.matmul %get3A_217, %concatenate3A_214, %dot_general3A {dimension_numbers = #tpu.dot_dimension_numbers<[1], [0], [0], [1], [0, 0, 1, 1], [], []>, transpose_lhs_hint = false} : vector<32x288xf32>, vector<288x4096xf32>, vector<32x4096xf32> -> vector<32x4096xf32>
      %broadcast_in_dim3A_219 = arith.constant 0.000000e+00 : f32
      %broadcast_in_dim3A_220 = vector.broadcast %broadcast_in_dim3A_219 : f32 to vector<32x64xf32>
      %slice3A_221 = vector.extract_strided_slice %dot_general3A_218 {offsets = [0, 0], sizes = [32, 4032], strides = [1, 1]} : vector<32x4096xf32> to vector<32x4032xf32>
      %concatenate3A_222 = tpu.concatenate %broadcast_in_dim3A_220, %slice3A_221 in 1 : vector<32x64xf32>, vector<32x4032xf32> -> vector<32x4096xf32>
      %get3A_223 = arith.constant 0 : index
      %get3A_224 = arith.constant 288 : index
      %get3A_225 = vector.load %arg6[%get3A_223, %get3A_224] : memref<32x864xf32, #tpu.memory_space<vmem>>, vector<32x288xf32>
      %dot_general3A_226 = arith.constant dense<0.000000e+00> : vector<32x4096xf32>
      %dot_general3A_227 = tpu.matmul %get3A_225, %concatenate3A_214, %dot_general3A_226 {dimension_numbers = #tpu.dot_dimension_numbers<[1], [0], [0], [1], [0, 0, 1, 1], [], []>, transpose_lhs_hint = false} : vector<32x288xf32>, vector<288x4096xf32>, vector<32x4096xf32> -> vector<32x4096xf32>
      %add3A_228 = arith.addf %concatenate3A_222, %dot_general3A_227 : vector<32x4096xf32>
      %get3A_229 = arith.constant 0 : index
      %get3A_230 = arith.constant 576 : index
      %get3A_231 = vector.load %arg6[%get3A_229, %get3A_230] : memref<32x864xf32, #tpu.memory_space<vmem>>, vector<32x288xf32>
      %dot_general3A_232 = arith.constant dense<0.000000e+00> : vector<32x4096xf32>
      %dot_general3A_233 = tpu.matmul %get3A_231, %concatenate3A_214, %dot_general3A_232 {dimension_numbers = #tpu.dot_dimension_numbers<[1], [0], [0], [1], [0, 0, 1, 1], [], []>, transpose_lhs_hint = false} : vector<32x288xf32>, vector<288x4096xf32>, vector<32x4096xf32> -> vector<32x4096xf32>
      %slice3A_234 = vector.extract_strided_slice %dot_general3A_233 {offsets = [0, 64], sizes = [32, 4032], strides = [1, 1]} : vector<32x4096xf32> to vector<32x4032xf32>
      %broadcast_in_dim3A_235 = arith.constant 0.000000e+00 : f32
      %broadcast_in_dim3A_236 = vector.broadcast %broadcast_in_dim3A_235 : f32 to vector<32x64xf32>
      %concatenate3A_237 = tpu.concatenate %slice3A_234, %broadcast_in_dim3A_236 in 1 : vector<32x4032xf32>, vector<32x64xf32> -> vector<32x4096xf32>
      %add3A_238 = arith.addf %add3A_228, %concatenate3A_237 : vector<32x4096xf32>
      %get3A_239 = arith.index_cast %select_n3A_177 : i32 to index
      %get3A_240 = arith.constant 0 : index
      %get3A_241 = arith.constant 0 : index
      %get3A_242 = vector.load %arg11[%get3A_239, %get3A_240, %get3A_241] : memref<3x2x4096xf32, #tpu.memory_space<vmem>>, vector<1x2x4096xf32>
      %slice3A_243 = vector.extract_strided_slice %get3A_242 {offsets = [0, 1, 0], sizes = [1, 1, 4096], strides = [1, 1, 1]} : vector<1x2x4096xf32> to vector<1x1x4096xf32>
      %squeeze3A_244 = vector.shape_cast %slice3A_243 : vector<1x1x4096xf32> to vector<1x4096xf32>
      %mul3A_245 = vector.broadcast %select_n3A_138 : f32 to vector<1x4096xf32>
      %mul3A_246 = arith.mulf %squeeze3A_244, %mul3A_245 : vector<1x4096xf32>
      %get3A_247 = arith.index_cast %select_n3A_195 : i32 to index
      %get3A_248 = arith.constant 0 : index
      %get3A_249 = arith.constant 0 : index
      %get3A_250 = vector.load %arg11[%get3A_247, %get3A_248, %get3A_249] : memref<3x2x4096xf32, #tpu.memory_space<vmem>>, vector<1x2x4096xf32>
      %slice3A_251 = vector.extract_strided_slice %get3A_250 {offsets = [0, 1, 0], sizes = [1, 1, 4096], strides = [1, 1, 1]} : vector<1x2x4096xf32> to vector<1x1x4096xf32>
      %squeeze3A_252 = vector.shape_cast %slice3A_251 : vector<1x1x4096xf32> to vector<1x4096xf32>
      %max3A_253 = arith.maximumf %mul3A_246, %squeeze3A_252 : vector<1x4096xf32>
      %get3A_254 = arith.index_cast %select_n3A_99 : i32 to index
      %get3A_255 = arith.constant 0 : index
      %get3A_256 = arith.constant 0 : index
      %get3A_257 = vector.load %arg11[%get3A_254, %get3A_255, %get3A_256] : memref<3x2x4096xf32, #tpu.memory_space<vmem>>, vector<1x2x4096xf32>
      %slice3A_258 = vector.extract_strided_slice %get3A_257 {offsets = [0, 1, 0], sizes = [1, 1, 4096], strides = [1, 1, 1]} : vector<1x2x4096xf32> to vector<1x1x4096xf32>
      %squeeze3A_259 = vector.shape_cast %slice3A_258 : vector<1x1x4096xf32> to vector<1x4096xf32>
      %mul3A_260 = vector.broadcast %select_n3A_159 : f32 to vector<1x4096xf32>
      %mul3A_261 = arith.mulf %squeeze3A_259, %mul3A_260 : vector<1x4096xf32>
      %max3A_262 = arith.maximumf %max3A_253, %mul3A_261 : vector<1x4096xf32>
      %broadcast_in_dim3A_263 = arith.constant 0.000000e+00 : f32
      %broadcast_in_dim3A_264 = vector.broadcast %broadcast_in_dim3A_263 : f32 to vector<1x64xf32>
      %slice3A_265 = vector.extract_strided_slice %max3A_262 {offsets = [0, 0], sizes = [1, 4032], strides = [1, 1]} : vector<1x4096xf32> to vector<1x4032xf32>
      %concatenate3A_266 = tpu.concatenate %broadcast_in_dim3A_264, %slice3A_265 in 1 : vector<1x64xf32>, vector<1x4032xf32> -> vector<1x4096xf32>
      %max3A_267 = arith.maximumf %concatenate3A_266, %max3A_262 : vector<1x4096xf32>
      %slice3A_268 = vector.extract_strided_slice %max3A_262 {offsets = [0, 64], sizes = [1, 4032], strides = [1, 1]} : vector<1x4096xf32> to vector<1x4032xf32>
      %broadcast_in_dim3A_269 = arith.constant 0.000000e+00 : f32
      %broadcast_in_dim3A_270 = vector.broadcast %broadcast_in_dim3A_269 : f32 to vector<1x64xf32>
      %concatenate3A_271 = tpu.concatenate %slice3A_268, %broadcast_in_dim3A_270 in 1 : vector<1x4032xf32>, vector<1x64xf32> -> vector<1x4096xf32>
      %max3A_272 = arith.maximumf %max3A_267, %concatenate3A_271 : vector<1x4096xf32>
      %swap3A_273 = arith.constant 0 : index
      %swap3A_274 = arith.constant 0 : index
      %swap3A_275 = arith.constant 0 : index
      %swap3A_276 = vector.load %arg8[%swap3A_273, %swap3A_274, %swap3A_275] : memref<1x1x4096xf32, #tpu.memory_space<vmem>>, vector<1x1x4096xf32>
      %swap3A_277 = vector.shape_cast %swap3A_276 : vector<1x1x4096xf32> to vector<1x4096xf32>
      %swap3A_278 = vector.shape_cast %max3A_272 : vector<1x4096xf32> to vector<1x1x4096xf32>
      tpu.vector_store %arg8[%swap3A_273, %swap3A_274, %swap3A_275], %swap3A_278 {strides = array<i32>} : memref<1x1x4096xf32, #tpu.memory_space<vmem>>, vector<1x1x4096xf32>,
      %swap3A_279 = arith.constant 0 : index
      %swap3A_280 = arith.constant 0 : index
      %swap3A_281 = arith.constant 0 : index
      %swap3A_282 = vector.load %arg7[%swap3A_279, %swap3A_280, %swap3A_281] : memref<1x32x4096xf32, #tpu.memory_space<vmem>>, vector<1x32x4096xf32>
      %swap3A_283 = vector.shape_cast %swap3A_282 : vector<1x32x4096xf32> to vector<32x4096xf32>
      %swap3A_284 = vector.shape_cast %add3A_238 : vector<32x4096xf32> to vector<1x32x4096xf32>
      tpu.vector_store %arg7[%swap3A_279, %swap3A_280, %swap3A_281], %swap3A_284 {strides = array<i32>} : memref<1x32x4096xf32, #tpu.memory_space<vmem>>, vector<1x32x4096xf32>,
      %reduce_sum3A = vector.shape_cast %max3A_272 : vector<1x4096xf32> to vector<1x1x4096xf32>
      %reduce_sum3A_285 = arith.constant dense<0.000000e+00> : vector<1xf32>
      %reduce_sum3A_286 = vector.multi_reduction <add>, %reduce_sum3A, %reduce_sum3A_285 [1, 2] : vector<1x1x4096xf32> to vector<1xf32>
      %reduce_sum3A_287 = vector.shape_cast %reduce_sum3A_286 : vector<1xf32> to vector<1x1x1xf32>
      %reduce_sum3A_288 = vector.extract %reduce_sum3A_287[0, 0, 0] : f32 from vector<1x1x1xf32>
      %mul3A_289 = vector.broadcast %max3A_272 : vector<1x4096xf32> to vector<32x4096xf32>
      %mul3A_290 = arith.mulf %add3A_238, %mul3A_289 : vector<32x4096xf32>
      %reduce_sum3A_291 = arith.constant dense<0.000000e+00> : vector<32xf32>
      %reduce_sum3A_292 = vector.multi_reduction <add>, %mul3A_290, %reduce_sum3A_291 [1] : vector<32x4096xf32> to vector<32xf32>
      %mul3A_293 = arith.mulf %add3A_238, %add3A_238 : vector<32x4096xf32>
      %mul3A_294 = vector.broadcast %max3A_272 : vector<1x4096xf32> to vector<32x4096xf32>
      %mul3A_295 = arith.mulf %mul3A_293, %mul3A_294 : vector<32x4096xf32>
      %reduce_sum3A_296 = arith.constant dense<0.000000e+00> : vector<32xf32>
      %reduce_sum3A_297 = vector.multi_reduction <add>, %mul3A_295, %reduce_sum3A_296 [1] : vector<32x4096xf32> to vector<32xf32>
      %get3A_298 = arith.constant 0 : index
      %get3A_299 = arith.constant 0 : index
      %get3A_300 = vector.load %arg9[%get3A_298, %get3A_299] : memref<3x32xf32, #tpu.memory_space<vmem>>, vector<3x32xf32>
      %broadcast_in_dim3A_301 = vector.broadcast %reduce_sum3A_288 : f32 to vector<1x32xf32>
      %reshape3A_302 = vector.shape_cast %reduce_sum3A_292 : vector<32xf32> to vector<1x32xf32>
      %reshape3A_303 = vector.shape_cast %reduce_sum3A_297 : vector<32xf32> to vector<1x32xf32>
      %concatenate3A_304 = tpu.concatenate %broadcast_in_dim3A_301, %reshape3A_302, %reshape3A_303 in 0 : vector<1x32xf32>, vector<1x32xf32>, vector<1x32xf32> -> vector<3x32xf32>
      %add3A_305 = arith.addf %get3A_300, %concatenate3A_304 : vector<3x32xf32>
      %swap3A_306 = arith.constant 0 : index
      %swap3A_307 = arith.constant 0 : index
      %swap3A_308 = vector.load %arg9[%swap3A_306, %swap3A_307] : memref<3x32xf32, #tpu.memory_space<vmem>>, vector<3x32xf32>
      tpu.vector_store %arg9[%swap3A_306, %swap3A_307], %add3A_305 {strides = array<i32>} : memref<3x32xf32, #tpu.memory_space<vmem>>, vector<3x32xf32>,
    } else {
    }
    return
  }
  func.func @transform_0(%arg0: i32) -> (i32, i32, i32) {
    %jit3A = arith.constant 0 : i32
    %jit3A_0 = arith.constant 31 : i32
    %max3A = arith.maxsi %jit3A, %arg0 : i32
    %min3A = arith.minsi %jit3A_0, %max3A : i32
    %c0_i32 = arith.constant 0 : i32
    %c0_i32_1 = arith.constant 0 : i32
    %c0_i32_2 = arith.constant 0 : i32
    return %min3A, %c0_i32, %c0_i32_1 : i32, i32, i32
  }
  func.func @transform_1(%arg0: i32) -> (i32, i32, i32) {
    %jit3A = arith.constant 0 : i32
    %jit3A_0 = arith.constant 31 : i32
    %max3A = arith.maxsi %jit3A, %arg0 : i32
    %min3A = arith.minsi %jit3A_0, %max3A : i32
    %c0_i32 = arith.constant 0 : i32
    %c0_i32_1 = arith.constant 0 : i32
    %c0_i32_2 = arith.constant 0 : i32
    return %min3A, %c0_i32, %c0_i32_1 : i32, i32, i32
  }
  func.func @transform_2(%arg0: i32) -> (i32, i32) {
    %c0_i32 = arith.constant 0 : i32
    %c0_i32_0 = arith.constant 0 : i32
    %c0_i32_1 = arith.constant 0 : i32
    return %c0_i32, %c0_i32_0 : i32, i32
  }
  func.func @transform_3(%arg0: i32) -> (i32, i32) {
    %c0_i32 = arith.constant 0 : i32
    %c0_i32_0 = arith.constant 0 : i32
    %c0_i32_1 = arith.constant 0 : i32
    return %c0_i32, %c0_i32_0 : i32, i32
  }
  func.func @transform_4(%arg0: i32) -> (i32, i32) {
    %c0_i32 = arith.constant 0 : i32
    %c0_i32_0 = arith.constant 0 : i32
    %c0_i32_1 = arith.constant 0 : i32
    return %c0_i32, %c0_i32_0 : i32, i32
  }
  func.func @transform_5(%arg0: i32) -> (i32, i32) {
    %c0_i32 = arith.constant 0 : i32
    %c0_i32_0 = arith.constant 0 : i32
    %c0_i32_1 = arith.constant 0 : i32
    return %c0_i32, %c0_i32_0 : i32, i32
  }
  func.func @transform_6(%arg0: i32) -> (i32, i32, i32) {
    %sub3A = arith.constant 1 : i32
    %sub3A_0 = arith.subi %arg0, %sub3A : i32
    %jit3A = arith.constant 0 : i32
    %jit3A_1 = arith.constant 31 : i32
    %max3A = arith.maxsi %jit3A, %sub3A_0 : i32
    %min3A = arith.minsi %jit3A_1, %max3A : i32
    %c0_i32 = arith.constant 0 : i32
    %c0_i32_2 = arith.constant 0 : i32
    %c0_i32_3 = arith.constant 0 : i32
    return %min3A, %c0_i32, %c0_i32_2 : i32, i32, i32
  }
  func.func @transform_7(%arg0: i32) -> (i32, i32, i32) {
    %sub3A = arith.constant 1 : i32
    %sub3A_0 = arith.subi %arg0, %sub3A : i32
    %jit3A = arith.constant 0 : i32
    %jit3A_1 = arith.constant 31 : i32
    %max3A = arith.maxsi %jit3A, %sub3A_0 : i32
    %min3A = arith.minsi %jit3A_1, %max3A : i32
    %c0_i32 = arith.constant 0 : i32
    %c0_i32_2 = arith.constant 0 : i32
    %c0_i32_3 = arith.constant 0 : i32
    return %min3A, %c0_i32, %c0_i32_2 : i32, i32, i32
  }
  func.func @transform_8(%arg0: i32) -> (i32, i32) {
    %c0_i32 = arith.constant 0 : i32
    %c0_i32_0 = arith.constant 0 : i32
    %c0_i32_1 = arith.constant 0 : i32
    return %c0_i32, %c0_i32_0 : i32, i32
  }
}

module attributes {stable_mosaic.version = 14 : i64} {
  func.func @_conv_body(%arg0: i32, %arg1: memref<1x32x4096xf32, #tpu.memory_space<vmem>>, %arg2: memref<1x1x4096xf32, #tpu.memory_space<vmem>>, %arg3: memref<3x32xf32, #tpu.memory_space<vmem>>, %arg4: memref<1x32xf32, #tpu.memory_space<vmem>>, %arg5: memref<1x32xf32, #tpu.memory_space<vmem>>, %arg6: memref<1x32xf32, #tpu.memory_space<vmem>>, %arg7: memref<1x32xf32, #tpu.memory_space<vmem>>, %arg8: memref<32x864xf32, #tpu.memory_space<vmem>>, %arg9: memref<1x4096x32xf32, #tpu.memory_space<vmem>>, %arg10: memref<3x32xf32, #tpu.memory_space<vmem>>, %arg11: memref<2x32xf32, #tpu.memory_space<vmem>>, %arg12: memref<3x96x4096xf32, #tpu.memory_space<vmem>>, %arg13: memref<3x1x4096xf32, #tpu.memory_space<vmem>>) attributes {dimension_semantics = [#tpu.dimension_semantics<arbitrary>], iteration_bounds = array<i64: 33>, scalar_prefetch = 0 : i64, scratch_operands = 2 : i64, tpu.core_type = #tpu.core_type<tc>, window_params = [{transform_indices = @transform_0, window_bounds = array<i64: 1, 32, 4096>}, {transform_indices = @transform_1, window_bounds = array<i64: 1, 1, 4096>}, {pipeline_mode = #tpu.pipeline_mode<synchronous>, transform_indices = @transform_2, window_bounds = array<i64: 3, 32>}, {pipeline_mode = #tpu.pipeline_mode<synchronous>, transform_indices = @transform_3, window_bounds = array<i64: 1, 32>}, {pipeline_mode = #tpu.pipeline_mode<synchronous>, transform_indices = @transform_4, window_bounds = array<i64: 1, 32>}, {pipeline_mode = #tpu.pipeline_mode<synchronous>, transform_indices = @transform_5, window_bounds = array<i64: 1, 32>}, {pipeline_mode = #tpu.pipeline_mode<synchronous>, transform_indices = @transform_6, window_bounds = array<i64: 1, 32>}, {pipeline_mode = #tpu.pipeline_mode<synchronous>, transform_indices = @transform_7, window_bounds = array<i64: 32, 864>}, {transform_indices = @transform_8, window_bounds = array<i64: 1, 4096, 32>}, {pipeline_mode = #tpu.pipeline_mode<synchronous>, transform_indices = @transform_9, window_bounds = array<i64: 3, 32>}, {pipeline_mode = #tpu.pipeline_mode<synchronous>, transform_indices = @transform_10, window_bounds = array<i64: 2, 32>}]} {
    %iota3A = tpu.iota {dimensions = array<i32: 1>} : vector<1x4096xi32>
    %jit3A = arith.constant 64 : i32
    %eq3A = arith.constant 0 : i32
    %eq3A_0 = arith.cmpi eq, %jit3A, %eq3A : i32
    %jit3A_1 = arith.constant 1 : i32
    %select_n3A = arith.select %eq3A_0, %jit3A_1, %jit3A : i32
    %rem3A = vector.broadcast %select_n3A : i32 to vector<1x4096xi32>
    %rem3A_2 = arith.remsi %iota3A, %rem3A : vector<1x4096xi32>
    %ne3A = arith.constant 0 : i32
    %ne3A_3 = vector.broadcast %ne3A : i32 to vector<1x4096xi32>
    %ne3A_4 = arith.cmpi ne, %rem3A_2, %ne3A_3 : vector<1x4096xi32>
    %lt3A = arith.constant 0 : i32
    %lt3A_5 = vector.broadcast %lt3A : i32 to vector<1x4096xi32>
    %lt3A_6 = arith.cmpi slt, %rem3A_2, %lt3A_5 : vector<1x4096xi32>
    %lt3A_7 = arith.constant 0 : i32
    %lt3A_8 = arith.cmpi slt, %select_n3A, %lt3A_7 : i32
    %ne3A_9 = vector.broadcast %lt3A_8 : i1 to vector<1x4096xi1>
    %ne3A_10 = vector.broadcast %ne3A_9 : vector<1x4096xi1> to vector<1x4096xi1>
    %ne3A_11 = arith.xori %lt3A_6, %ne3A_10 : vector<1x4096xi1>
    %and3A = arith.andi %ne3A_11, %ne3A_4 : vector<1x4096xi1>
    %add3A = vector.broadcast %select_n3A : i32 to vector<1x4096xi32>
    %add3A_12 = arith.addi %rem3A_2, %add3A : vector<1x4096xi32>
    %select_n3A_13 = arith.select %and3A, %add3A_12, %rem3A_2 : vector<1x4096xi1>, vector<1x4096xi32>
    %ne3A_14 = arith.constant 0 : i32
    %ne3A_15 = vector.broadcast %ne3A_14 : i32 to vector<1x4096xi32>
    %ne3A_16 = arith.cmpi ne, %select_n3A_13, %ne3A_15 : vector<1x4096xi32>
    %convert_element_type3A = arith.extui %ne3A_16 : vector<1x4096xi1> to vector<1x4096xi32>
    %convert_element_type3A_17 = arith.sitofp %convert_element_type3A : vector<1x4096xi32> to vector<1x4096xf32>
    %ne3A_18 = arith.constant 63 : i32
    %ne3A_19 = vector.broadcast %ne3A_18 : i32 to vector<1x4096xi32>
    %ne3A_20 = arith.cmpi ne, %select_n3A_13, %ne3A_19 : vector<1x4096xi32>
    %convert_element_type3A_21 = arith.extui %ne3A_20 : vector<1x4096xi1> to vector<1x4096xi32>
    %convert_element_type3A_22 = arith.sitofp %convert_element_type3A_21 : vector<1x4096xi32> to vector<1x4096xf32>
    %get3A = arith.constant 0 : index
    %get3A_23 = arith.constant 0 : index
    %get3A_24 = vector.load %arg3[%get3A, %get3A_23] : memref<3x32xf32, #tpu.memory_space<vmem>>, vector<3x32xf32>
    %slice3A = vector.extract_strided_slice %get3A_24 {offsets = [1, 0], sizes = [1, 32], strides = [1, 1]} : vector<3x32xf32> to vector<1x32xf32>
    %slice3A_25 = vector.extract_strided_slice %get3A_24 {offsets = [0, 0], sizes = [1, 32], strides = [1, 1]} : vector<3x32xf32> to vector<1x32xf32>
    %div3A = arith.divf %slice3A, %slice3A_25 : vector<1x32xf32>
    %slice3A_26 = vector.extract_strided_slice %get3A_24 {offsets = [2, 0], sizes = [1, 32], strides = [1, 1]} : vector<3x32xf32> to vector<1x32xf32>
    %slice3A_27 = vector.extract_strided_slice %get3A_24 {offsets = [0, 0], sizes = [1, 32], strides = [1, 1]} : vector<3x32xf32> to vector<1x32xf32>
    %div3A_28 = arith.divf %slice3A_26, %slice3A_27 : vector<1x32xf32>
    %mul3A = arith.mulf %div3A, %div3A : vector<1x32xf32>
    %sub3A = arith.subf %div3A_28, %mul3A : vector<1x32xf32>
    %get3A_29 = arith.constant 0 : index
    %get3A_30 = arith.constant 0 : index
    %get3A_31 = vector.load %arg4[%get3A_29, %get3A_30] : memref<1x32xf32, #tpu.memory_space<vmem>>, vector<1x32xf32>
    %add3A_32 = arith.constant 1.000000e-03 : f32
    %add3A_33 = vector.broadcast %add3A_32 : f32 to vector<1x32xf32>
    %add3A_34 = arith.addf %sub3A, %add3A_33 : vector<1x32xf32>
    %rsqrt3A = math.rsqrt %add3A_34 : vector<1x32xf32>
    %mul3A_35 = arith.mulf %get3A_31, %rsqrt3A : vector<1x32xf32>
    %get3A_36 = arith.constant 0 : index
    %get3A_37 = arith.constant 0 : index
    %get3A_38 = vector.load %arg5[%get3A_36, %get3A_37] : memref<1x32xf32, #tpu.memory_space<vmem>>, vector<1x32xf32>
    %mul3A_39 = arith.mulf %div3A, %mul3A_35 : vector<1x32xf32>
    %sub3A_40 = arith.subf %get3A_38, %mul3A_39 : vector<1x32xf32>
    %get3A_41 = arith.constant 0 : index
    %get3A_42 = arith.constant 0 : index
    %get3A_43 = arith.constant 0 : index
    %get3A_44 = vector.load %arg2[%get3A_41, %get3A_42, %get3A_43] : memref<1x1x4096xf32, #tpu.memory_space<vmem>>, vector<1x1x4096xf32>
    %get3A_45 = vector.shape_cast %get3A_44 : vector<1x1x4096xf32> to vector<1x4096xf32>
    %get3A_46 = arith.constant 0 : index
    %get3A_47 = arith.constant 0 : index
    %get3A_48 = arith.constant 0 : index
    %get3A_49 = vector.load %arg1[%get3A_46, %get3A_47, %get3A_48] : memref<1x32x4096xf32, #tpu.memory_space<vmem>>, vector<1x32x4096xf32>
    %get3A_50 = vector.shape_cast %get3A_49 : vector<1x32x4096xf32> to vector<32x4096xf32>
    %transpose3A = tpu.transpose %mul3A_35, [1, 0] : vector<1x32xf32> -> vector<32x1xf32>
    %mul3A_51 = vector.broadcast %transpose3A : vector<32x1xf32> to vector<32x4096xf32>
    %mul3A_52 = arith.mulf %get3A_50, %mul3A_51 : vector<32x4096xf32>
    %transpose3A_53 = tpu.transpose %sub3A_40, [1, 0] : vector<1x32xf32> -> vector<32x1xf32>
    %add3A_54 = vector.broadcast %transpose3A_53 : vector<32x1xf32> to vector<32x4096xf32>
    %add3A_55 = arith.addf %mul3A_52, %add3A_54 : vector<32x4096xf32>
    %max3A = arith.constant 0.000000e+00 : f32
    %max3A_56 = vector.broadcast %max3A : f32 to vector<32x4096xf32>
    %max3A_57 = arith.maximumf %add3A_55, %max3A_56 : vector<32x4096xf32>
    %mul3A_58 = vector.broadcast %get3A_45 : vector<1x4096xf32> to vector<32x4096xf32>
    %mul3A_59 = arith.mulf %max3A_57, %mul3A_58 : vector<32x4096xf32>
    %broadcast_in_dim3A = arith.constant 0.000000e+00 : f32
    %broadcast_in_dim3A_60 = vector.broadcast %broadcast_in_dim3A : f32 to vector<32x1xf32>
    %slice3A_61 = vector.extract_strided_slice %mul3A_59 {offsets = [0, 0], sizes = [32, 4095], strides = [1, 1]} : vector<32x4096xf32> to vector<32x4095xf32>
    %concatenate3A = tpu.concatenate %broadcast_in_dim3A_60, %slice3A_61 in 1 : vector<32x1xf32>, vector<32x4095xf32> -> vector<32x4096xf32>
    %mul3A_62 = vector.broadcast %convert_element_type3A_17 : vector<1x4096xf32> to vector<32x4096xf32>
    %mul3A_63 = arith.mulf %concatenate3A, %mul3A_62 : vector<32x4096xf32>
    %slice3A_64 = vector.extract_strided_slice %mul3A_59 {offsets = [0, 1], sizes = [32, 4095], strides = [1, 1]} : vector<32x4096xf32> to vector<32x4095xf32>
    %broadcast_in_dim3A_65 = arith.constant 0.000000e+00 : f32
    %broadcast_in_dim3A_66 = vector.broadcast %broadcast_in_dim3A_65 : f32 to vector<32x1xf32>
    %concatenate3A_67 = tpu.concatenate %slice3A_64, %broadcast_in_dim3A_66 in 1 : vector<32x4095xf32>, vector<32x1xf32> -> vector<32x4096xf32>
    %mul3A_68 = vector.broadcast %convert_element_type3A_22 : vector<1x4096xf32> to vector<32x4096xf32>
    %mul3A_69 = arith.mulf %concatenate3A_67, %mul3A_68 : vector<32x4096xf32>
    %concatenate3A_70 = tpu.concatenate %mul3A_63, %mul3A_59, %mul3A_69 in 0 : vector<32x4096xf32>, vector<32x4096xf32>, vector<32x4096xf32> -> vector<96x4096xf32>
    %jit3A_71 = arith.constant 3 : i32
    %eq3A_72 = arith.constant 0 : i32
    %eq3A_73 = arith.cmpi eq, %jit3A_71, %eq3A_72 : i32
    %jit3A_74 = arith.constant 1 : i32
    %select_n3A_75 = arith.select %eq3A_73, %jit3A_74, %jit3A_71 : i32
    %rem3A_76 = arith.remsi %arg0, %select_n3A_75 : i32
    %ne3A_77 = arith.constant 0 : i32
    %ne3A_78 = arith.cmpi ne, %rem3A_76, %ne3A_77 : i32
    %lt3A_79 = arith.constant 0 : i32
    %lt3A_80 = arith.cmpi slt, %rem3A_76, %lt3A_79 : i32
    %lt3A_81 = arith.constant 0 : i32
    %lt3A_82 = arith.cmpi slt, %select_n3A_75, %lt3A_81 : i32
    %ne3A_83 = arith.xori %lt3A_80, %lt3A_82 : i1
    %and3A_84 = arith.andi %ne3A_83, %ne3A_78 : i1
    %add3A_85 = arith.addi %rem3A_76, %select_n3A_75 : i32
    %select_n3A_86 = arith.select %and3A_84, %add3A_85, %rem3A_76 : i32
    %reshape3A = vector.shape_cast %concatenate3A_70 : vector<96x4096xf32> to vector<1x96x4096xf32>
    %swap3A = arith.index_cast %select_n3A_86 : i32 to index
    %swap3A_87 = arith.constant 0 : index
    %swap3A_88 = arith.constant 0 : index
    %swap3A_89 = vector.load %arg12[%swap3A, %swap3A_87, %swap3A_88] : memref<3x96x4096xf32, #tpu.memory_space<vmem>>, vector<1x96x4096xf32>
    tpu.vector_store %arg12[%swap3A, %swap3A_87, %swap3A_88], %reshape3A {strides = array<i32>} : memref<3x96x4096xf32, #tpu.memory_space<vmem>>, vector<1x96x4096xf32>,
    %reshape3A_90 = vector.shape_cast %get3A_45 : vector<1x4096xf32> to vector<1x1x4096xf32>
    %swap3A_91 = arith.index_cast %select_n3A_86 : i32 to index
    %swap3A_92 = arith.constant 0 : index
    %swap3A_93 = arith.constant 0 : index
    %swap3A_94 = vector.load %arg13[%swap3A_91, %swap3A_92, %swap3A_93] : memref<3x1x4096xf32, #tpu.memory_space<vmem>>, vector<1x1x4096xf32>
    tpu.vector_store %arg13[%swap3A_91, %swap3A_92, %swap3A_93], %reshape3A_90 {strides = array<i32>} : memref<3x1x4096xf32, #tpu.memory_space<vmem>>, vector<1x1x4096xf32>,
    %eq3A_95 = arith.constant 0 : i32
    %eq3A_96 = arith.cmpi eq, %arg0, %eq3A_95 : i32
    %convert_element_type3A_97 = arith.extui %eq3A_96 : i1 to i32
    %cond3A = arith.constant 0 : i32
    %cond3A_98 = arith.cmpi ne, %convert_element_type3A_97, %cond3A : i32
    scf.if %cond3A_98 {
      %broadcast_in_dim3A_103 = arith.constant 0.000000e+00 : f32
      %broadcast_in_dim3A_104 = vector.broadcast %broadcast_in_dim3A_103 : f32 to vector<1x96x4096xf32>
      %swap3A_105 = arith.constant 2 : index
      %swap3A_106 = arith.constant 0 : index
      %swap3A_107 = arith.constant 0 : index
      %swap3A_108 = vector.load %arg12[%swap3A_105, %swap3A_106, %swap3A_107] : memref<3x96x4096xf32, #tpu.memory_space<vmem>>, vector<1x96x4096xf32>
      tpu.vector_store %arg12[%swap3A_105, %swap3A_106, %swap3A_107], %broadcast_in_dim3A_104 {strides = array<i32>} : memref<3x96x4096xf32, #tpu.memory_space<vmem>>, vector<1x96x4096xf32>,
      %broadcast_in_dim3A_109 = arith.constant 0.000000e+00 : f32
      %broadcast_in_dim3A_110 = vector.broadcast %broadcast_in_dim3A_109 : f32 to vector<1x1x4096xf32>
      %swap3A_111 = arith.constant 2 : index
      %swap3A_112 = arith.constant 0 : index
      %swap3A_113 = arith.constant 0 : index
      %swap3A_114 = vector.load %arg13[%swap3A_111, %swap3A_112, %swap3A_113] : memref<3x1x4096xf32, #tpu.memory_space<vmem>>, vector<1x1x4096xf32>
      tpu.vector_store %arg13[%swap3A_111, %swap3A_112, %swap3A_113], %broadcast_in_dim3A_110 {strides = array<i32>} : memref<3x1x4096xf32, #tpu.memory_space<vmem>>, vector<1x1x4096xf32>,
      %broadcast_in_dim3A_115 = arith.constant 0.000000e+00 : f32
      %broadcast_in_dim3A_116 = vector.broadcast %broadcast_in_dim3A_115 : f32 to vector<3x32xf32>
      %swap3A_117 = arith.constant 0 : index
      %swap3A_118 = arith.constant 0 : index
      %swap3A_119 = vector.load %arg10[%swap3A_117, %swap3A_118] : memref<3x32xf32, #tpu.memory_space<vmem>>, vector<3x32xf32>
      tpu.vector_store %arg10[%swap3A_117, %swap3A_118], %broadcast_in_dim3A_116 {strides = array<i32>} : memref<3x32xf32, #tpu.memory_space<vmem>>, vector<3x32xf32>,
    } else {
    }
    %gt3A = arith.constant 0 : i32
    %gt3A_99 = arith.cmpi sgt, %arg0, %gt3A : i32
    %convert_element_type3A_100 = arith.extui %gt3A_99 : i1 to i32
    %cond3A_101 = arith.constant 0 : i32
    %cond3A_102 = arith.cmpi ne, %convert_element_type3A_100, %cond3A_101 : i32
    scf.if %cond3A_102 {
      %sub3A_103 = arith.constant 1 : i32
      %sub3A_104 = arith.subi %arg0, %sub3A_103 : i32
      %jit3A_105 = arith.constant 16 : i32
      %eq3A_106 = arith.constant 0 : i32
      %eq3A_107 = arith.cmpi eq, %jit3A_105, %eq3A_106 : i32
      %jit3A_108 = arith.constant 1 : i32
      %select_n3A_109 = arith.select %eq3A_107, %jit3A_108, %jit3A_105 : i32
      %rem3A_110 = arith.remsi %sub3A_104, %select_n3A_109 : i32
      %ne3A_111 = arith.constant 0 : i32
      %ne3A_112 = arith.cmpi ne, %rem3A_110, %ne3A_111 : i32
      %lt3A_113 = arith.constant 0 : i32
      %lt3A_114 = arith.cmpi slt, %rem3A_110, %lt3A_113 : i32
      %lt3A_115 = arith.constant 0 : i32
      %lt3A_116 = arith.cmpi slt, %select_n3A_109, %lt3A_115 : i32
      %ne3A_117 = arith.xori %lt3A_114, %lt3A_116 : i1
      %and3A_118 = arith.andi %ne3A_117, %ne3A_112 : i1
      %add3A_119 = arith.addi %rem3A_110, %select_n3A_109 : i32
      %select_n3A_120 = arith.select %and3A_118, %add3A_119, %rem3A_110 : i32
      %ne3A_121 = arith.constant 0 : i32
      %ne3A_122 = arith.cmpi ne, %select_n3A_120, %ne3A_121 : i32
      %jit3A_123 = arith.constant 1.000000e+00 : f32
      %jit3A_124 = arith.constant 0.000000e+00 : f32
      %select_n3A_125 = arith.select %ne3A_122, %jit3A_123, %jit3A_124 : f32
      %jit3A_126 = arith.constant 16 : i32
      %eq3A_127 = arith.constant 0 : i32
      %eq3A_128 = arith.cmpi eq, %jit3A_126, %eq3A_127 : i32
      %jit3A_129 = arith.constant 1 : i32
      %select_n3A_130 = arith.select %eq3A_128, %jit3A_129, %jit3A_126 : i32
      %rem3A_131 = arith.remsi %sub3A_104, %select_n3A_130 : i32
      %ne3A_132 = arith.constant 0 : i32
      %ne3A_133 = arith.cmpi ne, %rem3A_131, %ne3A_132 : i32
      %lt3A_134 = arith.constant 0 : i32
      %lt3A_135 = arith.cmpi slt, %rem3A_131, %lt3A_134 : i32
      %lt3A_136 = arith.constant 0 : i32
      %lt3A_137 = arith.cmpi slt, %select_n3A_130, %lt3A_136 : i32
      %ne3A_138 = arith.xori %lt3A_135, %lt3A_137 : i1
      %and3A_139 = arith.andi %ne3A_138, %ne3A_133 : i1
      %add3A_140 = arith.addi %rem3A_131, %select_n3A_130 : i32
      %select_n3A_141 = arith.select %and3A_139, %add3A_140, %rem3A_131 : i32
      %ne3A_142 = arith.constant 15 : i32
      %ne3A_143 = arith.cmpi ne, %select_n3A_141, %ne3A_142 : i32
      %jit3A_144 = arith.constant 1.000000e+00 : f32
      %jit3A_145 = arith.constant 0.000000e+00 : f32
      %select_n3A_146 = arith.select %ne3A_143, %jit3A_144, %jit3A_145 : f32
      %sub3A_147 = arith.constant 2 : i32
      %sub3A_148 = arith.subi %arg0, %sub3A_147 : i32
      %jit3A_149 = arith.constant 3 : i32
      %eq3A_150 = arith.constant 0 : i32
      %eq3A_151 = arith.cmpi eq, %jit3A_149, %eq3A_150 : i32
      %jit3A_152 = arith.constant 1 : i32
      %select_n3A_153 = arith.select %eq3A_151, %jit3A_152, %jit3A_149 : i32
      %rem3A_154 = arith.remsi %sub3A_148, %select_n3A_153 : i32
      %ne3A_155 = arith.constant 0 : i32
      %ne3A_156 = arith.cmpi ne, %rem3A_154, %ne3A_155 : i32
      %lt3A_157 = arith.constant 0 : i32
      %lt3A_158 = arith.cmpi slt, %rem3A_154, %lt3A_157 : i32
      %lt3A_159 = arith.constant 0 : i32
      %lt3A_160 = arith.cmpi slt, %select_n3A_153, %lt3A_159 : i32
      %ne3A_161 = arith.xori %lt3A_158, %lt3A_160 : i1
      %and3A_162 = arith.andi %ne3A_161, %ne3A_156 : i1
      %add3A_163 = arith.addi %rem3A_154, %select_n3A_153 : i32
      %select_n3A_164 = arith.select %and3A_162, %add3A_163, %rem3A_154 : i32
      %sub3A_165 = arith.constant 1 : i32
      %sub3A_166 = arith.subi %arg0, %sub3A_165 : i32
      %jit3A_167 = arith.constant 3 : i32
      %eq3A_168 = arith.constant 0 : i32
      %eq3A_169 = arith.cmpi eq, %jit3A_167, %eq3A_168 : i32
      %jit3A_170 = arith.constant 1 : i32
      %select_n3A_171 = arith.select %eq3A_169, %jit3A_170, %jit3A_167 : i32
      %rem3A_172 = arith.remsi %sub3A_166, %select_n3A_171 : i32
      %ne3A_173 = arith.constant 0 : i32
      %ne3A_174 = arith.cmpi ne, %rem3A_172, %ne3A_173 : i32
      %lt3A_175 = arith.constant 0 : i32
      %lt3A_176 = arith.cmpi slt, %rem3A_172, %lt3A_175 : i32
      %lt3A_177 = arith.constant 0 : i32
      %lt3A_178 = arith.cmpi slt, %select_n3A_171, %lt3A_177 : i32
      %ne3A_179 = arith.xori %lt3A_176, %lt3A_178 : i1
      %and3A_180 = arith.andi %ne3A_179, %ne3A_174 : i1
      %add3A_181 = arith.addi %rem3A_172, %select_n3A_171 : i32
      %select_n3A_182 = arith.select %and3A_180, %add3A_181, %rem3A_172 : i32
      %get3A_183 = arith.index_cast %select_n3A_164 : i32 to index
      %get3A_184 = arith.constant 0 : index
      %get3A_185 = arith.constant 0 : index
      %get3A_186 = vector.load %arg12[%get3A_183, %get3A_184, %get3A_185] : memref<3x96x4096xf32, #tpu.memory_space<vmem>>, vector<1x96x4096xf32>
      %squeeze3A = vector.shape_cast %get3A_186 : vector<1x96x4096xf32> to vector<96x4096xf32>
      %mul3A_187 = vector.broadcast %select_n3A_125 : f32 to vector<96x4096xf32>
      %mul3A_188 = arith.mulf %squeeze3A, %mul3A_187 : vector<96x4096xf32>
      %get3A_189 = arith.index_cast %select_n3A_182 : i32 to index
      %get3A_190 = arith.constant 0 : index
      %get3A_191 = arith.constant 0 : index
      %get3A_192 = vector.load %arg12[%get3A_189, %get3A_190, %get3A_191] : memref<3x96x4096xf32, #tpu.memory_space<vmem>>, vector<1x96x4096xf32>
      %squeeze3A_193 = vector.shape_cast %get3A_192 : vector<1x96x4096xf32> to vector<96x4096xf32>
      %get3A_194 = arith.index_cast %select_n3A_86 : i32 to index
      %get3A_195 = arith.constant 0 : index
      %get3A_196 = arith.constant 0 : index
      %get3A_197 = vector.load %arg12[%get3A_194, %get3A_195, %get3A_196] : memref<3x96x4096xf32, #tpu.memory_space<vmem>>, vector<1x96x4096xf32>
      %squeeze3A_198 = vector.shape_cast %get3A_197 : vector<1x96x4096xf32> to vector<96x4096xf32>
      %mul3A_199 = vector.broadcast %select_n3A_146 : f32 to vector<96x4096xf32>
      %mul3A_200 = arith.mulf %squeeze3A_198, %mul3A_199 : vector<96x4096xf32>
      %concatenate3A_201 = tpu.concatenate %mul3A_188, %squeeze3A_193, %mul3A_200 in 0 : vector<96x4096xf32>, vector<96x4096xf32>, vector<96x4096xf32> -> vector<288x4096xf32>
      %get3A_202 = arith.constant 0 : index
      %get3A_203 = arith.constant 0 : index
      %get3A_204 = vector.load %arg8[%get3A_202, %get3A_203] : memref<32x864xf32, #tpu.memory_space<vmem>>, vector<32x288xf32>
      %dot_general3A = arith.constant dense<0.000000e+00> : vector<32x4096xf32>
      %dot_general3A_205 = tpu.matmul %get3A_204, %concatenate3A_201, %dot_general3A {dimension_numbers = #tpu.dot_dimension_numbers<[1], [0], [0], [1], [0, 0, 1, 1], [], []>, transpose_lhs_hint = false} : vector<32x288xf32>, vector<288x4096xf32>, vector<32x4096xf32> -> vector<32x4096xf32>
      %broadcast_in_dim3A_206 = arith.constant 0.000000e+00 : f32
      %broadcast_in_dim3A_207 = vector.broadcast %broadcast_in_dim3A_206 : f32 to vector<32x64xf32>
      %slice3A_208 = vector.extract_strided_slice %dot_general3A_205 {offsets = [0, 0], sizes = [32, 4032], strides = [1, 1]} : vector<32x4096xf32> to vector<32x4032xf32>
      %concatenate3A_209 = tpu.concatenate %broadcast_in_dim3A_207, %slice3A_208 in 1 : vector<32x64xf32>, vector<32x4032xf32> -> vector<32x4096xf32>
      %get3A_210 = arith.constant 0 : index
      %get3A_211 = arith.constant 288 : index
      %get3A_212 = vector.load %arg8[%get3A_210, %get3A_211] : memref<32x864xf32, #tpu.memory_space<vmem>>, vector<32x288xf32>
      %dot_general3A_213 = arith.constant dense<0.000000e+00> : vector<32x4096xf32>
      %dot_general3A_214 = tpu.matmul %get3A_212, %concatenate3A_201, %dot_general3A_213 {dimension_numbers = #tpu.dot_dimension_numbers<[1], [0], [0], [1], [0, 0, 1, 1], [], []>, transpose_lhs_hint = false} : vector<32x288xf32>, vector<288x4096xf32>, vector<32x4096xf32> -> vector<32x4096xf32>
      %add3A_215 = arith.addf %concatenate3A_209, %dot_general3A_214 : vector<32x4096xf32>
      %get3A_216 = arith.constant 0 : index
      %get3A_217 = arith.constant 576 : index
      %get3A_218 = vector.load %arg8[%get3A_216, %get3A_217] : memref<32x864xf32, #tpu.memory_space<vmem>>, vector<32x288xf32>
      %dot_general3A_219 = arith.constant dense<0.000000e+00> : vector<32x4096xf32>
      %dot_general3A_220 = tpu.matmul %get3A_218, %concatenate3A_201, %dot_general3A_219 {dimension_numbers = #tpu.dot_dimension_numbers<[1], [0], [0], [1], [0, 0, 1, 1], [], []>, transpose_lhs_hint = false} : vector<32x288xf32>, vector<288x4096xf32>, vector<32x4096xf32> -> vector<32x4096xf32>
      %slice3A_221 = vector.extract_strided_slice %dot_general3A_220 {offsets = [0, 64], sizes = [32, 4032], strides = [1, 1]} : vector<32x4096xf32> to vector<32x4032xf32>
      %broadcast_in_dim3A_222 = arith.constant 0.000000e+00 : f32
      %broadcast_in_dim3A_223 = vector.broadcast %broadcast_in_dim3A_222 : f32 to vector<32x64xf32>
      %concatenate3A_224 = tpu.concatenate %slice3A_221, %broadcast_in_dim3A_223 in 1 : vector<32x4032xf32>, vector<32x64xf32> -> vector<32x4096xf32>
      %add3A_225 = arith.addf %add3A_215, %concatenate3A_224 : vector<32x4096xf32>
      %get3A_226 = arith.index_cast %select_n3A_182 : i32 to index
      %get3A_227 = arith.constant 0 : index
      %get3A_228 = arith.constant 0 : index
      %get3A_229 = vector.load %arg13[%get3A_226, %get3A_227, %get3A_228] : memref<3x1x4096xf32, #tpu.memory_space<vmem>>, vector<1x1x4096xf32>
      %squeeze3A_230 = vector.shape_cast %get3A_229 : vector<1x1x4096xf32> to vector<1x4096xf32>
      %transpose3A_231 = tpu.transpose %add3A_225, [1, 0] : vector<32x4096xf32> -> vector<4096x32xf32>
      %swap3A_232 = arith.constant 0 : index
      %swap3A_233 = arith.constant 0 : index
      %swap3A_234 = arith.constant 0 : index
      %swap3A_235 = vector.load %arg9[%swap3A_232, %swap3A_233, %swap3A_234] : memref<1x4096x32xf32, #tpu.memory_space<vmem>>, vector<1x4096x32xf32>
      %swap3A_236 = vector.shape_cast %swap3A_235 : vector<1x4096x32xf32> to vector<4096x32xf32>
      %swap3A_237 = vector.shape_cast %transpose3A_231 : vector<4096x32xf32> to vector<1x4096x32xf32>
      tpu.vector_store %arg9[%swap3A_232, %swap3A_233, %swap3A_234], %swap3A_237 {strides = array<i32>} : memref<1x4096x32xf32, #tpu.memory_space<vmem>>, vector<1x4096x32xf32>,
      %reduce_sum3A = vector.shape_cast %squeeze3A_230 : vector<1x4096xf32> to vector<1x1x4096xf32>
      %reduce_sum3A_238 = arith.constant dense<0.000000e+00> : vector<1xf32>
      %reduce_sum3A_239 = vector.multi_reduction <add>, %reduce_sum3A, %reduce_sum3A_238 [1, 2] : vector<1x1x4096xf32> to vector<1xf32>
      %reduce_sum3A_240 = vector.shape_cast %reduce_sum3A_239 : vector<1xf32> to vector<1x1x1xf32>
      %reduce_sum3A_241 = vector.extract %reduce_sum3A_240[0, 0, 0] : f32 from vector<1x1x1xf32>
      %mul3A_242 = vector.broadcast %squeeze3A_230 : vector<1x4096xf32> to vector<32x4096xf32>
      %mul3A_243 = arith.mulf %add3A_225, %mul3A_242 : vector<32x4096xf32>
      %reduce_sum3A_244 = arith.constant dense<0.000000e+00> : vector<32xf32>
      %reduce_sum3A_245 = vector.multi_reduction <add>, %mul3A_243, %reduce_sum3A_244 [1] : vector<32x4096xf32> to vector<32xf32>
      %mul3A_246 = arith.mulf %add3A_225, %add3A_225 : vector<32x4096xf32>
      %mul3A_247 = vector.broadcast %squeeze3A_230 : vector<1x4096xf32> to vector<32x4096xf32>
      %mul3A_248 = arith.mulf %mul3A_246, %mul3A_247 : vector<32x4096xf32>
      %reduce_sum3A_249 = arith.constant dense<0.000000e+00> : vector<32xf32>
      %reduce_sum3A_250 = vector.multi_reduction <add>, %mul3A_248, %reduce_sum3A_249 [1] : vector<32x4096xf32> to vector<32xf32>
      %get3A_251 = arith.constant 0 : index
      %get3A_252 = arith.constant 0 : index
      %get3A_253 = vector.load %arg10[%get3A_251, %get3A_252] : memref<3x32xf32, #tpu.memory_space<vmem>>, vector<3x32xf32>
      %broadcast_in_dim3A_254 = vector.broadcast %reduce_sum3A_241 : f32 to vector<1x32xf32>
      %reshape3A_255 = vector.shape_cast %reduce_sum3A_245 : vector<32xf32> to vector<1x32xf32>
      %reshape3A_256 = vector.shape_cast %reduce_sum3A_250 : vector<32xf32> to vector<1x32xf32>
      %concatenate3A_257 = tpu.concatenate %broadcast_in_dim3A_254, %reshape3A_255, %reshape3A_256 in 0 : vector<1x32xf32>, vector<1x32xf32>, vector<1x32xf32> -> vector<3x32xf32>
      %add3A_258 = arith.addf %get3A_253, %concatenate3A_257 : vector<3x32xf32>
      %swap3A_259 = arith.constant 0 : index
      %swap3A_260 = arith.constant 0 : index
      %swap3A_261 = vector.load %arg10[%swap3A_259, %swap3A_260] : memref<3x32xf32, #tpu.memory_space<vmem>>, vector<3x32xf32>
      tpu.vector_store %arg10[%swap3A_259, %swap3A_260], %add3A_258 {strides = array<i32>} : memref<3x32xf32, #tpu.memory_space<vmem>>, vector<3x32xf32>,
      %eq3A_262 = arith.constant 32 : i32
      %eq3A_263 = arith.cmpi eq, %arg0, %eq3A_262 : i32
      %convert_element_type3A_264 = arith.extui %eq3A_263 : i1 to i32
      %cond3A_265 = arith.constant 0 : i32
      %cond3A_266 = arith.cmpi ne, %convert_element_type3A_264, %cond3A_265 : i32
      scf.if %cond3A_266 {
        %get3A_267 = arith.constant 0 : index
        %get3A_268 = arith.constant 0 : index
        %get3A_269 = vector.load %arg10[%get3A_267, %get3A_268] : memref<3x32xf32, #tpu.memory_space<vmem>>, vector<3x32xf32>
        %slice3A_270 = vector.extract_strided_slice %get3A_269 {offsets = [1, 0], sizes = [1, 32], strides = [1, 1]} : vector<3x32xf32> to vector<1x32xf32>
        %slice3A_271 = vector.extract_strided_slice %get3A_269 {offsets = [0, 0], sizes = [1, 32], strides = [1, 1]} : vector<3x32xf32> to vector<1x32xf32>
        %div3A_272 = arith.divf %slice3A_270, %slice3A_271 : vector<1x32xf32>
        %slice3A_273 = vector.extract_strided_slice %get3A_269 {offsets = [2, 0], sizes = [1, 32], strides = [1, 1]} : vector<3x32xf32> to vector<1x32xf32>
        %slice3A_274 = vector.extract_strided_slice %get3A_269 {offsets = [0, 0], sizes = [1, 32], strides = [1, 1]} : vector<3x32xf32> to vector<1x32xf32>
        %div3A_275 = arith.divf %slice3A_273, %slice3A_274 : vector<1x32xf32>
        %mul3A_276 = arith.mulf %div3A_272, %div3A_272 : vector<1x32xf32>
        %sub3A_277 = arith.subf %div3A_275, %mul3A_276 : vector<1x32xf32>
        %get3A_278 = arith.constant 0 : index
        %get3A_279 = arith.constant 0 : index
        %get3A_280 = vector.load %arg6[%get3A_278, %get3A_279] : memref<1x32xf32, #tpu.memory_space<vmem>>, vector<1x32xf32>
        %add3A_281 = arith.constant 1.000000e-03 : f32
        %add3A_282 = vector.broadcast %add3A_281 : f32 to vector<1x32xf32>
        %add3A_283 = arith.addf %sub3A_277, %add3A_282 : vector<1x32xf32>
        %rsqrt3A_284 = math.rsqrt %add3A_283 : vector<1x32xf32>
        %mul3A_285 = arith.mulf %get3A_280, %rsqrt3A_284 : vector<1x32xf32>
        %get3A_286 = arith.constant 0 : index
        %get3A_287 = arith.constant 0 : index
        %get3A_288 = vector.load %arg7[%get3A_286, %get3A_287] : memref<1x32xf32, #tpu.memory_space<vmem>>, vector<1x32xf32>
        %mul3A_289 = arith.mulf %div3A_272, %mul3A_285 : vector<1x32xf32>
        %sub3A_290 = arith.subf %get3A_288, %mul3A_289 : vector<1x32xf32>
        %concatenate3A_291 = tpu.concatenate %mul3A_285, %sub3A_290 in 0 : vector<1x32xf32>, vector<1x32xf32> -> vector<2x32xf32>
        %swap3A_292 = arith.constant 0 : index
        %swap3A_293 = arith.constant 0 : index
        %swap3A_294 = vector.load %arg11[%swap3A_292, %swap3A_293] : memref<2x32xf32, #tpu.memory_space<vmem>>, vector<2x32xf32>
        tpu.vector_store %arg11[%swap3A_292, %swap3A_293], %concatenate3A_291 {strides = array<i32>} : memref<2x32xf32, #tpu.memory_space<vmem>>, vector<2x32xf32>,
      } else {
      }
    } else {
    }
    return
  }
  func.func @transform_0(%arg0: i32) -> (i32, i32, i32) {
    %jit3A = arith.constant 0 : i32
    %jit3A_0 = arith.constant 31 : i32
    %max3A = arith.maxsi %jit3A, %arg0 : i32
    %min3A = arith.minsi %jit3A_0, %max3A : i32
    %c0_i32 = arith.constant 0 : i32
    %c0_i32_1 = arith.constant 0 : i32
    %c0_i32_2 = arith.constant 0 : i32
    return %min3A, %c0_i32, %c0_i32_1 : i32, i32, i32
  }
  func.func @transform_1(%arg0: i32) -> (i32, i32, i32) {
    %jit3A = arith.constant 0 : i32
    %jit3A_0 = arith.constant 31 : i32
    %max3A = arith.maxsi %jit3A, %arg0 : i32
    %min3A = arith.minsi %jit3A_0, %max3A : i32
    %c0_i32 = arith.constant 0 : i32
    %c0_i32_1 = arith.constant 0 : i32
    %c0_i32_2 = arith.constant 0 : i32
    return %min3A, %c0_i32, %c0_i32_1 : i32, i32, i32
  }
  func.func @transform_2(%arg0: i32) -> (i32, i32) {
    %c0_i32 = arith.constant 0 : i32
    %c0_i32_0 = arith.constant 0 : i32
    %c0_i32_1 = arith.constant 0 : i32
    return %c0_i32, %c0_i32_0 : i32, i32
  }
  func.func @transform_3(%arg0: i32) -> (i32, i32) {
    %c0_i32 = arith.constant 0 : i32
    %c0_i32_0 = arith.constant 0 : i32
    %c0_i32_1 = arith.constant 0 : i32
    return %c0_i32, %c0_i32_0 : i32, i32
  }
  func.func @transform_4(%arg0: i32) -> (i32, i32) {
    %c0_i32 = arith.constant 0 : i32
    %c0_i32_0 = arith.constant 0 : i32
    %c0_i32_1 = arith.constant 0 : i32
    return %c0_i32, %c0_i32_0 : i32, i32
  }
  func.func @transform_5(%arg0: i32) -> (i32, i32) {
    %c0_i32 = arith.constant 0 : i32
    %c0_i32_0 = arith.constant 0 : i32
    %c0_i32_1 = arith.constant 0 : i32
    return %c0_i32, %c0_i32_0 : i32, i32
  }
  func.func @transform_6(%arg0: i32) -> (i32, i32) {
    %c0_i32 = arith.constant 0 : i32
    %c0_i32_0 = arith.constant 0 : i32
    %c0_i32_1 = arith.constant 0 : i32
    return %c0_i32, %c0_i32_0 : i32, i32
  }
  func.func @transform_7(%arg0: i32) -> (i32, i32) {
    %c0_i32 = arith.constant 0 : i32
    %c0_i32_0 = arith.constant 0 : i32
    %c0_i32_1 = arith.constant 0 : i32
    return %c0_i32, %c0_i32_0 : i32, i32
  }
  func.func @transform_8(%arg0: i32) -> (i32, i32, i32) {
    %sub3A = arith.constant 1 : i32
    %sub3A_0 = arith.subi %arg0, %sub3A : i32
    %jit3A = arith.constant 0 : i32
    %jit3A_1 = arith.constant 31 : i32
    %max3A = arith.maxsi %jit3A, %sub3A_0 : i32
    %min3A = arith.minsi %jit3A_1, %max3A : i32
    %c0_i32 = arith.constant 0 : i32
    %c0_i32_2 = arith.constant 0 : i32
    %c0_i32_3 = arith.constant 0 : i32
    return %min3A, %c0_i32, %c0_i32_2 : i32, i32, i32
  }
  func.func @transform_9(%arg0: i32) -> (i32, i32) {
    %c0_i32 = arith.constant 0 : i32
    %c0_i32_0 = arith.constant 0 : i32
    %c0_i32_1 = arith.constant 0 : i32
    return %c0_i32, %c0_i32_0 : i32, i32
  }
  func.func @transform_10(%arg0: i32) -> (i32, i32) {
    %c0_i32 = arith.constant 0 : i32
    %c0_i32_0 = arith.constant 0 : i32
    %c0_i32_1 = arith.constant 0 : i32
    return %c0_i32, %c0_i32_0 : i32, i32
  }
}

</mosaic_0001>

<sc_bundles>
// kernel: kernel.10.cloned.1.call-start
scs
__scs_entry_jumppad:
0x0: {  	(pc) =	sbr.rel $0x88, $3  }
0x1: {  	(tag) =	ssettag $0x0;
	lr =	simm.s32 $0x1  }
0x2: {  	[smem:$0x3F8C] =	sst lr;
	_ =	strace $0xD0000000  }
0x3: {  	_ = 	snop  }
0x4: {  	_ = 	snop  }
0x5: {  	_ = 	snop  }
0x6: {  	_ = 	snop  }
0x7: {  	_ = 	snop  }
__scs_overlays_trampoline_lowered:
0x8: {  	[smem:$0x3F9B] =	sst s0  }
0x9: {  	[smem:$0x3F9C] =	sst s1  }
0xa: {  	[smem:$0x3F9D] =	sst s2  }
0xb: {  	[smem:$0x3F9E] =	sst s3  }
0xc: {  	[smem:$0x3F9F] =	sst s4  }
0xd: {  	[smem:$0x3FA0] =	sst s5  }
0xe: {  	[smem:$0x3FA1] =	sst s6  }
0xf: {  	[smem:$0x3FA2] =	sst s7  }
0x10: {  	[smem:$0x3FA3] =	sst s8  }
0x11: {  	[smem:$0x3FA4] =	sst s9;
	s0 =	simm.s32 @!p0 $0x0  }
0x12: {  	s1 =	sld [smem:$0x3F8A];
	s0 =	simm.s32 @p0 $0x1  }
0x13: {  	[smem:$0x3FA5] =	sst s0;
	s0 =	simm.s32 @!p1 $0x0  }
0x14: {  	s2 =	sld [smem:$0x3F89];
	s0 =	simm.s32 @p1 $0x1  }
0x15: {  	[smem:$0x3FA6] =	sst s0;
	s0 =	simm.s32 @!p2 $0x0  }
0x16: {  	s3 =	sld [smem:$0x3FDB];
	s0 =	simm.s32 @p2 $0x1  }
0x17: {  	s4 =	simm.s32 $0x1BF5;
	[smem:$0x3FA8] =	sst s0  }
0x18: {  	s0 =	sld [smem:$0x3F8B];
	_ =	swait.ge [sflag:s4], $0x0  }
0x19: {  	s7 =	sld [smem:$0x3F8C]  }
0x1a: {  	s8 =	sadd.s32 $0xFFFFE003, lr  }
0x1b: {  	s9 =	sadd.s32 $0xFFFFFEF7, lr;
	s5 =	simm.s32 $0xFFFFFFFF;
	p2 =	slt.u32 s8, $0xFFFFF086  }
0x1c: {  	p1 =	slt.u32 s9, $0xF7A;
	s5 =	simm.s32 @!p2 $0x0  }
0x1d: {  	s5 =	simm.s32 @p1 $0x1;
	p0 =	seq.s32 s7, s2  }
0x1e: {  	s7 =	smul.u32 @!p0 $0xF7A, s2;
	p2 =	seq.s32 @!p0 s5, $0x0  }
0x1f: {  	s9 =	smul.u32 $0xF7A, s1;
	s8 =	simm.s32 @!p0 $0x1BF5;
	p2 =	por !p2, p0  }
0x20: {  	[sflag:s8] =	ssyncset.s32 @!p0 $0xFFFFF086;
	s6 =	sadd.s32 @!p0 s3, s7;
	s7 =	simm.s32 @!p0 $0x108  }
0x21: {  	s3 =	sadd.s32 s3, s9;
	s6 =	sadd.s32 @!p0 $0x88, s6;
	s7 =	simm.s32 @p2 $0x1082  }
0x22: {  	[simem:s7], [sflag:s8] =	dma.local @!p0 [hbm:s6], $0xF7A  }
0x23: {  	s9 =	sor.u32 $0xD0000000, s2;
	s6 =	simm.s32 $0x108;
	_ =	swait.ge @!p0 [sflag:s8], $0x0  }
0x24: {  	s3 =	sadd.s32 $0x88, s3;
	s6 =	simm.s32 @!p1 $0x1082;
	[sflag:s4] =	ssyncset.s32 $0xFFFFF086  }
0x25: {  	[simem:s6], [sflag:s4] =	dma.local [hbm:s3], $0xF7A  }
0x26: {  	[smem:$0x3F8C] =	sst s1;
	(tag) =	ssettag s2;
	_ =	strace s9  }
0x27: {  	s1 =	sld [smem:$0x3F9C]  }
0x28: {  	s2 =	sld [smem:$0x3F9D]  }
0x29: {  	s4 =	sld [smem:$0x3F9F]  }
0x2a: {  	p0 =	seq.s32 s5, $0x0;
	s5 =	sld [smem:$0x3FA0]  }
0x2b: {  	s6 =	sld [smem:$0x3FA1]  }
0x2c: {  	s7 =	sld [smem:$0x3FA2]  }
0x2d: {  	s3 =	simm.s32 $0x108;
	s8 =	sld [smem:$0x3FA3]  }
0x2e: {  	s3 =	simm.s32 @!p0 $0x1082;
	s9 =	sld [smem:$0x3FA4]  }
0x2f: {  	lr =	sadd.s32 s0, s3;
	s0 =	sld [smem:$0x3F9B]  }
0x30: {  	s3 =	sld [smem:$0x3F9E]  }
0x31: {  	[smem:$0x3FA7] =	sst s10  }
0x32: {  	s10 =	sld [smem:$0x3FA5];
	_ =	sdelay $0x3  }
0x33: {  	p0 =	seq.s32 s10, $0x1;
	s10 =	sld [smem:$0x3FA7];
	_ =	sdelay $0x3  }
0x34: {  	[smem:$0x3FA7] =	sst s10  }
0x35: {  	s10 =	sld [smem:$0x3FA6];
	_ =	sdelay $0x3  }
0x36: {  	p1 =	seq.s32 s10, $0x1;
	s10 =	sld [smem:$0x3FA7];
	_ =	sdelay $0x3  }
0x37: {  	[smem:$0x3FA7] =	sst s10  }
0x38: {  	s10 =	sld [smem:$0x3FA8]  }
0x39: {  	_ = 	snop;
	(pc) =	sbr.ind lr, $3  }
0x3a: {  	_ = 	snop  }
0x3b: {  	_ = 	snop  }
0x3c: {  	p2 =	seq.s32 s10, $0x1;
	s10 =	sld [smem:$0x3FA7]  }
0x3d: {  	_ =	shalt  }
0x3e: {  	_ =	shalt  }
0x3f: {  	_ =	shalt  }
0x40: {  	_ =	shalt  }
0x41: {  	_ =	shalt  }
0x42: {  	_ =	shalt  }
0x43: {  	_ =	shalt  }
0x44: {  	_ =	shalt  }
0x45: {  	_ =	shalt  }
0x46: {  	_ =	shalt  }
0x47: {  	_ =	shalt  }
0x48: {  	_ =	shalt  }
0x49: {  	_ =	shalt  }
0x4a: {  	_ =	shalt  }
0x4b: {  	_ =	shalt  }
0x4c: {  	_ =	shalt  }
0x4d: {  	_ =	shalt  }
0x4e: {  	_ =	shalt  }
0x4f: {  	_ =	shalt  }
0x50: {  	_ =	shalt  }
0x51: {  	_ =	shalt  }
0x52: {  	_ =	shalt  }
0x53: {  	_ =	shalt  }
0x54: {  	_ =	shalt  }
0x55: {  	_ =	shalt  }
0x56: {  	_ =	shalt  }
0x57: {  	_ =	shalt  }
0x58: {  	_ =	shalt  }
0x59: {  	_ =	shalt  }
0x5a: {  	_ =	shalt  }
0x5b: {  	_ =	shalt  }
0x5c: {  	_ =	shalt  }
0x5d: {  	_ =	shalt  }
0x5e: {  	_ =	shalt  }
0x5f: {  	_ =	shalt  }
0x60: {  	_ =	shalt  }
0x61: {  	_ =	shalt  }
0x62: {  	_ =	shalt  }
0x63: {  	_ =	shalt  }
0x64: {  	_ =	shalt  }
0x65: {  	_ =	shalt  }
0x66: {  	_ =	shalt  }
0x67: {  	_ =	shalt  }
0x68: {  	_ =	shalt  }
0x69: {  	_ =	shalt  }
0x6a: {  	_ =	shalt  }
0x6b: {  	_ =	shalt  }
0x6c: {  	_ =	shalt  }
0x6d: {  	_ =	shalt  }
0x6e: {  	_ =	shalt  }
0x6f: {  	_ =	shalt  }
0x70: {  	_ =	shalt  }
0x71: {  	_ =	shalt  }
0x72: {  	_ =	shalt  }
0x73: {  	_ =	shalt  }
0x74: {  	_ =	shalt  }
0x75: {  	_ =	shalt  }
0x76: {  	_ =	shalt  }
0x77: {  	_ =	shalt  }
0x78: {  	_ =	shalt  }
0x79: {  	_ =	shalt  }
0x7a: {  	_ =	shalt  }
0x7b: {  	_ =	shalt  }
0x7c: {  	_ =	shalt  }
0x7d: {  	_ =	shalt  }
0x7e: {  	_ =	shalt  }
0x7f: {  	_ =	shalt  }
0x80: {  	_ =	shalt  }
0x81: {  	_ =	shalt  }
0x82: {  	_ =	shalt  }
0x83: {  	_ =	shalt  }
0x84: {  	_ =	shalt  }
0x85: {  	_ =	shalt  }
0x86: {  	_ =	shalt  }
0x87: {  	_ =	shalt  }
.Lfunc_end0:
.L_simem_size_0:
called_computation_lowered:
.L_overlay_start_0:
0x88: {  	s2 =	sld [smem:$0x3FD9]  }
0x89: {  	s3 =	sld [smem:$0x3FFE];
	_ =	sdelay $0x1  }
0x8a: {  	s1 =	srdreg.scid  }
0x8b: {  	s0 =	sand.u32 $0x1, s1  }
0x8c: {  	s17 =	sshll.u32 s0, $0xA;
	s2 =	sadd.s32 s3, s2  }
0x8d: {  	s2 =	sadd.s32 s2, s17  }
0x8e: {  	[smem:$0x3FB3] =	sst s2  }
0x8f: {  	_ = 	snop  }
0x90: {  	s2 =	sld [smem:$0x3FD0];
	(tm) =	ssettm $0x1  }
0x91: {  	s18 =	sld [smem:$0x3FFB];
	_ =	sdelay $0x3  }
0x92: {  	_ =	strace s18  }
0x93: {  	s3 =	sld [smem:$0x3FFC];
	_ =	sdelay $0x3  }
0x94: {  	_ =	strace s3  }
0x95: {  	s3 =	sld [smem:$0x3FFD];
	_ =	sdelay $0x3  }
0x96: {  	_ =	strace s3  }
0x97: {  	_ =	strace $0x8FFFFFFF  }
0x98: {  	s19 =	sld [smem:$0x3FDB];
	_ =	sdelay $0x1  }
0x99: {  	s4 =	simm.s32 $_scs_section_size  }
0x9a: {  	s5 =	simm.s32 $_size__tile_overlayer_lowered;
	s6 =	simm.s32 $_tile_overlayer_lowered  }
0x9b: {  	s22 =	simm.s32 $0x1BFF;
	s21 =	sshll.u32 s6, $0x1;
	s3 =	sadd.s32 s4, s19  }
0x9c: {  	s7 =	simm.s32 $0x0;
	s20 =	sshll.u32 s5, $0x1;
	s5 =	sadd.s32 s21, s3  }
0x9d: {  	[timem:s7], [sflag:s22] =	dma.local [hbm:s5], s20  }
0x9e: {  	_ =	swait.ge [sflag:s22], s20  }
0x9f: {  	s4 =	ssub.s32 $0x0, s20;
	[sflag:s22] =	ssyncset.done $0x0  }
0xa0: {  	[sflag:s22] =	ssyncadd.s32 s4;
	_ =	sdelay $0x1  }
0xa1: {  	s23 =	simm.s32 $0x1B8B  }
0xa2: {  	_ =	swait.ge [sflag:s23], $0x1  }
0xa3: {  	[sflag:s23] =	ssyncset.done $0x0  }
0xa4: {  	s25 =	simm.s32 $0x1B8E;
	s24 =	sld [smem:$0x3FFE];
	[sflag:s23] =	ssyncadd.s32 $0xFFFFFFFF  }
0xa5: {  	s26 =	simm.s32 $execute0_lowered;
	[smem:$0x3FD2] =	sst s25  }
0xa6: {  	s5 =	sshll.u32 s26, $0x1;
	_ =	strace $0x80000046;
	[dreg:$0x1] =	wrdreg $0xFFFFFFFF  }
0xa7: {  	s28 =	simm.s32 $_size_execute0_lowered;
	s3 =	sadd.s32 s3, s5;
	[dreg:$0x0] =	wrdreg $0x0  }
0xa8: {  	s5 =	sshll.u32 s28, $0x1;
	[dreg:$0x2] =	wrdreg s3  }
0xa9: {  	[dreg:$0x3] =	wrdreg s5  }
0xaa: {  	[dreg:$0x4] =	wrdreg $0xC0  }
0xab: {  	_ =	task [dreg:s7], $0x5FFFF  }
0xac: {  	[dreg:$0x1] =	wrdreg $0xFFFFFFFF  }
0xad: {  	[dreg:$0x0] =	wrdreg $0x60  }
0xae: {  	[dreg:$0x2] =	wrdreg s24  }
0xaf: {  	[dreg:$0x3] =	wrdreg s2  }
0xb0: {  	[dreg:$0x4] =	wrdreg $0x9  }
0xb1: {  	_ =	task.clear_ibuf [dreg:s7], $0x5FFFF;
	_ =	strace $0x90000046  }
0xb2: {  	s29 =	simm.s32 $0x9;
	_ =	strace $0x80000048  }
0xb3: {  	_ =	swait.ge [sflag:s29], $0x1  }
0xb4: {  	[sflag:s29] =	ssyncadd.s32 $0xFFFFFFFF  }
0xb5: {  	_ =	strace $0x90000048  }
0xb6: {  	_ =	sfence  }
0xb7: {  	s30 =	sld [smem:$0x0];
	_ =	sdelay $0x2  }
0xb8: {  	s31 =	sshll.u32 s1, $0xD;
	s1 =	sshrl.u32 s1, $0x2  }
0xb9: {  	s3 =	sand.u32 $0x4000, s31;
	s1 =	sadd.s32 s1, s30  }
0xba: {  	s0 =	sor.u32 s3, s0;
	s1 =	sshll.u32 s1, $0x11  }
0xbb: {  	s0 =	sor.u32 s1, s0  }
0xbc: {  	s0 =	sadd.s32 $0x8F2B, s0  }
0xbd: {  	[sflag:s0] =	ssyncadd.remote.s32 $0x1  }
0xbe: {  	_ =	sfence.sel $0xFFFF  }
0xbf: {  	[dreg:$0x0] =	wrdreg $0xFFFFFFFF;
	(pc) =	sbr.abs _section_cstart, $3  }
0xc0: {  	[dreg:$0x1] =	wrdreg $0xFFFFFFFF  }
0xc1: {  	_ =	task.clear_ibuf [dreg:s7], $0x2FFFF;
	_ =	strace $0x9FFFFFFF  }
0xc2: {  	(tm) =	ssettm $0x7FFFFFFF  }
0xc3: {  	_ =	shalt  }
tec
execute0_lowered:
.L_overlay_start_1:
0x0: {  	(tag) =	ssettag $0x1  }
0x1: {  	s0 =	rddreg [dreg:$0x0]  }
0x2: {  	s1 =	rddreg [dreg:$0x1];
	s3 =	simm.s32 $0x0;
	s2 =	srdreg.scid  }
0x3: {  	s8 =	stileid.u32;
	s28 =	simm.s32 $0x2800;
	s29 =	simm.s32 $0x2A00  }
0x4: {  	s30 =	simm.s32 $0x80;
	s31 =	simm.s32 $0x2000;
	s9 =	simm.s32 $0x1  }
0x5: {  	[smem:$0x7FF] =	sst s3;
	s2 =	sand.u32 $0x1, s2;
	s7 =	smul.u32 $0x1100, s8  }
0x6: {  	s5 =	sshll.u32 s8, $0xB;
	s8 =	sshll.u32 s8, $0xC;
	s4 =	smul.u32 $0x11000, s2  }
0x7: {  	s6 =	sshll.u32 s2, $0xF;
	_ =	strace $0x80000047;
	s10 =	sadd.s32 s8, s0  }
0x8: {  	s2 =	ssub.s32 $0x2, s2;
	s8 =	simm.s32 $0x4200;
	s5 =	sor.u32 s5, s6  }
0x9: {  	s11 =	sshrl.u32 s2, $0x1;
	s5 =	sshrl.u32 s5, $0x3;
	s4 =	sadd.s32 s7, s4  }
0xa: {  	s6 =	simm.s32 $0x3A00;
	s5 =	sadd.s32 s5, s0;
	s7 =	sshll.u32 s4, $0x1  }
0xb: {  	s4 =	sadd.s32 $0x16C00, s0;
	s0 =	ssub.s32 s2, s11;
	s12 =	sadd.s32 $0x2000, s7  }
0xc: {  	s0 =	smax.u32 s0, $0x1;
	s15 =	sadd.s32 s1, s7;
	s16 =	sadd.s32 $0x400, s7  }
0xd: {  	s17 =	sadd.s32 s4, s7;
	s19 =	sadd.s32 $0x800, s7;
	[dreg:$0x5] =	wrdreg s0  }
0xe: {  	s21 =	sadd.s32 $0xC00, s7;
	s23 =	sadd.s32 $0x1000, s7;
	[dreg:$0x6] =	wrdreg s15  }
0xf: {  	s24 =	sadd.s32 $0x1400, s7;
	s13 =	sadd.s32 s1, s12;
	[dreg:$0x7] =	wrdreg s17  }
0x10: {  	s25 =	sadd.s32 $0x1800, s7;
	s14 =	sadd.s32 s4, s12;
	[dreg:$0x3] =	wrdreg s13  }
0x11: {  	s26 =	sadd.s32 $0x1C00, s7;
	s18 =	sadd.s32 s1, s16;
	[dreg:$0x4] =	wrdreg s14  }
0x12: {  	s7 =	simm.s32 $0x2980;
	s0 =	sadd.s32 s4, s16;
	[dreg:$0x8] =	wrdreg s18  }
0x13: {  	s20 =	sadd.s32 s1, s19;
	s2 =	sadd.s32 s4, s19;
	[dreg:$0x9] =	wrdreg s0  }
0x14: {  	s22 =	sadd.s32 s1, s21;
	s16 =	sadd.s32 s1, s23;
	[dreg:$0xa] =	wrdreg s20  }
0x15: {  	s17 =	sadd.s32 s4, s23;
	s19 =	sadd.s32 s4, s24;
	[dreg:$0xb] =	wrdreg s2  }
0x16: {  	s23 =	sadd.s32 s4, s26;
	[dreg:$0xc] =	wrdreg s22;
	s0 =	sadd.s32 s4, s21  }
0x17: {  	s18 =	sadd.s32 s1, s24;
	s20 =	sadd.s32 s1, s25;
	s21 =	sadd.s32 s4, s25  }
0x18: {  	s22 =	sadd.s32 s1, s26;
	s24 =	sadd.s32 $0x4C00, s10;
	s25 =	sadd.s32 $0x14C00, s5  }
0x19: {  	s26 =	simm.s32 $0x2;
	s2 =	simm.s32 $0x3200;
	s5 =	simm.s32 $0x2900  }
0x1a: {  	v0 =	vimm.f32 $0.0e+00;
	v1 =	vimm.f32 $1.000000000e+00;
	s10 =	simm.s32 $0x0;
	[dreg:$0xd] =	wrdreg s0;
	s0 =	simm.s32 $0x2880  }
.LBB2_1:
0x1b: {  	s11 =	simm.s32 $0x0  }
.LBB2_2:
0x1c: {  	p0 =	sne.s32 s11, $0x7FC0  }
.Ltmp0:
0x1d: {  	_ = 	snop;
	(pc) =	sbr.rel @p0 .LBB2_2-.Ltmp0, $3  }
0x1e: {  	_ =	sdelay $0x1  }
0x1f: {  	s12 =	sshra.s32 s11, $0x2  }
0x20: {  	s11 =	sadd.s32 $0x40, s11;
	[tilespmem:s12+$0x0] =	vst v0  }
0x21: {  	s11 =	simm.s32 $0x40;
	s12 =	simm.s32 $0x0  }
.LBB2_4:
0x22: {  	p0 =	sne.s32 s11, $0x1FC0;
	[tilespmem:s12+$0x2000] =	vst v1;
	s12 =	smov.u32 s11;
	s11 =	sadd.s32 $0x40, s11  }
.Ltmp1:
0x23: {  	(pc) =	sbr.rel @p0 .LBB2_4-.Ltmp1, $2  }
0x24: {  	_ =	sdelay $0x2  }
0x25: {  	s12 =	sshra.s32 s12, $0x2  }
0x26: {  	[tilespmem:s12+$0x2000] =	vst v1;
	s11 =	simm.s32 $0x0;
	s14 =	rddreg [dreg:$0x6]  }
0x27: {  	[hbm4b:s14+s11] =	stream.linear.scatter [tilespmem:s11], [sflag:$0x2], $0x2000, $0x38;
	[tilespmem:$0x4A00] =	vst v63  }
0x28: {  	_ =	swait.ge [sflag:s26], $0x2000  }
0x29: {  	[sflag:s26] =	ssyncset.done $0x0  }
0x2a: {  	s15 =	rddreg [dreg:$0x7];
	[sflag:s26] =	ssyncadd.s32 $0xFFFFE000  }
0x2b: {  	[hbm4b:s15+s11] =	stream.linear.scatter [tilespmem:s11], [sflag:$0x2], $0x2000, $0x38;
	[tilespmem:$0x4A00] =	vst v63  }
0x2c: {  	_ =	swait.ge [sflag:s26], $0x2000  }
0x2d: {  	[sflag:s26] =	ssyncset.done $0x0  }
0x2e: {  	s13 =	rddreg [dreg:$0x8];
	[sflag:s26] =	ssyncadd.s32 $0xFFFFE000  }
0x2f: {  	[hbm4b:s13+s11] =	stream.linear.scatter [tilespmem:s11], [sflag:$0x2], $0x2000, $0x38;
	[tilespmem:$0x4A00] =	vst v63  }
0x30: {  	_ =	swait.ge [sflag:s26], $0x2000  }
0x31: {  	[sflag:s26] =	ssyncset.done $0x0  }
0x32: {  	s14 =	rddreg [dreg:$0x9];
	[sflag:s26] =	ssyncadd.s32 $0xFFFFE000  }
0x33: {  	[hbm4b:s14+s11] =	stream.linear.scatter [tilespmem:s11], [sflag:$0x2], $0x2000, $0x38;
	[tilespmem:$0x4A00] =	vst v63  }
0x34: {  	_ =	swait.ge [sflag:s26], $0x2000  }
0x35: {  	[sflag:s26] =	ssyncset.done $0x0  }
0x36: {  	s15 =	rddreg [dreg:$0xa];
	[sflag:s26] =	ssyncadd.s32 $0xFFFFE000  }
0x37: {  	[hbm4b:s15+s11] =	stream.linear.scatter [tilespmem:s11], [sflag:$0x2], $0x2000, $0x38;
	[tilespmem:$0x4A00] =	vst v63  }
0x38: {  	_ =	swait.ge [sflag:s26], $0x2000  }
0x39: {  	[sflag:s26] =	ssyncset.done $0x0  }
0x3a: {  	s13 =	rddreg [dreg:$0xb];
	[sflag:s26] =	ssyncadd.s32 $0xFFFFE000  }
0x3b: {  	[hbm4b:s13+s11] =	stream.linear.scatter [tilespmem:s11], [sflag:$0x2], $0x2000, $0x38;
	[tilespmem:$0x4A00] =	vst v63  }
0x3c: {  	_ =	swait.ge [sflag:s26], $0x2000  }
0x3d: {  	[sflag:s26] =	ssyncset.done $0x0  }
0x3e: {  	s14 =	rddreg [dreg:$0xc];
	[sflag:s26] =	ssyncadd.s32 $0xFFFFE000  }
0x3f: {  	[hbm4b:s14+s11] =	stream.linear.scatter [tilespmem:s11], [sflag:$0x2], $0x2000, $0x38;
	[tilespmem:$0x4A00] =	vst v63  }
0x40: {  	_ =	swait.ge [sflag:s26], $0x2000  }
0x41: {  	[sflag:s26] =	ssyncset.done $0x0  }
0x42: {  	s15 =	rddreg [dreg:$0xd];
	[sflag:s26] =	ssyncadd.s32 $0xFFFFE000  }
0x43: {  	[hbm4b:s15+s11] =	stream.linear.scatter [tilespmem:s11], [sflag:$0x2], $0x2000, $0x38;
	[tilespmem:$0x4A00] =	vst v63  }
0x44: {  	_ =	swait.ge [sflag:s26], $0x2000  }
0x45: {  	[sflag:s26] =	ssyncset.done $0x0  }
0x46: {  	[sflag:s26] =	ssyncadd.s32 $0xFFFFE000  }
0x47: {  	[hbm4b:s16+s11] =	stream.linear.scatter [tilespmem:s11], [sflag:$0x2], $0x2000, $0x38;
	[tilespmem:$0x4A00] =	vst v63  }
0x48: {  	_ =	swait.ge [sflag:s26], $0x2000  }
0x49: {  	[sflag:s26] =	ssyncset.done $0x0  }
0x4a: {  	[sflag:s26] =	ssyncadd.s32 $0xFFFFE000  }
0x4b: {  	[hbm4b:s17+s11] =	stream.linear.scatter [tilespmem:s11], [sflag:$0x2], $0x2000, $0x38;
	[tilespmem:$0x4A00] =	vst v63  }
0x4c: {  	_ =	swait.ge [sflag:s26], $0x2000  }
0x4d: {  	[sflag:s26] =	ssyncset.done $0x0  }
0x4e: {  	[sflag:s26] =	ssyncadd.s32 $0xFFFFE000  }
0x4f: {  	[hbm4b:s18+s11] =	stream.linear.scatter [tilespmem:s11], [sflag:$0x2], $0x2000, $0x38;
	[tilespmem:$0x4A00] =	vst v63  }
0x50: {  	_ =	swait.ge [sflag:s26], $0x2000  }
0x51: {  	[sflag:s26] =	ssyncset.done $0x0  }
0x52: {  	[sflag:s26] =	ssyncadd.s32 $0xFFFFE000  }
0x53: {  	[hbm4b:s19+s11] =	stream.linear.scatter [tilespmem:s11], [sflag:$0x2], $0x2000, $0x38;
	[tilespmem:$0x4A00] =	vst v63  }
0x54: {  	_ =	swait.ge [sflag:s26], $0x2000  }
0x55: {  	[sflag:s26] =	ssyncset.done $0x0  }
0x56: {  	[sflag:s26] =	ssyncadd.s32 $0xFFFFE000  }
0x57: {  	[hbm4b:s20+s11] =	stream.linear.scatter [tilespmem:s11], [sflag:$0x2], $0x2000, $0x38;
	[tilespmem:$0x4A00] =	vst v63  }
0x58: {  	_ =	swait.ge [sflag:s26], $0x2000  }
0x59: {  	[sflag:s26] =	ssyncset.done $0x0  }
0x5a: {  	[sflag:s26] =	ssyncadd.s32 $0xFFFFE000  }
0x5b: {  	[hbm4b:s21+s11] =	stream.linear.scatter [tilespmem:s11], [sflag:$0x2], $0x2000, $0x38;
	[tilespmem:$0x4A00] =	vst v63  }
0x5c: {  	_ =	swait.ge [sflag:s26], $0x2000  }
0x5d: {  	[sflag:s26] =	ssyncset.done $0x0  }
0x5e: {  	[sflag:s26] =	ssyncadd.s32 $0xFFFFE000  }
0x5f: {  	[hbm4b:s22+s11] =	stream.linear.scatter [tilespmem:s11], [sflag:$0x2], $0x2000, $0x38;
	[tilespmem:$0x4A00] =	vst v63  }
0x60: {  	_ =	swait.ge [sflag:s26], $0x2000  }
0x61: {  	[sflag:s26] =	ssyncset.done $0x0  }
0x62: {  	[sflag:s26] =	ssyncadd.s32 $0xFFFFE000  }
0x63: {  	[hbm4b:s23+s11] =	stream.linear.scatter [tilespmem:s11], [sflag:$0x2], $0x2000, $0x38;
	[tilespmem:$0x4A00] =	vst v63  }
0x64: {  	_ =	swait.ge [sflag:s26], $0x2000  }
0x65: {  	[sflag:s26] =	ssyncset.done $0x0  }
0x66: {  	s13 =	rddreg [dreg:$0x3];
	[sflag:s26] =	ssyncadd.s32 $0xFFFFE000  }
0x67: {  	[hbm4b:s13+s11] =	stream.linear.scatter [tilespmem:s11], [sflag:$0x2], $0x1000, $0x38;
	[tilespmem:$0x4A00] =	vst v63  }
0x68: {  	_ =	swait.ge [sflag:s26], $0x1000  }
0x69: {  	[sflag:s26] =	ssyncset.done $0x0  }
0x6a: {  	s14 =	rddreg [dreg:$0x4];
	[sflag:s26] =	ssyncadd.s32 $0xFFFFF000  }
0x6b: {  	[hbm4b:s14+s11] =	stream.linear.scatter [tilespmem:s11], [sflag:$0x2], $0x1000, $0x38;
	[tilespmem:$0x4A00] =	vst v63  }
0x6c: {  	_ =	swait.ge [sflag:s26], $0x1000  }
0x6d: {  	[sflag:s26] =	ssyncset.done $0x0  }
0x6e: {  	[sflag:s26] =	ssyncadd.s32 $0xFFFFF000  }
0x6f: {  	s15 =	sadd.s32 $0x0, s25;
	[bflag:$0x0] =	sbarrier.arrive $0xFFFF  }
0x70: {  	[tilespmem:s28], [sflag:$0x2] =	stream.linear.gather [hbm4b:s15+s3], $0x200, $0x38;
	[tilespmem:$0x4A00] =	vst v63  }
0x71: {  	_ =	swait.ge [sflag:s26], $0x200  }
0x72: {  	[sflag:s26] =	ssyncset.done $0x0  }
0x73: {  	[sflag:s26] =	ssyncadd.s32 $0xFFFFFE00  }
0x74: {  	[tilespmem:s29], [sflag:$0x2] =	stream.linear.gather [hbm4b:s24+s3], $0x2000, $0x38;
	[tilespmem:$0x4A00] =	vst v63  }
0x75: {  	_ =	swait.ge [sflag:s26], $0x2000  }
0x76: {  	[sflag:s26] =	ssyncset.done $0x0  }
0x77: {  	[sflag:s26] =	ssyncadd.s32 $0xFFFFE000  }
0x78: {  	[hbm4b:s1+s30] =	stream.indirect.scatter [tilespmem:s29], [sflag:$0x1], $0x10, s28, s30, $0xb8;
	[tilespmem:$0x4A00] =	vst v63  }
0x79: {  	_ = 	snop  }
0x7a: {  	[hbm4b:s4+s30] =	stream.indirect.scatter [tilespmem:s31], [sflag:$0x1], $0x10, s28, s30, $0xb8;
	[tilespmem:$0x4A00] =	vst v63  }
0x7b: {  	_ = 	snop  }
0x7c: {  	[hbm4b:s1+s30] =	stream.indirect.scatter [tilespmem:s2], [sflag:$0x1], $0x10, s0, s30, $0xb8;
	[tilespmem:$0x4A00] =	vst v63  }
0x7d: {  	_ = 	snop  }
0x7e: {  	[hbm4b:s4+s30] =	stream.indirect.scatter [tilespmem:s31], [sflag:$0x1], $0x10, s0, s30, $0xb8;
	[tilespmem:$0x4A00] =	vst v63  }
0x7f: {  	_ = 	snop  }
0x80: {  	[hbm4b:s1+s30] =	stream.indirect.scatter [tilespmem:s6], [sflag:$0x1], $0x10, s5, s30, $0xb8;
	[tilespmem:$0x4A00] =	vst v63  }
0x81: {  	_ = 	snop  }
0x82: {  	[hbm4b:s4+s30] =	stream.indirect.scatter [tilespmem:s31], [sflag:$0x1], $0x10, s5, s30, $0xb8;
	[tilespmem:$0x4A00] =	vst v63  }
0x83: {  	_ = 	snop  }
0x84: {  	[hbm4b:s1+s30] =	stream.indirect.scatter [tilespmem:s8], [sflag:$0x1], $0x10, s7, s30, $0xb8;
	[tilespmem:$0x4A00] =	vst v63  }
0x85: {  	_ = 	snop  }
0x86: {  	[hbm4b:s4+s30] =	stream.indirect.scatter [tilespmem:s31], [sflag:$0x1], $0x10, s7, s30, $0xb8;
	[tilespmem:$0x4A00] =	vst v63  }
0x87: {  	_ =	swait.ge [sflag:s9], $0x800  }
0x88: {  	[sflag:s9] =	ssyncset.done $0x0  }
0x89: {  	[sflag:s9] =	ssyncadd.s32 $0xFFFFF800  }
0x8a: {  	_ =	swait.ge [sflag:s9], $0x800  }
0x8b: {  	[sflag:s9] =	ssyncset.done $0x0  }
0x8c: {  	[sflag:s9] =	ssyncadd.s32 $0xFFFFF800  }
0x8d: {  	_ =	swait.ge [sflag:s9], $0x800  }
0x8e: {  	[sflag:s9] =	ssyncset.done $0x0  }
0x8f: {  	[sflag:s9] =	ssyncadd.s32 $0xFFFFF800  }
0x90: {  	_ =	swait.ge [sflag:s9], $0x800  }
0x91: {  	[sflag:s9] =	ssyncset.done $0x0  }
0x92: {  	[sflag:s9] =	ssyncadd.s32 $0xFFFFF800  }
0x93: {  	_ =	swait.ge [sflag:s9], $0x800  }
0x94: {  	[sflag:s9] =	ssyncset.done $0x0  }
0x95: {  	[sflag:s9] =	ssyncadd.s32 $0xFFFFF800  }
0x96: {  	_ =	swait.ge [sflag:s9], $0x800  }
0x97: {  	[sflag:s9] =	ssyncset.done $0x0  }
0x98: {  	[sflag:s9] =	ssyncadd.s32 $0xFFFFF800  }
0x99: {  	_ =	swait.ge [sflag:s9], $0x800  }
0x9a: {  	[sflag:s9] =	ssyncset.done $0x0  }
0x9b: {  	[sflag:s9] =	ssyncadd.s32 $0xFFFFF800  }
0x9c: {  	s12 =	simm.s32 $0x40;
	_ =	swait.ge [sflag:s9], $0x800  }
0x9d: {  	s13 =	simm.s32 $0x80;
	s11 =	sadd.s32 $0x400, s24;
	[sflag:s9] =	ssyncset.done $0x0  }
.LBB2_6:
0x9e: {  	s15 =	sadd.s32 s12, s25  }
0x9f: {  	[sflag:s9] =	ssyncadd.s32 $0xFFFFF800;
	s12 =	smov.u32 s13;
	s14 =	sadd.s32 $0x40, s13  }
0xa0: {  	[tilespmem:s28], [sflag:$0x2] =	stream.linear.gather [hbm4b:s15+s3], $0x200, $0x38;
	[tilespmem:$0x4A00] =	vst v63  }
0xa1: {  	p0 =	sne.s32 s13, $0xC0;
	_ =	swait.ge [sflag:s26], $0x200  }
0xa2: {  	[sflag:s26] =	ssyncset.done $0x0  }
0xa3: {  	[sflag:s26] =	ssyncadd.s32 $0xFFFFFE00  }
0xa4: {  	[tilespmem:s29], [sflag:$0x2] =	stream.linear.gather [hbm4b:s11+s3], $0x2000, $0x38;
	[tilespmem:$0x4A00] =	vst v63  }
0xa5: {  	_ =	swait.ge [sflag:s26], $0x2000  }
0xa6: {  	[sflag:s26] =	ssyncset.done $0x0  }
0xa7: {  	[sflag:s26] =	ssyncadd.s32 $0xFFFFE000  }
0xa8: {  	[hbm4b:s1+s30] =	stream.indirect.scatter [tilespmem:s29], [sflag:$0x1], $0x10, s28, s30, $0xb8;
	[tilespmem:$0x4A00] =	vst v63  }
0xa9: {  	_ = 	snop  }
0xaa: {  	[hbm4b:s4+s30] =	stream.indirect.scatter [tilespmem:s31], [sflag:$0x1], $0x10, s28, s30, $0xb8;
	[tilespmem:$0x4A00] =	vst v63  }
0xab: {  	_ = 	snop  }
0xac: {  	[hbm4b:s1+s30] =	stream.indirect.scatter [tilespmem:s2], [sflag:$0x1], $0x10, s0, s30, $0xb8;
	[tilespmem:$0x4A00] =	vst v63  }
0xad: {  	_ = 	snop  }
0xae: {  	[hbm4b:s4+s30] =	stream.indirect.scatter [tilespmem:s31], [sflag:$0x1], $0x10, s0, s30, $0xb8;
	[tilespmem:$0x4A00] =	vst v63  }
0xaf: {  	_ = 	snop  }
0xb0: {  	[hbm4b:s1+s30] =	stream.indirect.scatter [tilespmem:s6], [sflag:$0x1], $0x10, s5, s30, $0xb8;
	[tilespmem:$0x4A00] =	vst v63  }
0xb1: {  	_ = 	snop  }
0xb2: {  	[hbm4b:s4+s30] =	stream.indirect.scatter [tilespmem:s31], [sflag:$0x1], $0x10, s5, s30, $0xb8;
	[tilespmem:$0x4A00] =	vst v63  }
0xb3: {  	_ = 	snop  }
0xb4: {  	[hbm4b:s1+s30] =	stream.indirect.scatter [tilespmem:s8], [sflag:$0x1], $0x10, s7, s30, $0xb8;
	[tilespmem:$0x4A00] =	vst v63  }
0xb5: {  	_ = 	snop  }
0xb6: {  	[hbm4b:s4+s30] =	stream.indirect.scatter [tilespmem:s31], [sflag:$0x1], $0x10, s7, s30, $0xb8;
	[tilespmem:$0x4A00] =	vst v63  }
0xb7: {  	_ =	swait.ge [sflag:s9], $0x800  }
0xb8: {  	[sflag:s9] =	ssyncset.done $0x0  }
0xb9: {  	[sflag:s9] =	ssyncadd.s32 $0xFFFFF800  }
0xba: {  	_ =	swait.ge [sflag:s9], $0x800  }
0xbb: {  	[sflag:s9] =	ssyncset.done $0x0  }
0xbc: {  	[sflag:s9] =	ssyncadd.s32 $0xFFFFF800  }
0xbd: {  	_ =	swait.ge [sflag:s9], $0x800  }
0xbe: {  	[sflag:s9] =	ssyncset.done $0x0  }
0xbf: {  	[sflag:s9] =	ssyncadd.s32 $0xFFFFF800  }
0xc0: {  	_ =	swait.ge [sflag:s9], $0x800  }
0xc1: {  	[sflag:s9] =	ssyncset.done $0x0  }
0xc2: {  	[sflag:s9] =	ssyncadd.s32 $0xFFFFF800  }
0xc3: {  	_ =	swait.ge [sflag:s9], $0x800  }
0xc4: {  	[sflag:s9] =	ssyncset.done $0x0  }
0xc5: {  	[sflag:s9] =	ssyncadd.s32 $0xFFFFF800  }
0xc6: {  	_ =	swait.ge [sflag:s9], $0x800  }
0xc7: {  	[sflag:s9] =	ssyncset.done $0x0  }
0xc8: {  	[sflag:s9] =	ssyncadd.s32 $0xFFFFF800  }
.Ltmp2:
0xc9: {  	_ =	swait.ge [sflag:s9], $0x800;
	(pc) =	sbr.rel @p0 .LBB2_6-.Ltmp2, $4  }
0xca: {  	[sflag:s9] =	ssyncset.done $0x0  }
0xcb: {  	[sflag:s9] =	ssyncadd.s32 $0xFFFFF800  }
0xcc: {  	_ =	swait.ge [sflag:s9], $0x800  }
0xcd: {  	s13 =	smov.u32 s14;
	s11 =	sadd.s32 $0x400, s11;
	[sflag:s9] =	ssyncset.done $0x0  }
0xce: {  	s12 =	sadd.s32 s12, s25;
	[sflag:s9] =	ssyncadd.s32 $0xFFFFF800  }
0xcf: {  	[tilespmem:s28], [sflag:$0x2] =	stream.linear.gather [hbm4b:s12+s3], $0x200, $0x38;
	[tilespmem:$0x4A00] =	vst v63  }
0xd0: {  	_ =	swait.ge [sflag:s26], $0x200  }
0xd1: {  	[sflag:s26] =	ssyncset.done $0x0  }
0xd2: {  	[sflag:s26] =	ssyncadd.s32 $0xFFFFFE00  }
0xd3: {  	[tilespmem:s29], [sflag:$0x2] =	stream.linear.gather [hbm4b:s11+s3], $0x2000, $0x38;
	[tilespmem:$0x4A00] =	vst v63  }
0xd4: {  	_ =	swait.ge [sflag:s26], $0x2000  }
0xd5: {  	[sflag:s26] =	ssyncset.done $0x0  }
0xd6: {  	[sflag:s26] =	ssyncadd.s32 $0xFFFFE000  }
0xd7: {  	[hbm4b:s1+s30] =	stream.indirect.scatter [tilespmem:s29], [sflag:$0x1], $0x10, s28, s30, $0xb8;
	[tilespmem:$0x4A00] =	vst v63  }
0xd8: {  	_ = 	snop  }
0xd9: {  	[hbm4b:s4+s30] =	stream.indirect.scatter [tilespmem:s31], [sflag:$0x1], $0x10, s28, s30, $0xb8;
	[tilespmem:$0x4A00] =	vst v63  }
0xda: {  	_ = 	snop  }
0xdb: {  	[hbm4b:s1+s30] =	stream.indirect.scatter [tilespmem:s2], [sflag:$0x1], $0x10, s0, s30, $0xb8;
	[tilespmem:$0x4A00] =	vst v63  }
0xdc: {  	_ = 	snop  }
0xdd: {  	[hbm4b:s4+s30] =	stream.indirect.scatter [tilespmem:s31], [sflag:$0x1], $0x10, s0, s30, $0xb8;
	[tilespmem:$0x4A00] =	vst v63  }
0xde: {  	_ = 	snop  }
0xdf: {  	[hbm4b:s1+s30] =	stream.indirect.scatter [tilespmem:s6], [sflag:$0x1], $0x10, s5, s30, $0xb8;
	[tilespmem:$0x4A00] =	vst v63  }
0xe0: {  	_ = 	snop  }
0xe1: {  	[hbm4b:s4+s30] =	stream.indirect.scatter [tilespmem:s31], [sflag:$0x1], $0x10, s5, s30, $0xb8;
	[tilespmem:$0x4A00] =	vst v63  }
0xe2: {  	_ = 	snop  }
0xe3: {  	[hbm4b:s1+s30] =	stream.indirect.scatter [tilespmem:s8], [sflag:$0x1], $0x10, s7, s30, $0xb8;
	[tilespmem:$0x4A00] =	vst v63  }
0xe4: {  	_ = 	snop  }
0xe5: {  	[hbm4b:s4+s30] =	stream.indirect.scatter [tilespmem:s31], [sflag:$0x1], $0x10, s7, s30, $0xb8;
	[tilespmem:$0x4A00] =	vst v63  }
0xe6: {  	_ =	swait.ge [sflag:s9], $0x800  }
0xe7: {  	[sflag:s9] =	ssyncset.done $0x0  }
0xe8: {  	[sflag:s9] =	ssyncadd.s32 $0xFFFFF800  }
0xe9: {  	_ =	swait.ge [sflag:s9], $0x800  }
0xea: {  	[sflag:s9] =	ssyncset.done $0x0  }
0xeb: {  	[sflag:s9] =	ssyncadd.s32 $0xFFFFF800  }
0xec: {  	_ =	swait.ge [sflag:s9], $0x800  }
0xed: {  	[sflag:s9] =	ssyncset.done $0x0  }
0xee: {  	[sflag:s9] =	ssyncadd.s32 $0xFFFFF800  }
0xef: {  	_ =	swait.ge [sflag:s9], $0x800  }
0xf0: {  	[sflag:s9] =	ssyncset.done $0x0  }
0xf1: {  	[sflag:s9] =	ssyncadd.s32 $0xFFFFF800  }
0xf2: {  	_ =	swait.ge [sflag:s9], $0x800  }
0xf3: {  	[sflag:s9] =	ssyncset.done $0x0  }
0xf4: {  	[sflag:s9] =	ssyncadd.s32 $0xFFFFF800  }
0xf5: {  	_ =	swait.ge [sflag:s9], $0x800  }
0xf6: {  	[sflag:s9] =	ssyncset.done $0x0  }
0xf7: {  	[sflag:s9] =	ssyncadd.s32 $0xFFFFF800  }
0xf8: {  	_ =	swait.ge [sflag:s9], $0x800  }
0xf9: {  	[sflag:s9] =	ssyncset.done $0x0  }
0xfa: {  	[sflag:s9] =	ssyncadd.s32 $0xFFFFF800  }
0xfb: {  	_ =	swait.ge [sflag:s9], $0x800  }
0xfc: {  	s10 =	sadd.s32 $0x1, s10;
	s15 =	rddreg [dreg:$0x5]  }
0xfd: {  	p0 =	sne.s32 s10, s15  }
.Ltmp3:
0xfe: {  	_ = 	snop;
	(pc) =	sbr.rel @p0 .LBB2_1-.Ltmp3, $3  }
0xff: {  	_ =	sdelay $0x1  }
0x100: {  	[sflag:s9] =	ssyncset.done $0x0  }
0x101: {  	[sflag:s9] =	ssyncadd.s32 $0xFFFFF800  }
0x102: {  	_ =	sfence.sel $0x180000  }
0x103: {  	[bflag:$0x0] =	sbarrier.arrive $0xFFFF  }
0x104: {  	_ =	strace $0x90000047  }
0x105: {  	s0 =	stileid.u32;
	[bflag:$0x2] =	sbarrier.arrive $0xFFFF  }
0x106: {  	p0 =	sne.s32 s0, $0x0;
	s0 =	rddreg [dreg:$0x2]  }
0x107: {  	s0 =	sadd.s32 @!p0 $0x100000, s0  }
0x108: {  	[sflag:s0] =	ssyncadd.tile.s32 @!p0 $0x1;
	_ =	shalt  }
.Lfunc_end2:
_tile_overlayer_lowered:
.L_overlay_start_2:
0x109: {  	(tag) =	ssettag $0x2  }
0x10a: {  	s0 =	rddreg [dreg:$0x0];
	s2 =	stileid.u32  }
0x10b: {  	s1 =	rddreg [dreg:$0x1];
	p0 =	sne.s32 s2, $0x0  }
0x10c: {  	s3 =	rddreg [dreg:$0x2];
	[bflag:$0x3] =	sbarrier.arrive $0xFFFF;
	s2 =	simm.s32 @!p0 $0x1C02  }
0x10d: {  	[timem:s3], [sflag:s2] =	dma.local @!p0 [hbm:s0], s1  }
0x10e: {  	s0 =	simm.s32 @!p0 $0x2  }
0x10f: {  	_ =	swait.ge @!p0 [sflag:s0], s1  }
0x110: {  	s1 =	ssub.s32 @!p0 $0x0, s1;
	[sflag:s0] =	ssyncset.done @!p0 $0x0  }
0x111: {  	[sflag:s0] =	ssyncadd.s32 @!p0 s1  }
0x112: {  	[bflag:$0x3] =	sbarrier.arrive $0xFFFF  }
0x113: {  	_ =	shalt  }

// kernel: kernel.13.cloned.1.call-start
scs
__scs_entry_jumppad:
0x0: {  	(pc) =	sbr.rel $0x88, $3  }
0x1: {  	(tag) =	ssettag $0x0;
	lr =	simm.s32 $0x1  }
0x2: {  	[smem:$0x3F8C] =	sst lr;
	_ =	strace $0xD0000000  }
0x3: {  	_ = 	snop  }
0x4: {  	_ = 	snop  }
0x5: {  	_ = 	snop  }
0x6: {  	_ = 	snop  }
0x7: {  	_ = 	snop  }
__scs_overlays_trampoline_lowered:
0x8: {  	[smem:$0x3F9B] =	sst s0  }
0x9: {  	[smem:$0x3F9C] =	sst s1  }
0xa: {  	[smem:$0x3F9D] =	sst s2  }
0xb: {  	[smem:$0x3F9E] =	sst s3  }
0xc: {  	[smem:$0x3F9F] =	sst s4  }
0xd: {  	[smem:$0x3FA0] =	sst s5  }
0xe: {  	[smem:$0x3FA1] =	sst s6  }
0xf: {  	[smem:$0x3FA2] =	sst s7  }
0x10: {  	[smem:$0x3FA3] =	sst s8  }
0x11: {  	[smem:$0x3FA4] =	sst s9;
	s0 =	simm.s32 @!p0 $0x0  }
0x12: {  	s1 =	sld [smem:$0x3F8A];
	s0 =	simm.s32 @p0 $0x1  }
0x13: {  	[smem:$0x3FA5] =	sst s0;
	s0 =	simm.s32 @!p1 $0x0  }
0x14: {  	s2 =	sld [smem:$0x3F89];
	s0 =	simm.s32 @p1 $0x1  }
0x15: {  	[smem:$0x3FA6] =	sst s0;
	s0 =	simm.s32 @!p2 $0x0  }
0x16: {  	s3 =	sld [smem:$0x3FDB];
	s0 =	simm.s32 @p2 $0x1  }
0x17: {  	s4 =	simm.s32 $0x1BF5;
	[smem:$0x3FA8] =	sst s0  }
0x18: {  	s0 =	sld [smem:$0x3F8B];
	_ =	swait.ge [sflag:s4], $0x0  }
0x19: {  	s7 =	sld [smem:$0x3F8C]  }
0x1a: {  	s8 =	sadd.s32 $0xFFFFE003, lr  }
0x1b: {  	s9 =	sadd.s32 $0xFFFFFEF7, lr;
	s5 =	simm.s32 $0xFFFFFFFF;
	p2 =	slt.u32 s8, $0xFFFFF086  }
0x1c: {  	p1 =	slt.u32 s9, $0xF7A;
	s5 =	simm.s32 @!p2 $0x0  }
0x1d: {  	s5 =	simm.s32 @p1 $0x1;
	p0 =	seq.s32 s7, s2  }
0x1e: {  	s7 =	smul.u32 @!p0 $0xF7A, s2;
	p2 =	seq.s32 @!p0 s5, $0x0  }
0x1f: {  	s9 =	smul.u32 $0xF7A, s1;
	s8 =	simm.s32 @!p0 $0x1BF5;
	p2 =	por !p2, p0  }
0x20: {  	[sflag:s8] =	ssyncset.s32 @!p0 $0xFFFFF086;
	s6 =	sadd.s32 @!p0 s3, s7;
	s7 =	simm.s32 @!p0 $0x108  }
0x21: {  	s3 =	sadd.s32 s3, s9;
	s6 =	sadd.s32 @!p0 $0x88, s6;
	s7 =	simm.s32 @p2 $0x1082  }
0x22: {  	[simem:s7], [sflag:s8] =	dma.local @!p0 [hbm:s6], $0xF7A  }
0x23: {  	s9 =	sor.u32 $0xD0000000, s2;
	s6 =	simm.s32 $0x108;
	_ =	swait.ge @!p0 [sflag:s8], $0x0  }
0x24: {  	s3 =	sadd.s32 $0x88, s3;
	s6 =	simm.s32 @!p1 $0x1082;
	[sflag:s4] =	ssyncset.s32 $0xFFFFF086  }
0x25: {  	[simem:s6], [sflag:s4] =	dma.local [hbm:s3], $0xF7A  }
0x26: {  	[smem:$0x3F8C] =	sst s1;
	(tag) =	ssettag s2;
	_ =	strace s9  }
0x27: {  	s1 =	sld [smem:$0x3F9C]  }
0x28: {  	s2 =	sld [smem:$0x3F9D]  }
0x29: {  	s4 =	sld [smem:$0x3F9F]  }
0x2a: {  	p0 =	seq.s32 s5, $0x0;
	s5 =	sld [smem:$0x3FA0]  }
0x2b: {  	s6 =	sld [smem:$0x3FA1]  }
0x2c: {  	s7 =	sld [smem:$0x3FA2]  }
0x2d: {  	s3 =	simm.s32 $0x108;
	s8 =	sld [smem:$0x3FA3]  }
0x2e: {  	s3 =	simm.s32 @!p0 $0x1082;
	s9 =	sld [smem:$0x3FA4]  }
0x2f: {  	lr =	sadd.s32 s0, s3;
	s0 =	sld [smem:$0x3F9B]  }
0x30: {  	s3 =	sld [smem:$0x3F9E]  }
0x31: {  	[smem:$0x3FA7] =	sst s10  }
0x32: {  	s10 =	sld [smem:$0x3FA5];
	_ =	sdelay $0x3  }
0x33: {  	p0 =	seq.s32 s10, $0x1;
	s10 =	sld [smem:$0x3FA7];
	_ =	sdelay $0x3  }
0x34: {  	[smem:$0x3FA7] =	sst s10  }
0x35: {  	s10 =	sld [smem:$0x3FA6];
	_ =	sdelay $0x3  }
0x36: {  	p1 =	seq.s32 s10, $0x1;
	s10 =	sld [smem:$0x3FA7];
	_ =	sdelay $0x3  }
0x37: {  	[smem:$0x3FA7] =	sst s10  }
0x38: {  	s10 =	sld [smem:$0x3FA8]  }
0x39: {  	_ = 	snop;
	(pc) =	sbr.ind lr, $3  }
0x3a: {  	_ = 	snop  }
0x3b: {  	_ = 	snop  }
0x3c: {  	p2 =	seq.s32 s10, $0x1;
	s10 =	sld [smem:$0x3FA7]  }
0x3d: {  	_ =	shalt  }
0x3e: {  	_ =	shalt  }
0x3f: {  	_ =	shalt  }
0x40: {  	_ =	shalt  }
0x41: {  	_ =	shalt  }
0x42: {  	_ =	shalt  }
0x43: {  	_ =	shalt  }
0x44: {  	_ =	shalt  }
0x45: {  	_ =	shalt  }
0x46: {  	_ =	shalt  }
0x47: {  	_ =	shalt  }
0x48: {  	_ =	shalt  }
0x49: {  	_ =	shalt  }
0x4a: {  	_ =	shalt  }
0x4b: {  	_ =	shalt  }
0x4c: {  	_ =	shalt  }
0x4d: {  	_ =	shalt  }
0x4e: {  	_ =	shalt  }
0x4f: {  	_ =	shalt  }
0x50: {  	_ =	shalt  }
0x51: {  	_ =	shalt  }
0x52: {  	_ =	shalt  }
0x53: {  	_ =	shalt  }
0x54: {  	_ =	shalt  }
0x55: {  	_ =	shalt  }
0x56: {  	_ =	shalt  }
0x57: {  	_ =	shalt  }
0x58: {  	_ =	shalt  }
0x59: {  	_ =	shalt  }
0x5a: {  	_ =	shalt  }
0x5b: {  	_ =	shalt  }
0x5c: {  	_ =	shalt  }
0x5d: {  	_ =	shalt  }
0x5e: {  	_ =	shalt  }
0x5f: {  	_ =	shalt  }
0x60: {  	_ =	shalt  }
0x61: {  	_ =	shalt  }
0x62: {  	_ =	shalt  }
0x63: {  	_ =	shalt  }
0x64: {  	_ =	shalt  }
0x65: {  	_ =	shalt  }
0x66: {  	_ =	shalt  }
0x67: {  	_ =	shalt  }
0x68: {  	_ =	shalt  }
0x69: {  	_ =	shalt  }
0x6a: {  	_ =	shalt  }
0x6b: {  	_ =	shalt  }
0x6c: {  	_ =	shalt  }
0x6d: {  	_ =	shalt  }
0x6e: {  	_ =	shalt  }
0x6f: {  	_ =	shalt  }
0x70: {  	_ =	shalt  }
0x71: {  	_ =	shalt  }
0x72: {  	_ =	shalt  }
0x73: {  	_ =	shalt  }
0x74: {  	_ =	shalt  }
0x75: {  	_ =	shalt  }
0x76: {  	_ =	shalt  }
0x77: {  	_ =	shalt  }
0x78: {  	_ =	shalt  }
0x79: {  	_ =	shalt  }
0x7a: {  	_ =	shalt  }
0x7b: {  	_ =	shalt  }
0x7c: {  	_ =	shalt  }
0x7d: {  	_ =	shalt  }
0x7e: {  	_ =	shalt  }
0x7f: {  	_ =	shalt  }
0x80: {  	_ =	shalt  }
0x81: {  	_ =	shalt  }
0x82: {  	_ =	shalt  }
0x83: {  	_ =	shalt  }
0x84: {  	_ =	shalt  }
0x85: {  	_ =	shalt  }
0x86: {  	_ =	shalt  }
0x87: {  	_ =	shalt  }
.Lfunc_end0:
.L_simem_size_0:
called_computation.1_lowered:
.L_overlay_start_0:
0x88: {  	s2 =	sld [smem:$0x3FD9]  }
0x89: {  	s3 =	sld [smem:$0x3FFE];
	_ =	sdelay $0x1  }
0x8a: {  	s1 =	srdreg.scid  }
0x8b: {  	s0 =	sand.u32 $0x1, s1  }
0x8c: {  	s17 =	sshll.u32 s0, $0xA;
	s2 =	sadd.s32 s3, s2  }
0x8d: {  	s2 =	sadd.s32 s2, s17  }
0x8e: {  	[smem:$0x3FB3] =	sst s2  }
0x8f: {  	_ = 	snop  }
0x90: {  	s2 =	sld [smem:$0x3FD0];
	(tm) =	ssettm $0x1  }
0x91: {  	s18 =	sld [smem:$0x3FFB];
	_ =	sdelay $0x3  }
0x92: {  	_ =	strace s18  }
0x93: {  	s3 =	sld [smem:$0x3FFC];
	_ =	sdelay $0x3  }
0x94: {  	_ =	strace s3  }
0x95: {  	s3 =	sld [smem:$0x3FFD];
	_ =	sdelay $0x3  }
0x96: {  	_ =	strace s3  }
0x97: {  	_ =	strace $0x8FFFFFFF  }
0x98: {  	s19 =	sld [smem:$0x3FDB];
	_ =	sdelay $0x1  }
0x99: {  	s4 =	simm.s32 $_scs_section_size  }
0x9a: {  	s5 =	simm.s32 $_size__tile_overlayer_lowered;
	s6 =	simm.s32 $_tile_overlayer_lowered  }
0x9b: {  	s22 =	simm.s32 $0x1BFF;
	s21 =	sshll.u32 s6, $0x1;
	s3 =	sadd.s32 s4, s19  }
0x9c: {  	s7 =	simm.s32 $0x0;
	s20 =	sshll.u32 s5, $0x1;
	s5 =	sadd.s32 s21, s3  }
0x9d: {  	[timem:s7], [sflag:s22] =	dma.local [hbm:s5], s20  }
0x9e: {  	_ =	swait.ge [sflag:s22], s20  }
0x9f: {  	s4 =	ssub.s32 $0x0, s20;
	[sflag:s22] =	ssyncset.done $0x0  }
0xa0: {  	[sflag:s22] =	ssyncadd.s32 s4;
	_ =	sdelay $0x1  }
0xa1: {  	s23 =	simm.s32 $0x1B8B  }
0xa2: {  	_ =	swait.ge [sflag:s23], $0x1  }
0xa3: {  	[sflag:s23] =	ssyncset.done $0x0  }
0xa4: {  	s25 =	simm.s32 $0x1B8E;
	s24 =	sld [smem:$0x3FFE];
	[sflag:s23] =	ssyncadd.s32 $0xFFFFFFFF  }
0xa5: {  	s26 =	simm.s32 $execute0_lowered;
	[smem:$0x3FD2] =	sst s25  }
0xa6: {  	s5 =	sshll.u32 s26, $0x1;
	_ =	strace $0x80000049;
	[dreg:$0x1] =	wrdreg $0xFFFFFFFF  }
0xa7: {  	s28 =	simm.s32 $_size_execute0_lowered;
	s3 =	sadd.s32 s3, s5;
	[dreg:$0x0] =	wrdreg $0x0  }
0xa8: {  	s5 =	sshll.u32 s28, $0x1;
	[dreg:$0x2] =	wrdreg s3  }
0xa9: {  	[dreg:$0x3] =	wrdreg s5  }
0xaa: {  	[dreg:$0x4] =	wrdreg $0xC0  }
0xab: {  	_ =	task [dreg:s7], $0x5FFFF  }
0xac: {  	[dreg:$0x1] =	wrdreg $0xFFFFFFFF  }
0xad: {  	[dreg:$0x0] =	wrdreg $0x60  }
0xae: {  	[dreg:$0x2] =	wrdreg s2  }
0xaf: {  	[dreg:$0x3] =	wrdreg s24  }
0xb0: {  	[dreg:$0x4] =	wrdreg $0x9  }
0xb1: {  	_ =	task.clear_ibuf [dreg:s7], $0x5FFFF;
	_ =	strace $0x90000049  }
0xb2: {  	s29 =	simm.s32 $0x9;
	_ =	strace $0x8000004B  }
0xb3: {  	_ =	swait.ge [sflag:s29], $0x1  }
0xb4: {  	[sflag:s29] =	ssyncadd.s32 $0xFFFFFFFF  }
0xb5: {  	_ =	strace $0x9000004B  }
0xb6: {  	_ =	sfence  }
0xb7: {  	s30 =	sld [smem:$0x0];
	_ =	sdelay $0x2  }
0xb8: {  	s31 =	sshll.u32 s1, $0xD;
	s1 =	sshrl.u32 s1, $0x2  }
0xb9: {  	s3 =	sand.u32 $0x4000, s31;
	s1 =	sadd.s32 s1, s30  }
0xba: {  	s0 =	sor.u32 s3, s0;
	s1 =	sshll.u32 s1, $0x11  }
0xbb: {  	s0 =	sor.u32 s1, s0  }
0xbc: {  	s0 =	sadd.s32 $0x8F2B, s0  }
0xbd: {  	[sflag:s0] =	ssyncadd.remote.s32 $0x1  }
0xbe: {  	_ =	sfence.sel $0xFFFF  }
0xbf: {  	[dreg:$0x0] =	wrdreg $0xFFFFFFFF;
	(pc) =	sbr.abs _section_cstart, $3  }
0xc0: {  	[dreg:$0x1] =	wrdreg $0xFFFFFFFF  }
0xc1: {  	_ =	task.clear_ibuf [dreg:s7], $0x2FFFF;
	_ =	strace $0x9FFFFFFF  }
0xc2: {  	(tm) =	ssettm $0x7FFFFFFF  }
0xc3: {  	_ =	shalt  }
tec
execute0_lowered:
.L_overlay_start_1:
0x0: {  	(tag) =	ssettag $0x1  }
0x1: {  	s1 =	rddreg [dreg:$0x0]  }
0x2: {  	s7 =	rddreg [dreg:$0x1]  }
0x3: {  	s0 =	rddreg [dreg:$0x2];
	s2 =	simm.s32 $0x0;
	s3 =	srdreg.scid  }
0x4: {  	s11 =	simm.s32 $0x2;
	s12 =	simm.s32 $0x4220;
	s13 =	simm.s32 $0x80  }
0x5: {  	s14 =	simm.s32 $0x200;
	s15 =	simm.s32 $0x1200;
	s16 =	simm.s32 $0x100  }
0x6: {  	s17 =	simm.s32 $0x2200;
	s18 =	simm.s32 $0x180;
	s19 =	simm.s32 $0x3200  }
0x7: {  	s20 =	simm.s32 $0x1;
	s21 =	simm.s32 $0x0;
	[smem:$0x7FF] =	sst s2  }
0x8: {  	s8 =	sand.u32 $0x1, s3;
	s4 =	sadd.s32 $0x5AC00, s7;
	s5 =	sadd.s32 $0x4E00, s7  }
0x9: {  	s6 =	sadd.s32 $0x4C00, s7;
	s3 =	stileid.u32;
	s9 =	ssub.s32 $0x2, s8  }
0xa: {  	s7 =	sadd.s32 $0x5EC00, s7;
	_ =	strace $0x8000004A;
	s10 =	sshrl.u32 s9, $0x1  }
0xb: {  	s31 =	sshll.u32 s3, $0xD;
	s8 =	sshll.u32 s8, $0xC;
	s9 =	ssub.s32 s9, s10  }
0xc: {  	s8 =	sor.u32 s8, s31;
	s10 =	simm.s32 $0x4200;
	s9 =	smax.u32 s9, $0x1  }
.LBB2_1:
0xd: {  	[tilespmem:s10], [sflag:$0x2] =	stream.linear.gather [hbm4b:s5+s2], $0x20, $0x38;
	[tilespmem:$0x4240] =	vst v63  }
0xe: {  	_ =	swait.ge [sflag:s11], $0x20  }
0xf: {  	[sflag:s11] =	ssyncset.done $0x0  }
0x10: {  	[sflag:s11] =	ssyncadd.s32 $0xFFFFFFE0  }
0x11: {  	[tilespmem:s12], [sflag:$0x2] =	stream.linear.gather [hbm4b:s6+s2], $0x20, $0x38;
	[tilespmem:$0x4240] =	vst v63  }
0x12: {  	_ =	swait.ge [sflag:s11], $0x20  }
0x13: {  	[sflag:s11] =	ssyncset.done $0x0  }
0x14: {  	[sflag:s11] =	ssyncadd.s32 $0xFFFFFFE0  }
0x15: {  	v0 =	vld [tilespmem:$0x4200]  }
0x16: {  	v1 =	vld [tilespmem:$0x4210]  }
0x17: {  	v2 =	vld [tilespmem:$0x4220]  }
0x18: {  	s22 =	simm.s32 $0x0;
	v3 =	vld [tilespmem:$0x4230]  }
.LBB2_2:
0x19: {  	s23 =	sshll.u32 s22, $0x9  }
0x1a: {  	s23 =	sadd.s32 s8, s23  }
0x1b: {  	s24 =	sshrl.u32 s23, $0x3  }
0x1c: {  	s25 =	simm.s32 $0x0;
	s24 =	sadd.s32 s4, s24  }
0x1d: {  	[tilespmem:s25], [sflag:$0x2] =	stream.linear.gather [hbm4b:s24+s25], $0x200, $0x38;
	[tilespmem:$0x4240] =	vst v63  }
0x1e: {  	_ =	swait.ge [sflag:s11], $0x200  }
0x1f: {  	[sflag:s11] =	ssyncset.done $0x0  }
0x20: {  	[sflag:s11] =	ssyncadd.s32 $0xFFFFFE00  }
0x21: {  	[tilespmem:s14], [sflag:$0x1] =	stream.indirect.gather [hbm4b:s1+s13], $0x20, s25, s13, $0xb8;
	[tilespmem:$0x4240] =	vst v63  }
0x22: {  	_ = 	snop  }
0x23: {  	[tilespmem:s15], [sflag:$0x1] =	stream.indirect.gather [hbm4b:s1+s13], $0x20, s13, s13, $0xb8;
	[tilespmem:$0x4240] =	vst v63  }
0x24: {  	_ = 	snop  }
0x25: {  	[tilespmem:s17], [sflag:$0x1] =	stream.indirect.gather [hbm4b:s1+s13], $0x20, s16, s13, $0xb8;
	[tilespmem:$0x4240] =	vst v63  }
0x26: {  	_ = 	snop  }
0x27: {  	[tilespmem:s19], [sflag:$0x1] =	stream.indirect.gather [hbm4b:s1+s13], $0x20, s18, s13, $0xb8;
	[tilespmem:$0x4240] =	vst v63  }
0x28: {  	_ =	swait.ge [sflag:s20], $0x1000  }
0x29: {  	[sflag:s20] =	ssyncset.done $0x0  }
0x2a: {  	[sflag:s20] =	ssyncadd.s32 $0xFFFFF000  }
0x2b: {  	_ =	swait.ge [sflag:s20], $0x1000  }
0x2c: {  	[sflag:s20] =	ssyncset.done $0x0  }
0x2d: {  	[sflag:s20] =	ssyncadd.s32 $0xFFFFF000  }
0x2e: {  	_ =	swait.ge [sflag:s20], $0x1000  }
0x2f: {  	[sflag:s20] =	ssyncset.done $0x0  }
0x30: {  	[sflag:s20] =	ssyncadd.s32 $0xFFFFF000  }
0x31: {  	_ =	swait.ge [sflag:s20], $0x1000  }
0x32: {  	[sflag:s20] =	ssyncset.done $0x0  }
0x33: {  	s24 =	simm.s32 $0x0;
	[sflag:s20] =	ssyncadd.s32 $0xFFFFF000  }
0x34: {  	s25 =	simm.s32 $0x80;
	v4 =	vld [tilespmem:s24+$0x200]  }
.LBB2_3:
0x35: {  	p0 =	sne.s32 s25, $0xFF80;
	v5 =	vld [tilespmem:s24+$0x210];
	_ =	sdelay $0x3  }
0x36: {  	v4 =	vmul.f32 v4, v0  }
0x37: {  	v5 =	vmul.f32 v5, v1  }
.Ltmp0:
0x38: {  	v4 =	vadd.f32 v4, v2;
	(pc) =	sbr.rel @p0 .LBB2_3-.Ltmp0, $4  }
0x39: {  	v5 =	vadd.f32 v5, v3  }
0x3a: {  	v4 =	vmax.f32 v4, $0.0e+00  }
0x3b: {  	s26 =	sshra.s32 s25, $0x2;
	[tilespmem:s24+$0x200] =	vst v4;
	v5 =	vmax.f32 v5, $0.0e+00  }
0x3c: {  	s25 =	sadd.s32 $0x80, s25;
	v4 =	vld [tilespmem:s26+$0x200];
	[tilespmem:s24+$0x210] =	vst v5;
	s24 =	smov.u32 s26  }
0x3d: {  	v5 =	vld [tilespmem:s24+$0x210];
	_ =	sdelay $0x3  }
0x3e: {  	v4 =	vmul.f32 v4, v0  }
0x3f: {  	v5 =	vmul.f32 v5, v1  }
0x40: {  	v4 =	vadd.f32 v4, v2  }
0x41: {  	v5 =	vadd.f32 v5, v3  }
0x42: {  	s22 =	sadd.s32 $0x1, s22;
	v4 =	vmax.f32 v4, $0.0e+00  }
0x43: {  	s23 =	sshll.u32 s23, $0x2;
	p0 =	sne.s32 s22, $0x8;
	[tilespmem:s24+$0x200] =	vst v4;
	v4 =	vmax.f32 v5, $0.0e+00  }
.Ltmp1:
0x44: {  	s23 =	sadd.s32 s7, s23;
	[tilespmem:s24+$0x210] =	vst v4;
	(pc) =	sbr.rel @p0 .LBB2_2-.Ltmp1, $4  }
0x45: {  	[hbm4b:s23+s2] =	stream.linear.scatter [tilespmem:s14], [sflag:$0x2], $0x4000, $0x38;
	[tilespmem:$0x4240] =	vst v63  }
0x46: {  	_ =	swait.ge [sflag:s11], $0x4000  }
0x47: {  	[sflag:s11] =	ssyncset.done $0x0  }
0x48: {  	[sflag:s11] =	ssyncadd.s32 $0xFFFFC000  }
0x49: {  	s21 =	sadd.s32 $0x1, s21  }
0x4a: {  	p0 =	sne.s32 s21, s9  }
.Ltmp2:
0x4b: {  	_ = 	snop;
	(pc) =	sbr.rel @p0 .LBB2_1-.Ltmp2, $1  }
0x4c: {  	_ =	sdelay $0x3  }
0x4d: {  	_ =	sfence.sel $0x180000  }
0x4e: {  	[bflag:$0x0] =	sbarrier.arrive $0xFFFF  }
0x4f: {  	p0 =	sne.s32 s3, $0x0;
	_ =	strace $0x9000004A  }
0x50: {  	s0 =	sadd.s32 @!p0 $0x100000, s0;
	[bflag:$0x2] =	sbarrier.arrive $0xFFFF  }
0x51: {  	[sflag:s0] =	ssyncadd.tile.s32 @!p0 $0x1;
	_ =	shalt  }
.Lfunc_end2:
_tile_overlayer_lowered:
.L_overlay_start_2:
0x52: {  	(tag) =	ssettag $0x2  }
0x53: {  	s0 =	rddreg [dreg:$0x0];
	s2 =	stileid.u32  }
0x54: {  	s1 =	rddreg [dreg:$0x1];
	p0 =	sne.s32 s2, $0x0  }
0x55: {  	s3 =	rddreg [dreg:$0x2];
	[bflag:$0x3] =	sbarrier.arrive $0xFFFF;
	s2 =	simm.s32 @!p0 $0x1C02  }
0x56: {  	[timem:s3], [sflag:s2] =	dma.local @!p0 [hbm:s0], s1  }
0x57: {  	s0 =	simm.s32 @!p0 $0x2  }
0x58: {  	_ =	swait.ge @!p0 [sflag:s0], s1  }
0x59: {  	s1 =	ssub.s32 @!p0 $0x0, s1;
	[sflag:s0] =	ssyncset.done @!p0 $0x0  }
0x5a: {  	[sflag:s0] =	ssyncadd.s32 @!p0 s1  }
0x5b: {  	[bflag:$0x3] =	sbarrier.arrive $0xFFFF  }
0x5c: {  	_ =	shalt  }

</sc_bundles>
